<compile_context>
chip_gen: v7x
topology: tpu7x:2x2x1
jax: 0.10.2.dev20260603
libtpu: 0.0.44.dev20260713+nightly
codegen_flags: <defaults>
</compile_context>

<pallas_src>
import functools

import jax
import jax.numpy as jnp
from jax import lax
from jax.experimental import pallas as pl
from jax.experimental.pallas import tpu as pltpu
from jax.experimental.pallas import tpu_sc as plsc

N_NODES = 10000
N_EDGES = 320000
D = 128
NP = 10240
NPP = NP + 8
K = 128
EP = 327680
RPC = EP // K
CH1 = RPC // 32
CH2 = RPC // 16
SB = 40
BN = 1280
BN2 = 400
NB = NP // BN

_mesh = plsc.VectorSubcoreMesh(core_axis_name="c", subcore_axis_name="s")


def _agg_sweep(n_chunks, srow0, drow0, src_hbm, dst_hbm, tab_hbm,
               src_v, dst_v, rows_v, acc_sh, s0, s1, c0, c1,
               ones_v, cnt_sh):
    def block(t, carry):
        pltpu.sync_copy(src_hbm.at[pl.ds(srow0 + t * SB, SB)], src_v)
        pltpu.sync_copy(dst_hbm.at[pl.ds(drow0 + t * SB, SB)], dst_v)

        def step(u, carry2):
            for j in range(2):
                b = u * 4 + j * 2

                def wait_scatter(buf, sem, bb=b):
                    pltpu.make_async_copy(
                        rows_v.at[buf], acc_sh.at[dst_v.at[bb]], sem).wait()

                if j == 0:
                    @pl.when(u > 0)
                    def _():
                        wait_scatter(0, c0)
                else:
                    wait_scatter(0, c0)
                h0 = pltpu.async_copy(
                    tab_hbm.at[src_v.at[b]], rows_v.at[0], s0)
                if j == 0:
                    @pl.when(u > 0)
                    def _():
                        wait_scatter(1, c1)
                else:
                    wait_scatter(1, c1)
                h1 = pltpu.async_copy(
                    tab_hbm.at[src_v.at[b + 1]], rows_v.at[1], s1)
                h0.wait()
                pltpu.async_copy(rows_v.at[0], acc_sh.at[dst_v.at[b]], c0,
                                 add=True)
                if cnt_sh is not None:
                    @pl.when(drow0 + t * SB + b < N_EDGES // K)
                    def _():
                        pltpu.sync_copy(ones_v.at[pl.ds(0, K)],
                                        cnt_sh.at[dst_v.at[b]], add=True)
                h1.wait()
                pltpu.async_copy(rows_v.at[1], acc_sh.at[dst_v.at[b + 1]],
                                 c1, add=True)
                if cnt_sh is not None:
                    @pl.when(drow0 + t * SB + b + 1 < N_EDGES // K)
                    def _():
                        pltpu.sync_copy(ones_v.at[pl.ds(0, K)],
                                        cnt_sh.at[dst_v.at[b + 1]], add=True)
            return carry2

        lax.fori_loop(0, SB // 4, step, 0)
        pltpu.make_async_copy(rows_v.at[0], acc_sh.at[dst_v.at[0]], c0).wait()
        pltpu.make_async_copy(rows_v.at[1], acc_sh.at[dst_v.at[1]], c1).wait()
        return carry

    lax.fori_loop(0, n_chunks // SB, block, 0)


@functools.partial(
    pl.kernel,
    out_type=(jax.ShapeDtypeStruct((2, NP, D), jnp.float32),
              jax.ShapeDtypeStruct((2 * NP,), jnp.float32)),
    mesh=_mesh,
    scratch_types=[
        pltpu.VMEM((SB, K), jnp.int32),
        pltpu.VMEM((SB, K), jnp.int32),
        pltpu.VMEM((2, K, D), jnp.float32),
        pltpu.VMEM((656,), jnp.float32),
        pltpu.VMEM_SHARED((NPP, D), jnp.float32),
        pltpu.VMEM_SHARED((NPP,), jnp.float32),
        pltpu.SemaphoreType.DMA,
        pltpu.SemaphoreType.DMA,
        pltpu.SemaphoreType.DMA,
        pltpu.SemaphoreType.DMA,
    ],
)
def _sc_agg1(src_hbm, dst_hbm, x_hbm, zr_hbm, acc_out, cnt_out,
             src_v, dst_v, rows_v, obuf_v, acc_sh, cnt_sh, s0, s1, c0, c1):
    c = lax.axis_index("c")
    s = lax.axis_index("s")
    for i in range(41):
        obuf_v[pl.ds(i * 16, 16)] = jnp.zeros((16,), jnp.float32)

    @pl.when(s == 15)
    def _():
        pltpu.sync_copy(zr_hbm, acc_sh.at[pl.ds(9600, 648)])
        pltpu.sync_copy(obuf_v.at[pl.ds(0, 648)], cnt_sh.at[pl.ds(9600, 648)])

    @pl.when(s != 15)
    def _():
        pltpu.sync_copy(zr_hbm.at[pl.ds(0, 640)],
                        acc_sh.at[pl.ds(s * 640, 640)])
        pltpu.sync_copy(obuf_v.at[pl.ds(0, 640)],
                        cnt_sh.at[pl.ds(s * 640, 640)])

    for i in range(K // 16):
        obuf_v[pl.ds(i * 16, 16)] = jnp.full((16,), 1.0, jnp.float32)
    plsc.subcore_barrier()
    wrow = (c * 16 + s) * CH1
    _agg_sweep(CH1, wrow, wrow, src_hbm, dst_hbm, x_hbm,
               src_v, dst_v, rows_v, acc_sh, s0, s1, c0, c1, obuf_v, cnt_sh)
    plsc.subcore_barrier()
    pltpu.sync_copy(acc_sh.at[pl.ds(s * 640, 640)],
                    acc_out.at[c, pl.ds(s * 640, 640)])
    pltpu.sync_copy(cnt_sh.at[pl.ds(s * 640, 640)], obuf_v.at[pl.ds(0, 640)])
    pltpu.sync_copy(obuf_v.at[pl.ds(0, 640)],
                    cnt_out.at[pl.ds(c * NP + s * 640, 640)])


@functools.partial(
    pl.kernel,
    out_type=jax.ShapeDtypeStruct((2, NP, D), jnp.float32),
    mesh=_mesh,
    scratch_types=[
        pltpu.VMEM((SB, K), jnp.int32),
        pltpu.VMEM((SB, K), jnp.int32),
        pltpu.VMEM((2, K, D), jnp.float32),
        pltpu.VMEM_SHARED((NPP, D), jnp.float32),
        pltpu.SemaphoreType.DMA,
        pltpu.SemaphoreType.DMA,
        pltpu.SemaphoreType.DMA,
        pltpu.SemaphoreType.DMA,
    ],
)
def _sc_agg2(src_hbm, dst_hbm, h_hbm, zr_hbm, acc_out,
             src_v, dst_v, rows_v, acc_sh, s0, s1, c0, c1):
    c = lax.axis_index("c")
    s = lax.axis_index("s")

    @pl.when(s == 15)
    def _():
        pltpu.sync_copy(zr_hbm, acc_sh.at[pl.ds(9600, 648)])

    @pl.when(s != 15)
    def _():
        pltpu.sync_copy(zr_hbm.at[pl.ds(0, 640)],
                        acc_sh.at[pl.ds(s * 640, 640)])

    plsc.subcore_barrier()
    _agg_sweep(CH2, c * RPC + s * CH2, s * CH2, src_hbm, dst_hbm, h_hbm,
               src_v, dst_v, rows_v, acc_sh, s0, s1, c0, c1, None, None)
    plsc.subcore_barrier()
    pltpu.sync_copy(acc_sh.at[pl.ds(s * 640, 640)],
                    acc_out.at[c, pl.ds(s * 640, 640)])


def _tc1_body(cnt_ref, acc_ref, x_ref, wl_ref, wr_ref, b_ref, out_ref):
    cnt = cnt_ref[0] + cnt_ref[1]
    recip = 1.0 / jnp.maximum(cnt, 1.0)
    mean = (acc_ref[0] + acc_ref[1]) * recip
    t = jnp.dot(mean, wl_ref[...], preferred_element_type=jnp.float32)
    t = t + jnp.dot(x_ref[...], wr_ref[...], preferred_element_type=jnp.float32)
    t = jnp.maximum(t + b_ref[...], 0.0)
    out_ref[0] = t[:, :D]
    out_ref[1] = t[:, D:]


def _tc2_body(cnt_ref, acc_ref, h_ref, wl_ref, wr_ref, b_ref, out_ref):
    cnt = cnt_ref[0] + cnt_ref[1]
    recip = 1.0 / jnp.maximum(cnt, 1.0)
    mean = jnp.concatenate([acc_ref[0] * recip, acc_ref[1] * recip], axis=1)
    h = jnp.concatenate([h_ref[0], h_ref[1]], axis=1)
    t = jnp.dot(mean, wl_ref[...], preferred_element_type=jnp.float32)
    t = t + jnp.dot(h, wr_ref[...], preferred_element_type=jnp.float32)
    out_ref[...] = t + b_ref[...]


def kernel(x, edge_index, W1_l, b1, W1_r, W2_l, b2, W2_r):
    src = edge_index[0].astype(jnp.int32)
    dst = edge_index[1].astype(jnp.int32)
    pad = EP - N_EDGES
    ar = jnp.arange(pad, dtype=jnp.int32)
    src_p = jnp.concatenate([src, N_NODES + ar % (NP - N_NODES)])
    dst_p = jnp.concatenate([dst, (ar * 13) % NP])
    src2d = src_p.reshape(RPC, K)
    dst2d = dst_p.reshape(RPC, K)
    srco = jnp.concatenate([src_p, src_p + NP]).reshape(2 * RPC, K)
    zr = jnp.zeros((648, D), jnp.float32)
    xp = jnp.pad(x, ((0, NP - N_NODES), (0, 0)))

    acc1, cnt1 = _sc_agg1(src2d, dst2d, xp, zr)
    cnt3 = cnt1.reshape(2, NP, 1)

    hcat = pl.pallas_call(
        _tc1_body,
        grid=(NB,),
        in_specs=[
            pl.BlockSpec((2, BN, 1), lambda r: (0, r, 0)),
            pl.BlockSpec((2, BN, D), lambda r: (0, r, 0)),
            pl.BlockSpec((BN, D), lambda r: (r, 0)),
            pl.BlockSpec((D, 2 * D), lambda r: (0, 0)),
            pl.BlockSpec((D, 2 * D), lambda r: (0, 0)),
            pl.BlockSpec((1, 2 * D), lambda r: (0, 0)),
        ],
        out_specs=pl.BlockSpec((2, BN, D), lambda r: (0, r, 0)),
        out_shape=jax.ShapeDtypeStruct((2, NP, D), jnp.float32),
    )(cnt3, acc1, xp, W1_l, W1_r, b1.reshape(1, 2 * D))

    acc2 = _sc_agg2(srco, dst2d, hcat.reshape(2 * NP, D), zr)

    out = pl.pallas_call(
        _tc2_body,
        grid=(N_NODES // BN2,),
        in_specs=[
            pl.BlockSpec((2, BN2, 1), lambda r: (0, r, 0)),
            pl.BlockSpec((2, BN2, D), lambda r: (0, r, 0)),
            pl.BlockSpec((2, BN2, D), lambda r: (0, r, 0)),
            pl.BlockSpec((2 * D, 2 * D), lambda r: (0, 0)),
            pl.BlockSpec((2 * D, 2 * D), lambda r: (0, 0)),
            pl.BlockSpec((1, 2 * D), lambda r: (0, 0)),
        ],
        out_specs=pl.BlockSpec((BN2, 2 * D), lambda r: (r, 0)),
        out_shape=jax.ShapeDtypeStruct((N_NODES, 2 * D), jnp.float32),
    )(cnt3, acc2, hcat, W2_l, W2_r, b2.reshape(1, 2 * D))

    return out

# --- scband reference (transcript-rebuilt; emitter-appended) ---
"""Pipeline reference for scband-gnn-171798692585 (READ-ONLY COPY).

The authoritative reference and input builder live on the scoring server;
editing this copy changes nothing except your own understanding.
"""

import jax, jax.numpy as jnp
import numpy as np

N_NODES = 10000
N_EDGES = 320000
D_IN = 128
D_HID = 256
D_OUT = 256


def setup_inputs(seed: int = 0) -> dict:
    key = jax.random.key(seed)
    ks = jax.random.split(key, 10)
    x = jax.random.normal(ks[0], (N_NODES, D_IN), dtype=jnp.float32)
    edge_index = jax.random.randint(ks[1], (2, N_EDGES), 0, N_NODES, dtype=jnp.int64)
    # SAGEConv layer 1: lin_l acts on aggregated neighbors, lin_r on root nodes
    s1 = 1.0 / np.sqrt(D_IN)
    W1_l = jax.random.uniform(ks[2], (D_IN, D_HID), minval=-s1, maxval=s1, dtype=jnp.float32)
    b1 = jnp.zeros((D_HID,), dtype=jnp.float32)
    W1_r = jax.random.uniform(ks[3], (D_IN, D_HID), minval=-s1, maxval=s1, dtype=jnp.float32)
    # SAGEConv layer 2
    s2 = 1.0 / np.sqrt(D_HID)
    W2_l = jax.random.uniform(ks[4], (D_HID, D_OUT), minval=-s2, maxval=s2, dtype=jnp.float32)
    b2 = jnp.zeros((D_OUT,), dtype=jnp.float32)
    W2_r = jax.random.uniform(ks[5], (D_HID, D_OUT), minval=-s2, maxval=s2, dtype=jnp.float32)
    return {"x": x, "edge_index": edge_index, "W1_l": W1_l, "b1": b1, "W1_r": W1_r,
            "W2_l": W2_l, "b2": b2, "W2_r": W2_r}


def _sage_conv(x, src, dst, W_l, b, W_r, num_nodes):
    # message: gather source node features along each edge
    msgs = jnp.take(x, src, axis=0)
    # mean aggregation over incoming edges at dst
    summed = jax.ops.segment_sum(msgs, dst, num_segments=num_nodes)
    counts = jax.ops.segment_sum(jnp.ones((src.shape[0], 1), dtype=x.dtype), dst, num_segments=num_nodes)
    mean = summed / jnp.maximum(counts, 1.0)
    return mean @ W_l + b + x @ W_r


def reference(x, edge_index, W1_l, b1, W1_r, W2_l, b2, W2_r):
    src = edge_index[0]
    dst = edge_index[1]
    n = x.shape[0]
    h = _sage_conv(x, src, dst, W1_l, b1, W1_r, n)
    h = jax.nn.relu(h)
    out = _sage_conv(h, src, dst, W2_l, b2, W2_r, n)
    return out

if __name__ == "__main__":
    import jax
    _d = setup_inputs()
    print(jax.jit(kernel)(*tuple(_d.values())))

</pallas_src>

<mosaic_0001>
#map = affine_map<(d0, d1) -> (0, 0)>
#map1 = affine_map<(d0, d1) -> (0, 0, 0)>
module attributes {stable_mosaic.version = 14 : i64} {
  func.func @_sc_agg2(%arg0: i32, %arg1: i32, %arg2: memref<5120x128xi32, #tpu.memory_space<hbm>>, %arg3: memref<2560x128xi32, #tpu.memory_space<hbm>>, %arg4: memref<20480x128xf32, #tpu.memory_space<hbm>>, %arg5: memref<648x128xf32, #tpu.memory_space<hbm>>, %arg6: memref<2x10240x128xf32, #tpu.memory_space<hbm>>, %arg7: memref<40x128xi32, #tpu.memory_space<vmem>>, %arg8: memref<40x128xi32, #tpu.memory_space<vmem>>, %arg9: memref<2x128x128xf32, #tpu.memory_space<vmem>>, %arg10: memref<10248x128xf32, #tpu.memory_space<vmem_shared>>, %arg11: memref<!tpu.dma_semaphore, #tpu.memory_space<semaphore_mem>>, %arg12: memref<!tpu.dma_semaphore, #tpu.memory_space<semaphore_mem>>, %arg13: memref<!tpu.dma_semaphore, #tpu.memory_space<semaphore_mem>>, %arg14: memref<!tpu.dma_semaphore, #tpu.memory_space<semaphore_mem>>) attributes {dimension_semantics = [#tpu.dimension_semantics<core_parallel>, #tpu.dimension_semantics<subcore_parallel>], iteration_bounds = array<i64: 2, 16>, scalar_prefetch = 0 : i64, scratch_operands = 8 : i64, tpu.core_type = #tpu.core_type<sc_vector_subcore>, window_params = [{transform_indices = #map}, {transform_indices = #map}, {transform_indices = #map}, {transform_indices = #map}, {transform_indices = #map1}]} {
    %eq3A = arith.constant 15 : i32
    %eq3A_0 = arith.cmpi eq, %arg1, %eq3A : i32
    %convert_element_type3A = arith.extui %eq3A_0 : i1 to i32
    %cond3A = arith.constant 0 : i32
    %cond3A_1 = arith.cmpi ne, %convert_element_type3A, %cond3A : i32
    scf.if %cond3A_1 {
      "tpu.region"() ({
        %run_scoped3A = tpu.sem_alloc : memref<!tpu.dma_semaphore, #tpu.memory_space<semaphore_mem>>
        %dma_start3A = arith.constant 9600 : i32
        %dma_start3A_21 = arith.constant 0 : i32
        %dma_start3A_22 = tpu.memref_slice %arg10[%dma_start3A, %dma_start3A_21] : memref<10248x128xf32, #tpu.memory_space<vmem_shared>> -> memref<648x128xf32, #tpu.memory_space<vmem_shared>>
        tpu.enqueue_dma source(%arg5 : memref<648x128xf32, #tpu.memory_space<hbm>>) target(%dma_start3A_22 : memref<648x128xf32, #tpu.memory_space<vmem_shared>>) target_semaphore(%run_scoped3A : memref<!tpu.dma_semaphore, #tpu.memory_space<semaphore_mem>>)
        %dma_wait3A = arith.constant 9600 : i32
        %dma_wait3A_23 = arith.constant 0 : i32
        %dma_wait3A_24 = tpu.memref_slice %arg10[%dma_wait3A, %dma_wait3A_23] : memref<10248x128xf32, #tpu.memory_space<vmem_shared>> -> memref<648x128xf32, #tpu.memory_space<vmem_shared>>
        tpu.wait_dma2 semaphore(%run_scoped3A : memref<!tpu.dma_semaphore, #tpu.memory_space<semaphore_mem>>) src(%arg5 : memref<648x128xf32, #tpu.memory_space<hbm>>) dst(%dma_wait3A_24 : memref<648x128xf32, #tpu.memory_space<vmem_shared>>)
        tpu.yield
      }) : () -> ()
    } else {
    }
    %ne3A = arith.constant 15 : i32
    %ne3A_2 = arith.cmpi ne, %arg1, %ne3A : i32
    %convert_element_type3A_3 = arith.extui %ne3A_2 : i1 to i32
    %cond3A_4 = arith.constant 0 : i32
    %cond3A_5 = arith.cmpi ne, %convert_element_type3A_3, %cond3A_4 : i32
    scf.if %cond3A_5 {
      %mul3A_21 = arith.constant 640 : i32
      %mul3A_22 = arith.muli %arg1, %mul3A_21 : i32
      "tpu.region"() ({
        %run_scoped3A = tpu.sem_alloc : memref<!tpu.dma_semaphore, #tpu.memory_space<semaphore_mem>>
        %dma_start3A = arith.constant 0 : i32
        %dma_start3A_23 = tpu.memref_slice %arg10[%mul3A_22, %dma_start3A] : memref<10248x128xf32, #tpu.memory_space<vmem_shared>> -> memref<640x128xf32, #tpu.memory_space<vmem_shared>>
        %dma_start3A_24 = arith.constant 0 : i32
        %dma_start3A_25 = arith.constant 0 : i32
        %dma_start3A_26 = tpu.memref_slice %arg5[%dma_start3A_24, %dma_start3A_25] : memref<648x128xf32, #tpu.memory_space<hbm>> -> memref<640x128xf32, #tpu.memory_space<hbm>>
        tpu.enqueue_dma source(%dma_start3A_26 : memref<640x128xf32, #tpu.memory_space<hbm>>) target(%dma_start3A_23 : memref<640x128xf32, #tpu.memory_space<vmem_shared>>) target_semaphore(%run_scoped3A : memref<!tpu.dma_semaphore, #tpu.memory_space<semaphore_mem>>)
        %dma_wait3A = arith.constant 0 : i32
        %dma_wait3A_27 = tpu.memref_slice %arg10[%mul3A_22, %dma_wait3A] : memref<10248x128xf32, #tpu.memory_space<vmem_shared>> -> memref<640x128xf32, #tpu.memory_space<vmem_shared>>
        %dma_wait3A_28 = arith.constant 0 : i32
        %dma_wait3A_29 = arith.constant 0 : i32
        %dma_wait3A_30 = tpu.memref_slice %arg5[%dma_wait3A_28, %dma_wait3A_29] : memref<648x128xf32, #tpu.memory_space<hbm>> -> memref<640x128xf32, #tpu.memory_space<hbm>>
        tpu.wait_dma2 semaphore(%run_scoped3A : memref<!tpu.dma_semaphore, #tpu.memory_space<semaphore_mem>>) src(%dma_wait3A_30 : memref<640x128xf32, #tpu.memory_space<hbm>>) dst(%dma_wait3A_27 : memref<640x128xf32, #tpu.memory_space<vmem_shared>>)
        tpu.yield
      }) : () -> ()
    } else {
    }
    %barrier3A = arith.constant 0 : index
    tpu.barrier barrier_id(%barrier3A)
    %mul3A = arith.constant 2560 : i32
    %mul3A_6 = arith.muli %arg0, %mul3A : i32
    %mul3A_7 = arith.constant 160 : i32
    %mul3A_8 = arith.muli %arg1, %mul3A_7 : i32
    %add3A = arith.addi %mul3A_6, %mul3A_8 : i32
    %mul3A_9 = arith.constant 160 : i32
    %mul3A_10 = arith.muli %arg1, %mul3A_9 : i32
    %scan3A = arith.constant 0 : i32
    %scan3A_11 = arith.constant 0 : i32
    %scan3A_12 = arith.constant 4 : i32
    %scan3A_13 = arith.addi %scan3A_11, %scan3A_12 : i32
    %scan3A_14 = arith.constant 1 : i32
    scf.for %scan3A_21 = %scan3A_11 to %scan3A_13 step %scan3A_14  : i32 {
      %mul3A_22 = arith.constant 40 : i32
      %mul3A_23 = arith.muli %scan3A_21, %mul3A_22 : i32
      %add3A_24 = arith.addi %add3A, %mul3A_23 : i32
      "tpu.region"() ({
        %run_scoped3A = tpu.sem_alloc : memref<!tpu.dma_semaphore, #tpu.memory_space<semaphore_mem>>
        %dma_start3A = arith.constant 0 : i32
        %dma_start3A_57 = tpu.memref_slice %arg2[%add3A_24, %dma_start3A] : memref<5120x128xi32, #tpu.memory_space<hbm>> -> memref<40x128xi32, #tpu.memory_space<hbm>>
        %dma_start3A_58 = arith.constant 0 : i32
        %dma_start3A_59 = tpu.memref_slice %arg2[%add3A_24, %dma_start3A_58] : memref<5120x128xi32, #tpu.memory_space<hbm>> -> memref<40x128xi32, #tpu.memory_space<hbm>>
        tpu.enqueue_dma source(%dma_start3A_59 : memref<40x128xi32, #tpu.memory_space<hbm>>) target(%arg7 : memref<40x128xi32, #tpu.memory_space<vmem>>) target_semaphore(%run_scoped3A : memref<!tpu.dma_semaphore, #tpu.memory_space<semaphore_mem>>)
        %dma_wait3A_60 = arith.constant 0 : i32
        %dma_wait3A_61 = tpu.memref_slice %arg2[%add3A_24, %dma_wait3A_60] : memref<5120x128xi32, #tpu.memory_space<hbm>> -> memref<40x128xi32, #tpu.memory_space<hbm>>
        %dma_wait3A_62 = arith.constant 0 : i32
        %dma_wait3A_63 = tpu.memref_slice %arg2[%add3A_24, %dma_wait3A_62] : memref<5120x128xi32, #tpu.memory_space<hbm>> -> memref<40x128xi32, #tpu.memory_space<hbm>>
        tpu.wait_dma2 semaphore(%run_scoped3A : memref<!tpu.dma_semaphore, #tpu.memory_space<semaphore_mem>>) src(%dma_wait3A_63 : memref<40x128xi32, #tpu.memory_space<hbm>>) dst(%arg7 : memref<40x128xi32, #tpu.memory_space<vmem>>)
        tpu.yield
      }) : () -> ()
      %mul3A_25 = arith.constant 40 : i32
      %mul3A_26 = arith.muli %scan3A_21, %mul3A_25 : i32
      %add3A_27 = arith.addi %mul3A_10, %mul3A_26 : i32
      "tpu.region"() ({
        %run_scoped3A = tpu.sem_alloc : memref<!tpu.dma_semaphore, #tpu.memory_space<semaphore_mem>>
        %dma_start3A = arith.constant 0 : i32
        %dma_start3A_57 = tpu.memref_slice %arg3[%add3A_27, %dma_start3A] : memref<2560x128xi32, #tpu.memory_space<hbm>> -> memref<40x128xi32, #tpu.memory_space<hbm>>
        %dma_start3A_58 = arith.constant 0 : i32
        %dma_start3A_59 = tpu.memref_slice %arg3[%add3A_27, %dma_start3A_58] : memref<2560x128xi32, #tpu.memory_space<hbm>> -> memref<40x128xi32, #tpu.memory_space<hbm>>
        tpu.enqueue_dma source(%dma_start3A_59 : memref<40x128xi32, #tpu.memory_space<hbm>>) target(%arg8 : memref<40x128xi32, #tpu.memory_space<vmem>>) target_semaphore(%run_scoped3A : memref<!tpu.dma_semaphore, #tpu.memory_space<semaphore_mem>>)
        %dma_wait3A_60 = arith.constant 0 : i32
        %dma_wait3A_61 = tpu.memref_slice %arg3[%add3A_27, %dma_wait3A_60] : memref<2560x128xi32, #tpu.memory_space<hbm>> -> memref<40x128xi32, #tpu.memory_space<hbm>>
        %dma_wait3A_62 = arith.constant 0 : i32
        %dma_wait3A_63 = tpu.memref_slice %arg3[%add3A_27, %dma_wait3A_62] : memref<2560x128xi32, #tpu.memory_space<hbm>> -> memref<40x128xi32, #tpu.memory_space<hbm>>
        tpu.wait_dma2 semaphore(%run_scoped3A : memref<!tpu.dma_semaphore, #tpu.memory_space<semaphore_mem>>) src(%dma_wait3A_63 : memref<40x128xi32, #tpu.memory_space<hbm>>) dst(%arg8 : memref<40x128xi32, #tpu.memory_space<vmem>>)
        tpu.yield
      }) : () -> ()
      %scan3A_28 = arith.constant 0 : i32
      %scan3A_29 = arith.constant 0 : i32
      %scan3A_30 = arith.constant 10 : i32
      %scan3A_31 = arith.addi %scan3A_29, %scan3A_30 : i32
      %scan3A_32 = arith.constant 1 : i32
      scf.for %scan3A_57 = %scan3A_29 to %scan3A_31 step %scan3A_32  : i32 {
        %mul3A_58 = arith.constant 4 : i32
        %mul3A_59 = arith.muli %scan3A_57, %mul3A_58 : i32
        %add3A_60 = arith.constant 0 : i32
        %add3A_61 = arith.addi %mul3A_59, %add3A_60 : i32
        %gt3A = arith.constant 0 : i32
        %gt3A_62 = arith.cmpi sgt, %scan3A_57, %gt3A : i32
        %convert_element_type3A_63 = arith.extui %gt3A_62 : i1 to i32
        %cond3A_64 = arith.constant 0 : i32
        %cond3A_65 = arith.cmpi ne, %convert_element_type3A_63, %cond3A_64 : i32
        scf.if %cond3A_65 {
          %dma_wait3A_236 = arith.constant 0 : i32
          %dma_wait3A_237 = arith.constant 0 : i32
          %dma_wait3A_238 = arith.constant 0 : i32
          %dma_wait3A_239 = tpu.memref_slice %arg9[%dma_wait3A_236, %dma_wait3A_237, %dma_wait3A_238] : memref<2x128x128xf32, #tpu.memory_space<vmem>> -> memref<1x128x128xf32, #tpu.memory_space<vmem>>
          %dma_wait3A_240 = tpu.memref_squeeze %dma_wait3A_239 : memref<1x128x128xf32, #tpu.memory_space<vmem>> -> memref<128x128xf32, #tpu.memory_space<vmem>>
          %dma_wait3A_241 = arith.constant 0 : i32
          %dma_wait3A_242 = tpu.memref_slice %arg8[%add3A_61, %dma_wait3A_241] : memref<40x128xi32, #tpu.memory_space<vmem>> -> memref<1x128xi32, #tpu.memory_space<vmem>>
          %dma_wait3A_243 = tpu.memref_squeeze %dma_wait3A_242 : memref<1x128xi32, #tpu.memory_space<vmem>> -> memref<128xi32, #tpu.memory_space<vmem>>
          %dma_wait3A_244 = arith.constant 0 : i32
          %dma_wait3A_245 = arith.constant 0 : i32
          %dma_wait3A_246 = tpu.memref_slice %arg10[%dma_wait3A_244, %dma_wait3A_245] : memref<10248x128xf32, #tpu.memory_space<vmem_shared>> -> memref<10248x128xf32, #tpu.memory_space<vmem_shared>>
          tpu.wait_indirect_dma semaphore(%arg13 : memref<!tpu.dma_semaphore, #tpu.memory_space<semaphore_mem>>) src(%dma_wait3A_240 : memref<128x128xf32, #tpu.memory_space<vmem>>) dst(%dma_wait3A_246 : memref<10248x128xf32, #tpu.memory_space<vmem_shared>>)
        } else {
        }
        %dma_start3A = arith.constant 0 : i32
        %dma_start3A_66 = arith.constant 0 : i32
        %dma_start3A_67 = arith.constant 0 : i32
        %dma_start3A_68 = tpu.memref_slice %arg9[%dma_start3A, %dma_start3A_66, %dma_start3A_67] : memref<2x128x128xf32, #tpu.memory_space<vmem>> -> memref<1x128x128xf32, #tpu.memory_space<vmem>>
        %dma_start3A_69 = tpu.memref_squeeze %dma_start3A_68 : memref<1x128x128xf32, #tpu.memory_space<vmem>> -> memref<128x128xf32, #tpu.memory_space<vmem>>
        %dma_start3A_70 = arith.constant 0 : i32
        %dma_start3A_71 = tpu.memref_slice %arg7[%add3A_61, %dma_start3A_70] : memref<40x128xi32, #tpu.memory_space<vmem>> -> memref<1x128xi32, #tpu.memory_space<vmem>>
        %dma_start3A_72 = tpu.memref_squeeze %dma_start3A_71 : memref<1x128xi32, #tpu.memory_space<vmem>> -> memref<128xi32, #tpu.memory_space<vmem>>
        %dma_start3A_73 = arith.constant 0 : i32
        %dma_start3A_74 = arith.constant 0 : i32
        %dma_start3A_75 = tpu.memref_slice %arg4[%dma_start3A_73, %dma_start3A_74] : memref<20480x128xf32, #tpu.memory_space<hbm>> -> memref<20480x128xf32, #tpu.memory_space<hbm>>
        tpu.enqueue_indirect_dma source(%dma_start3A_75 : memref<20480x128xf32, #tpu.memory_space<hbm>>) target(%dma_start3A_69 : memref<128x128xf32, #tpu.memory_space<vmem>>) offsets(%dma_start3A_72 : memref<128xi32, #tpu.memory_space<vmem>>) semaphore(%arg11 : memref<!tpu.dma_semaphore, #tpu.memory_space<semaphore_mem>>)
        %gt3A_76 = arith.constant 0 : i32
        %gt3A_77 = arith.cmpi sgt, %scan3A_57, %gt3A_76 : i32
        %convert_element_type3A_78 = arith.extui %gt3A_77 : i1 to i32
        %cond3A_79 = arith.constant 0 : i32
        %cond3A_80 = arith.cmpi ne, %convert_element_type3A_78, %cond3A_79 : i32
        scf.if %cond3A_80 {
          %dma_wait3A_236 = arith.constant 1 : i32
          %dma_wait3A_237 = arith.constant 0 : i32
          %dma_wait3A_238 = arith.constant 0 : i32
          %dma_wait3A_239 = tpu.memref_slice %arg9[%dma_wait3A_236, %dma_wait3A_237, %dma_wait3A_238] : memref<2x128x128xf32, #tpu.memory_space<vmem>> -> memref<1x128x128xf32, #tpu.memory_space<vmem>>
          %dma_wait3A_240 = tpu.memref_squeeze %dma_wait3A_239 : memref<1x128x128xf32, #tpu.memory_space<vmem>> -> memref<128x128xf32, #tpu.memory_space<vmem>>
          %dma_wait3A_241 = arith.constant 0 : i32
          %dma_wait3A_242 = tpu.memref_slice %arg8[%add3A_61, %dma_wait3A_241] : memref<40x128xi32, #tpu.memory_space<vmem>> -> memref<1x128xi32, #tpu.memory_space<vmem>>
          %dma_wait3A_243 = tpu.memref_squeeze %dma_wait3A_242 : memref<1x128xi32, #tpu.memory_space<vmem>> -> memref<128xi32, #tpu.memory_space<vmem>>
          %dma_wait3A_244 = arith.constant 0 : i32
          %dma_wait3A_245 = arith.constant 0 : i32
          %dma_wait3A_246 = tpu.memref_slice %arg10[%dma_wait3A_244, %dma_wait3A_245] : memref<10248x128xf32, #tpu.memory_space<vmem_shared>> -> memref<10248x128xf32, #tpu.memory_space<vmem_shared>>
          tpu.wait_indirect_dma semaphore(%arg14 : memref<!tpu.dma_semaphore, #tpu.memory_space<semaphore_mem>>) src(%dma_wait3A_240 : memref<128x128xf32, #tpu.memory_space<vmem>>) dst(%dma_wait3A_246 : memref<10248x128xf32, #tpu.memory_space<vmem_shared>>)
        } else {
        }
        %add3A_81 = arith.constant 1 : i32
        %add3A_82 = arith.addi %add3A_61, %add3A_81 : i32
        %dma_start3A_83 = arith.constant 1 : i32
        %dma_start3A_84 = arith.constant 0 : i32
        %dma_start3A_85 = arith.constant 0 : i32
        %dma_start3A_86 = tpu.memref_slice %arg9[%dma_start3A_83, %dma_start3A_84, %dma_start3A_85] : memref<2x128x128xf32, #tpu.memory_space<vmem>> -> memref<1x128x128xf32, #tpu.memory_space<vmem>>
        %dma_start3A_87 = tpu.memref_squeeze %dma_start3A_86 : memref<1x128x128xf32, #tpu.memory_space<vmem>> -> memref<128x128xf32, #tpu.memory_space<vmem>>
        %dma_start3A_88 = arith.constant 0 : i32
        %dma_start3A_89 = tpu.memref_slice %arg7[%add3A_82, %dma_start3A_88] : memref<40x128xi32, #tpu.memory_space<vmem>> -> memref<1x128xi32, #tpu.memory_space<vmem>>
        %dma_start3A_90 = tpu.memref_squeeze %dma_start3A_89 : memref<1x128xi32, #tpu.memory_space<vmem>> -> memref<128xi32, #tpu.memory_space<vmem>>
        %dma_start3A_91 = arith.constant 0 : i32
        %dma_start3A_92 = arith.constant 0 : i32
        %dma_start3A_93 = tpu.memref_slice %arg4[%dma_start3A_91, %dma_start3A_92] : memref<20480x128xf32, #tpu.memory_space<hbm>> -> memref<20480x128xf32, #tpu.memory_space<hbm>>
        tpu.enqueue_indirect_dma source(%dma_start3A_93 : memref<20480x128xf32, #tpu.memory_space<hbm>>) target(%dma_start3A_87 : memref<128x128xf32, #tpu.memory_space<vmem>>) offsets(%dma_start3A_90 : memref<128xi32, #tpu.memory_space<vmem>>) semaphore(%arg12 : memref<!tpu.dma_semaphore, #tpu.memory_space<semaphore_mem>>)
        %dma_wait3A_94 = arith.constant 0 : i32
        %dma_wait3A_95 = arith.constant 0 : i32
        %dma_wait3A_96 = arith.constant 0 : i32
        %dma_wait3A_97 = tpu.memref_slice %arg9[%dma_wait3A_94, %dma_wait3A_95, %dma_wait3A_96] : memref<2x128x128xf32, #tpu.memory_space<vmem>> -> memref<1x128x128xf32, #tpu.memory_space<vmem>>
        %dma_wait3A_98 = tpu.memref_squeeze %dma_wait3A_97 : memref<1x128x128xf32, #tpu.memory_space<vmem>> -> memref<128x128xf32, #tpu.memory_space<vmem>>
        %dma_wait3A_99 = arith.constant 0 : i32
        %dma_wait3A_100 = tpu.memref_slice %arg7[%add3A_61, %dma_wait3A_99] : memref<40x128xi32, #tpu.memory_space<vmem>> -> memref<1x128xi32, #tpu.memory_space<vmem>>
        %dma_wait3A_101 = tpu.memref_squeeze %dma_wait3A_100 : memref<1x128xi32, #tpu.memory_space<vmem>> -> memref<128xi32, #tpu.memory_space<vmem>>
        %dma_wait3A_102 = arith.constant 0 : i32
        %dma_wait3A_103 = arith.constant 0 : i32
        %dma_wait3A_104 = tpu.memref_slice %arg4[%dma_wait3A_102, %dma_wait3A_103] : memref<20480x128xf32, #tpu.memory_space<hbm>> -> memref<20480x128xf32, #tpu.memory_space<hbm>>
        tpu.wait_indirect_dma semaphore(%arg11 : memref<!tpu.dma_semaphore, #tpu.memory_space<semaphore_mem>>) src(%dma_wait3A_104 : memref<20480x128xf32, #tpu.memory_space<hbm>>) dst(%dma_wait3A_98 : memref<128x128xf32, #tpu.memory_space<vmem>>)
        %dma_start3A_105 = arith.constant 0 : i32
        %dma_start3A_106 = arith.constant 0 : i32
        %dma_start3A_107 = arith.constant 0 : i32
        %dma_start3A_108 = tpu.memref_slice %arg9[%dma_start3A_105, %dma_start3A_106, %dma_start3A_107] : memref<2x128x128xf32, #tpu.memory_space<vmem>> -> memref<1x128x128xf32, #tpu.memory_space<vmem>>
        %dma_start3A_109 = tpu.memref_squeeze %dma_start3A_108 : memref<1x128x128xf32, #tpu.memory_space<vmem>> -> memref<128x128xf32, #tpu.memory_space<vmem>>
        %dma_start3A_110 = arith.constant 0 : i32
        %dma_start3A_111 = tpu.memref_slice %arg8[%add3A_61, %dma_start3A_110] : memref<40x128xi32, #tpu.memory_space<vmem>> -> memref<1x128xi32, #tpu.memory_space<vmem>>
        %dma_start3A_112 = tpu.memref_squeeze %dma_start3A_111 : memref<1x128xi32, #tpu.memory_space<vmem>> -> memref<128xi32, #tpu.memory_space<vmem>>
        %dma_start3A_113 = arith.constant 0 : i32
        %dma_start3A_114 = arith.constant 0 : i32
        %dma_start3A_115 = tpu.memref_slice %arg10[%dma_start3A_113, %dma_start3A_114] : memref<10248x128xf32, #tpu.memory_space<vmem_shared>> -> memref<10248x128xf32, #tpu.memory_space<vmem_shared>>
        tpu.enqueue_indirect_dma source(%dma_start3A_109 : memref<128x128xf32, #tpu.memory_space<vmem>>) target(%dma_start3A_115 : memref<10248x128xf32, #tpu.memory_space<vmem_shared>>) offsets(%dma_start3A_112 : memref<128xi32, #tpu.memory_space<vmem>>) semaphore(%arg13 : memref<!tpu.dma_semaphore, #tpu.memory_space<semaphore_mem>>) {add = true}
        %dma_wait3A_116 = arith.constant 1 : i32
        %dma_wait3A_117 = arith.constant 0 : i32
        %dma_wait3A_118 = arith.constant 0 : i32
        %dma_wait3A_119 = tpu.memref_slice %arg9[%dma_wait3A_116, %dma_wait3A_117, %dma_wait3A_118] : memref<2x128x128xf32, #tpu.memory_space<vmem>> -> memref<1x128x128xf32, #tpu.memory_space<vmem>>
        %dma_wait3A_120 = tpu.memref_squeeze %dma_wait3A_119 : memref<1x128x128xf32, #tpu.memory_space<vmem>> -> memref<128x128xf32, #tpu.memory_space<vmem>>
        %dma_wait3A_121 = arith.constant 0 : i32
        %dma_wait3A_122 = tpu.memref_slice %arg7[%add3A_82, %dma_wait3A_121] : memref<40x128xi32, #tpu.memory_space<vmem>> -> memref<1x128xi32, #tpu.memory_space<vmem>>
        %dma_wait3A_123 = tpu.memref_squeeze %dma_wait3A_122 : memref<1x128xi32, #tpu.memory_space<vmem>> -> memref<128xi32, #tpu.memory_space<vmem>>
        %dma_wait3A_124 = arith.constant 0 : i32
        %dma_wait3A_125 = arith.constant 0 : i32
        %dma_wait3A_126 = tpu.memref_slice %arg4[%dma_wait3A_124, %dma_wait3A_125] : memref<20480x128xf32, #tpu.memory_space<hbm>> -> memref<20480x128xf32, #tpu.memory_space<hbm>>
        tpu.wait_indirect_dma semaphore(%arg12 : memref<!tpu.dma_semaphore, #tpu.memory_space<semaphore_mem>>) src(%dma_wait3A_126 : memref<20480x128xf32, #tpu.memory_space<hbm>>) dst(%dma_wait3A_120 : memref<128x128xf32, #tpu.memory_space<vmem>>)
        %add3A_127 = arith.constant 1 : i32
        %add3A_128 = arith.addi %add3A_61, %add3A_127 : i32
        %dma_start3A_129 = arith.constant 1 : i32
        %dma_start3A_130 = arith.constant 0 : i32
        %dma_start3A_131 = arith.constant 0 : i32
        %dma_start3A_132 = tpu.memref_slice %arg9[%dma_start3A_129, %dma_start3A_130, %dma_start3A_131] : memref<2x128x128xf32, #tpu.memory_space<vmem>> -> memref<1x128x128xf32, #tpu.memory_space<vmem>>
        %dma_start3A_133 = tpu.memref_squeeze %dma_start3A_132 : memref<1x128x128xf32, #tpu.memory_space<vmem>> -> memref<128x128xf32, #tpu.memory_space<vmem>>
        %dma_start3A_134 = arith.constant 0 : i32
        %dma_start3A_135 = tpu.memref_slice %arg8[%add3A_128, %dma_start3A_134] : memref<40x128xi32, #tpu.memory_space<vmem>> -> memref<1x128xi32, #tpu.memory_space<vmem>>
        %dma_start3A_136 = tpu.memref_squeeze %dma_start3A_135 : memref<1x128xi32, #tpu.memory_space<vmem>> -> memref<128xi32, #tpu.memory_space<vmem>>
        %dma_start3A_137 = arith.constant 0 : i32
        %dma_start3A_138 = arith.constant 0 : i32
        %dma_start3A_139 = tpu.memref_slice %arg10[%dma_start3A_137, %dma_start3A_138] : memref<10248x128xf32, #tpu.memory_space<vmem_shared>> -> memref<10248x128xf32, #tpu.memory_space<vmem_shared>>
        tpu.enqueue_indirect_dma source(%dma_start3A_133 : memref<128x128xf32, #tpu.memory_space<vmem>>) target(%dma_start3A_139 : memref<10248x128xf32, #tpu.memory_space<vmem_shared>>) offsets(%dma_start3A_136 : memref<128xi32, #tpu.memory_space<vmem>>) semaphore(%arg14 : memref<!tpu.dma_semaphore, #tpu.memory_space<semaphore_mem>>) {add = true}
        %mul3A_140 = arith.constant 4 : i32
        %mul3A_141 = arith.muli %scan3A_57, %mul3A_140 : i32
        %add3A_142 = arith.constant 2 : i32
        %add3A_143 = arith.addi %mul3A_141, %add3A_142 : i32
        %dma_wait3A_144 = arith.constant 0 : i32
        %dma_wait3A_145 = arith.constant 0 : i32
        %dma_wait3A_146 = arith.constant 0 : i32
        %dma_wait3A_147 = tpu.memref_slice %arg9[%dma_wait3A_144, %dma_wait3A_145, %dma_wait3A_146] : memref<2x128x128xf32, #tpu.memory_space<vmem>> -> memref<1x128x128xf32, #tpu.memory_space<vmem>>
        %dma_wait3A_148 = tpu.memref_squeeze %dma_wait3A_147 : memref<1x128x128xf32, #tpu.memory_space<vmem>> -> memref<128x128xf32, #tpu.memory_space<vmem>>
        %dma_wait3A_149 = arith.constant 0 : i32
        %dma_wait3A_150 = tpu.memref_slice %arg8[%add3A_143, %dma_wait3A_149] : memref<40x128xi32, #tpu.memory_space<vmem>> -> memref<1x128xi32, #tpu.memory_space<vmem>>
        %dma_wait3A_151 = tpu.memref_squeeze %dma_wait3A_150 : memref<1x128xi32, #tpu.memory_space<vmem>> -> memref<128xi32, #tpu.memory_space<vmem>>
        %dma_wait3A_152 = arith.constant 0 : i32
        %dma_wait3A_153 = arith.constant 0 : i32
        %dma_wait3A_154 = tpu.memref_slice %arg10[%dma_wait3A_152, %dma_wait3A_153] : memref<10248x128xf32, #tpu.memory_space<vmem_shared>> -> memref<10248x128xf32, #tpu.memory_space<vmem_shared>>
        tpu.wait_indirect_dma semaphore(%arg13 : memref<!tpu.dma_semaphore, #tpu.memory_space<semaphore_mem>>) src(%dma_wait3A_148 : memref<128x128xf32, #tpu.memory_space<vmem>>) dst(%dma_wait3A_154 : memref<10248x128xf32, #tpu.memory_space<vmem_shared>>)
        %dma_start3A_155 = arith.constant 0 : i32
        %dma_start3A_156 = arith.constant 0 : i32
        %dma_start3A_157 = arith.constant 0 : i32
        %dma_start3A_158 = tpu.memref_slice %arg9[%dma_start3A_155, %dma_start3A_156, %dma_start3A_157] : memref<2x128x128xf32, #tpu.memory_space<vmem>> -> memref<1x128x128xf32, #tpu.memory_space<vmem>>
        %dma_start3A_159 = tpu.memref_squeeze %dma_start3A_158 : memref<1x128x128xf32, #tpu.memory_space<vmem>> -> memref<128x128xf32, #tpu.memory_space<vmem>>
        %dma_start3A_160 = arith.constant 0 : i32
        %dma_start3A_161 = tpu.memref_slice %arg7[%add3A_143, %dma_start3A_160] : memref<40x128xi32, #tpu.memory_space<vmem>> -> memref<1x128xi32, #tpu.memory_space<vmem>>
        %dma_start3A_162 = tpu.memref_squeeze %dma_start3A_161 : memref<1x128xi32, #tpu.memory_space<vmem>> -> memref<128xi32, #tpu.memory_space<vmem>>
        %dma_start3A_163 = arith.constant 0 : i32
        %dma_start3A_164 = arith.constant 0 : i32
        %dma_start3A_165 = tpu.memref_slice %arg4[%dma_start3A_163, %dma_start3A_164] : memref<20480x128xf32, #tpu.memory_space<hbm>> -> memref<20480x128xf32, #tpu.memory_space<hbm>>
        tpu.enqueue_indirect_dma source(%dma_start3A_165 : memref<20480x128xf32, #tpu.memory_space<hbm>>) target(%dma_start3A_159 : memref<128x128xf32, #tpu.memory_space<vmem>>) offsets(%dma_start3A_162 : memref<128xi32, #tpu.memory_space<vmem>>) semaphore(%arg11 : memref<!tpu.dma_semaphore, #tpu.memory_space<semaphore_mem>>)
        %dma_wait3A_166 = arith.constant 1 : i32
        %dma_wait3A_167 = arith.constant 0 : i32
        %dma_wait3A_168 = arith.constant 0 : i32
        %dma_wait3A_169 = tpu.memref_slice %arg9[%dma_wait3A_166, %dma_wait3A_167, %dma_wait3A_168] : memref<2x128x128xf32, #tpu.memory_space<vmem>> -> memref<1x128x128xf32, #tpu.memory_space<vmem>>
        %dma_wait3A_170 = tpu.memref_squeeze %dma_wait3A_169 : memref<1x128x128xf32, #tpu.memory_space<vmem>> -> memref<128x128xf32, #tpu.memory_space<vmem>>
        %dma_wait3A_171 = arith.constant 0 : i32
        %dma_wait3A_172 = tpu.memref_slice %arg8[%add3A_143, %dma_wait3A_171] : memref<40x128xi32, #tpu.memory_space<vmem>> -> memref<1x128xi32, #tpu.memory_space<vmem>>
        %dma_wait3A_173 = tpu.memref_squeeze %dma_wait3A_172 : memref<1x128xi32, #tpu.memory_space<vmem>> -> memref<128xi32, #tpu.memory_space<vmem>>
        %dma_wait3A_174 = arith.constant 0 : i32
        %dma_wait3A_175 = arith.constant 0 : i32
        %dma_wait3A_176 = tpu.memref_slice %arg10[%dma_wait3A_174, %dma_wait3A_175] : memref<10248x128xf32, #tpu.memory_space<vmem_shared>> -> memref<10248x128xf32, #tpu.memory_space<vmem_shared>>
        tpu.wait_indirect_dma semaphore(%arg14 : memref<!tpu.dma_semaphore, #tpu.memory_space<semaphore_mem>>) src(%dma_wait3A_170 : memref<128x128xf32, #tpu.memory_space<vmem>>) dst(%dma_wait3A_176 : memref<10248x128xf32, #tpu.memory_space<vmem_shared>>)
        %add3A_177 = arith.constant 1 : i32
        %add3A_178 = arith.addi %add3A_143, %add3A_177 : i32
        %dma_start3A_179 = arith.constant 1 : i32
        %dma_start3A_180 = arith.constant 0 : i32
        %dma_start3A_181 = arith.constant 0 : i32
        %dma_start3A_182 = tpu.memref_slice %arg9[%dma_start3A_179, %dma_start3A_180, %dma_start3A_181] : memref<2x128x128xf32, #tpu.memory_space<vmem>> -> memref<1x128x128xf32, #tpu.memory_space<vmem>>
        %dma_start3A_183 = tpu.memref_squeeze %dma_start3A_182 : memref<1x128x128xf32, #tpu.memory_space<vmem>> -> memref<128x128xf32, #tpu.memory_space<vmem>>
        %dma_start3A_184 = arith.constant 0 : i32
        %dma_start3A_185 = tpu.memref_slice %arg7[%add3A_178, %dma_start3A_184] : memref<40x128xi32, #tpu.memory_space<vmem>> -> memref<1x128xi32, #tpu.memory_space<vmem>>
        %dma_start3A_186 = tpu.memref_squeeze %dma_start3A_185 : memref<1x128xi32, #tpu.memory_space<vmem>> -> memref<128xi32, #tpu.memory_space<vmem>>
        %dma_start3A_187 = arith.constant 0 : i32
        %dma_start3A_188 = arith.constant 0 : i32
        %dma_start3A_189 = tpu.memref_slice %arg4[%dma_start3A_187, %dma_start3A_188] : memref<20480x128xf32, #tpu.memory_space<hbm>> -> memref<20480x128xf32, #tpu.memory_space<hbm>>
        tpu.enqueue_indirect_dma source(%dma_start3A_189 : memref<20480x128xf32, #tpu.memory_space<hbm>>) target(%dma_start3A_183 : memref<128x128xf32, #tpu.memory_space<vmem>>) offsets(%dma_start3A_186 : memref<128xi32, #tpu.memory_space<vmem>>) semaphore(%arg12 : memref<!tpu.dma_semaphore, #tpu.memory_space<semaphore_mem>>)
        %dma_wait3A_190 = arith.constant 0 : i32
        %dma_wait3A_191 = arith.constant 0 : i32
        %dma_wait3A_192 = arith.constant 0 : i32
        %dma_wait3A_193 = tpu.memref_slice %arg9[%dma_wait3A_190, %dma_wait3A_191, %dma_wait3A_192] : memref<2x128x128xf32, #tpu.memory_space<vmem>> -> memref<1x128x128xf32, #tpu.memory_space<vmem>>
        %dma_wait3A_194 = tpu.memref_squeeze %dma_wait3A_193 : memref<1x128x128xf32, #tpu.memory_space<vmem>> -> memref<128x128xf32, #tpu.memory_space<vmem>>
        %dma_wait3A_195 = arith.constant 0 : i32
        %dma_wait3A_196 = tpu.memref_slice %arg7[%add3A_143, %dma_wait3A_195] : memref<40x128xi32, #tpu.memory_space<vmem>> -> memref<1x128xi32, #tpu.memory_space<vmem>>
        %dma_wait3A_197 = tpu.memref_squeeze %dma_wait3A_196 : memref<1x128xi32, #tpu.memory_space<vmem>> -> memref<128xi32, #tpu.memory_space<vmem>>
        %dma_wait3A_198 = arith.constant 0 : i32
        %dma_wait3A_199 = arith.constant 0 : i32
        %dma_wait3A_200 = tpu.memref_slice %arg4[%dma_wait3A_198, %dma_wait3A_199] : memref<20480x128xf32, #tpu.memory_space<hbm>> -> memref<20480x128xf32, #tpu.memory_space<hbm>>
        tpu.wait_indirect_dma semaphore(%arg11 : memref<!tpu.dma_semaphore, #tpu.memory_space<semaphore_mem>>) src(%dma_wait3A_200 : memref<20480x128xf32, #tpu.memory_space<hbm>>) dst(%dma_wait3A_194 : memref<128x128xf32, #tpu.memory_space<vmem>>)
        %dma_start3A_201 = arith.constant 0 : i32
        %dma_start3A_202 = arith.constant 0 : i32
        %dma_start3A_203 = arith.constant 0 : i32
        %dma_start3A_204 = tpu.memref_slice %arg9[%dma_start3A_201, %dma_start3A_202, %dma_start3A_203] : memref<2x128x128xf32, #tpu.memory_space<vmem>> -> memref<1x128x128xf32, #tpu.memory_space<vmem>>
        %dma_start3A_205 = tpu.memref_squeeze %dma_start3A_204 : memref<1x128x128xf32, #tpu.memory_space<vmem>> -> memref<128x128xf32, #tpu.memory_space<vmem>>
        %dma_start3A_206 = arith.constant 0 : i32
        %dma_start3A_207 = tpu.memref_slice %arg8[%add3A_143, %dma_start3A_206] : memref<40x128xi32, #tpu.memory_space<vmem>> -> memref<1x128xi32, #tpu.memory_space<vmem>>
        %dma_start3A_208 = tpu.memref_squeeze %dma_start3A_207 : memref<1x128xi32, #tpu.memory_space<vmem>> -> memref<128xi32, #tpu.memory_space<vmem>>
        %dma_start3A_209 = arith.constant 0 : i32
        %dma_start3A_210 = arith.constant 0 : i32
        %dma_start3A_211 = tpu.memref_slice %arg10[%dma_start3A_209, %dma_start3A_210] : memref<10248x128xf32, #tpu.memory_space<vmem_shared>> -> memref<10248x128xf32, #tpu.memory_space<vmem_shared>>
        tpu.enqueue_indirect_dma source(%dma_start3A_205 : memref<128x128xf32, #tpu.memory_space<vmem>>) target(%dma_start3A_211 : memref<10248x128xf32, #tpu.memory_space<vmem_shared>>) offsets(%dma_start3A_208 : memref<128xi32, #tpu.memory_space<vmem>>) semaphore(%arg13 : memref<!tpu.dma_semaphore, #tpu.memory_space<semaphore_mem>>) {add = true}
        %dma_wait3A_212 = arith.constant 1 : i32
        %dma_wait3A_213 = arith.constant 0 : i32
        %dma_wait3A_214 = arith.constant 0 : i32
        %dma_wait3A_215 = tpu.memref_slice %arg9[%dma_wait3A_212, %dma_wait3A_213, %dma_wait3A_214] : memref<2x128x128xf32, #tpu.memory_space<vmem>> -> memref<1x128x128xf32, #tpu.memory_space<vmem>>
        %dma_wait3A_216 = tpu.memref_squeeze %dma_wait3A_215 : memref<1x128x128xf32, #tpu.memory_space<vmem>> -> memref<128x128xf32, #tpu.memory_space<vmem>>
        %dma_wait3A_217 = arith.constant 0 : i32
        %dma_wait3A_218 = tpu.memref_slice %arg7[%add3A_178, %dma_wait3A_217] : memref<40x128xi32, #tpu.memory_space<vmem>> -> memref<1x128xi32, #tpu.memory_space<vmem>>
        %dma_wait3A_219 = tpu.memref_squeeze %dma_wait3A_218 : memref<1x128xi32, #tpu.memory_space<vmem>> -> memref<128xi32, #tpu.memory_space<vmem>>
        %dma_wait3A_220 = arith.constant 0 : i32
        %dma_wait3A_221 = arith.constant 0 : i32
        %dma_wait3A_222 = tpu.memref_slice %arg4[%dma_wait3A_220, %dma_wait3A_221] : memref<20480x128xf32, #tpu.memory_space<hbm>> -> memref<20480x128xf32, #tpu.memory_space<hbm>>
        tpu.wait_indirect_dma semaphore(%arg12 : memref<!tpu.dma_semaphore, #tpu.memory_space<semaphore_mem>>) src(%dma_wait3A_222 : memref<20480x128xf32, #tpu.memory_space<hbm>>) dst(%dma_wait3A_216 : memref<128x128xf32, #tpu.memory_space<vmem>>)
        %add3A_223 = arith.constant 1 : i32
        %add3A_224 = arith.addi %add3A_143, %add3A_223 : i32
        %dma_start3A_225 = arith.constant 1 : i32
        %dma_start3A_226 = arith.constant 0 : i32
        %dma_start3A_227 = arith.constant 0 : i32
        %dma_start3A_228 = tpu.memref_slice %arg9[%dma_start3A_225, %dma_start3A_226, %dma_start3A_227] : memref<2x128x128xf32, #tpu.memory_space<vmem>> -> memref<1x128x128xf32, #tpu.memory_space<vmem>>
        %dma_start3A_229 = tpu.memref_squeeze %dma_start3A_228 : memref<1x128x128xf32, #tpu.memory_space<vmem>> -> memref<128x128xf32, #tpu.memory_space<vmem>>
        %dma_start3A_230 = arith.constant 0 : i32
        %dma_start3A_231 = tpu.memref_slice %arg8[%add3A_224, %dma_start3A_230] : memref<40x128xi32, #tpu.memory_space<vmem>> -> memref<1x128xi32, #tpu.memory_space<vmem>>
        %dma_start3A_232 = tpu.memref_squeeze %dma_start3A_231 : memref<1x128xi32, #tpu.memory_space<vmem>> -> memref<128xi32, #tpu.memory_space<vmem>>
        %dma_start3A_233 = arith.constant 0 : i32
        %dma_start3A_234 = arith.constant 0 : i32
        %dma_start3A_235 = tpu.memref_slice %arg10[%dma_start3A_233, %dma_start3A_234] : memref<10248x128xf32, #tpu.memory_space<vmem_shared>> -> memref<10248x128xf32, #tpu.memory_space<vmem_shared>>
        tpu.enqueue_indirect_dma source(%dma_start3A_229 : memref<128x128xf32, #tpu.memory_space<vmem>>) target(%dma_start3A_235 : memref<10248x128xf32, #tpu.memory_space<vmem_shared>>) offsets(%dma_start3A_232 : memref<128xi32, #tpu.memory_space<vmem>>) semaphore(%arg14 : memref<!tpu.dma_semaphore, #tpu.memory_space<semaphore_mem>>) {add = true}
      }
      %scan3A_33 = arith.constant 10 : i32
      %dma_wait3A = arith.constant 0 : i32
      %dma_wait3A_34 = arith.constant 0 : i32
      %dma_wait3A_35 = arith.constant 0 : i32
      %dma_wait3A_36 = arith.constant 0 : i32
      %dma_wait3A_37 = tpu.memref_slice %arg9[%dma_wait3A, %dma_wait3A_35, %dma_wait3A_36] : memref<2x128x128xf32, #tpu.memory_space<vmem>> -> memref<1x128x128xf32, #tpu.memory_space<vmem>>
      %dma_wait3A_38 = tpu.memref_squeeze %dma_wait3A_37 : memref<1x128x128xf32, #tpu.memory_space<vmem>> -> memref<128x128xf32, #tpu.memory_space<vmem>>
      %dma_wait3A_39 = arith.constant 0 : i32
      %dma_wait3A_40 = tpu.memref_slice %arg8[%dma_wait3A_34, %dma_wait3A_39] : memref<40x128xi32, #tpu.memory_space<vmem>> -> memref<1x128xi32, #tpu.memory_space<vmem>>
      %dma_wait3A_41 = tpu.memref_squeeze %dma_wait3A_40 : memref<1x128xi32, #tpu.memory_space<vmem>> -> memref<128xi32, #tpu.memory_space<vmem>>
      %dma_wait3A_42 = arith.constant 0 : i32
      %dma_wait3A_43 = arith.constant 0 : i32
      %dma_wait3A_44 = tpu.memref_slice %arg10[%dma_wait3A_42, %dma_wait3A_43] : memref<10248x128xf32, #tpu.memory_space<vmem_shared>> -> memref<10248x128xf32, #tpu.memory_space<vmem_shared>>
      tpu.wait_indirect_dma semaphore(%arg13 : memref<!tpu.dma_semaphore, #tpu.memory_space<semaphore_mem>>) src(%dma_wait3A_38 : memref<128x128xf32, #tpu.memory_space<vmem>>) dst(%dma_wait3A_44 : memref<10248x128xf32, #tpu.memory_space<vmem_shared>>)
      %dma_wait3A_45 = arith.constant 1 : i32
      %dma_wait3A_46 = arith.constant 1 : i32
      %dma_wait3A_47 = arith.constant 0 : i32
      %dma_wait3A_48 = arith.constant 0 : i32
      %dma_wait3A_49 = tpu.memref_slice %arg9[%dma_wait3A_45, %dma_wait3A_47, %dma_wait3A_48] : memref<2x128x128xf32, #tpu.memory_space<vmem>> -> memref<1x128x128xf32, #tpu.memory_space<vmem>>
      %dma_wait3A_50 = tpu.memref_squeeze %dma_wait3A_49 : memref<1x128x128xf32, #tpu.memory_space<vmem>> -> memref<128x128xf32, #tpu.memory_space<vmem>>
      %dma_wait3A_51 = arith.constant 0 : i32
      %dma_wait3A_52 = tpu.memref_slice %arg8[%dma_wait3A_46, %dma_wait3A_51] : memref<40x128xi32, #tpu.memory_space<vmem>> -> memref<1x128xi32, #tpu.memory_space<vmem>>
      %dma_wait3A_53 = tpu.memref_squeeze %dma_wait3A_52 : memref<1x128xi32, #tpu.memory_space<vmem>> -> memref<128xi32, #tpu.memory_space<vmem>>
      %dma_wait3A_54 = arith.constant 0 : i32
      %dma_wait3A_55 = arith.constant 0 : i32
      %dma_wait3A_56 = tpu.memref_slice %arg10[%dma_wait3A_54, %dma_wait3A_55] : memref<10248x128xf32, #tpu.memory_space<vmem_shared>> -> memref<10248x128xf32, #tpu.memory_space<vmem_shared>>
      tpu.wait_indirect_dma semaphore(%arg14 : memref<!tpu.dma_semaphore, #tpu.memory_space<semaphore_mem>>) src(%dma_wait3A_50 : memref<128x128xf32, #tpu.memory_space<vmem>>) dst(%dma_wait3A_56 : memref<10248x128xf32, #tpu.memory_space<vmem_shared>>)
    }
    %scan3A_15 = arith.constant 4 : i32
    %barrier3A_16 = arith.constant 0 : index
    tpu.barrier barrier_id(%barrier3A_16)
    %mul3A_17 = arith.constant 640 : i32
    %mul3A_18 = arith.muli %arg1, %mul3A_17 : i32
    %mul3A_19 = arith.constant 640 : i32
    %mul3A_20 = arith.muli %arg1, %mul3A_19 : i32
    "tpu.region"() ({
      %run_scoped3A = tpu.sem_alloc : memref<!tpu.dma_semaphore, #tpu.memory_space<semaphore_mem>>
      %dma_start3A = arith.constant 0 : i32
      %dma_start3A_21 = tpu.memref_slice %arg6[%arg0, %mul3A_20, %dma_start3A] : memref<2x10240x128xf32, #tpu.memory_space<hbm>> -> memref<1x640x128xf32, #tpu.memory_space<hbm>>
      %dma_start3A_22 = tpu.memref_squeeze %dma_start3A_21 : memref<1x640x128xf32, #tpu.memory_space<hbm>> -> memref<640x128xf32, #tpu.memory_space<hbm>>
      %dma_start3A_23 = arith.constant 0 : i32
      %dma_start3A_24 = tpu.memref_slice %arg10[%mul3A_18, %dma_start3A_23] : memref<10248x128xf32, #tpu.memory_space<vmem_shared>> -> memref<640x128xf32, #tpu.memory_space<vmem_shared>>
      tpu.enqueue_dma source(%dma_start3A_24 : memref<640x128xf32, #tpu.memory_space<vmem_shared>>) target(%dma_start3A_22 : memref<640x128xf32, #tpu.memory_space<hbm>>) target_semaphore(%run_scoped3A : memref<!tpu.dma_semaphore, #tpu.memory_space<semaphore_mem>>)
      %dma_wait3A = arith.constant 0 : i32
      %dma_wait3A_25 = tpu.memref_slice %arg6[%arg0, %mul3A_20, %dma_wait3A] : memref<2x10240x128xf32, #tpu.memory_space<hbm>> -> memref<1x640x128xf32, #tpu.memory_space<hbm>>
      %dma_wait3A_26 = tpu.memref_squeeze %dma_wait3A_25 : memref<1x640x128xf32, #tpu.memory_space<hbm>> -> memref<640x128xf32, #tpu.memory_space<hbm>>
      %dma_wait3A_27 = arith.constant 0 : i32
      %dma_wait3A_28 = tpu.memref_slice %arg10[%mul3A_18, %dma_wait3A_27] : memref<10248x128xf32, #tpu.memory_space<vmem_shared>> -> memref<640x128xf32, #tpu.memory_space<vmem_shared>>
      tpu.wait_dma2 semaphore(%run_scoped3A : memref<!tpu.dma_semaphore, #tpu.memory_space<semaphore_mem>>) src(%dma_wait3A_28 : memref<640x128xf32, #tpu.memory_space<vmem_shared>>) dst(%dma_wait3A_26 : memref<640x128xf32, #tpu.memory_space<hbm>>)
      tpu.yield
    }) : () -> ()
    return
  }
}

#map = affine_map<(d0, d1) -> (0, 0)>
#map1 = affine_map<(d0, d1) -> (0, 0, 0)>
#map2 = affine_map<(d0, d1) -> (0)>
module attributes {stable_mosaic.version = 14 : i64} {
  func.func @_sc_agg1(%arg0: i32, %arg1: i32, %arg2: memref<2560x128xi32, #tpu.memory_space<hbm>>, %arg3: memref<2560x128xi32, #tpu.memory_space<hbm>>, %arg4: memref<10240x128xf32, #tpu.memory_space<hbm>>, %arg5: memref<648x128xf32, #tpu.memory_space<hbm>>, %arg6: memref<2x10240x128xf32, #tpu.memory_space<hbm>>, %arg7: memref<20480xf32, #tpu.memory_space<hbm>>, %arg8: memref<40x128xi32, #tpu.memory_space<vmem>>, %arg9: memref<40x128xi32, #tpu.memory_space<vmem>>, %arg10: memref<2x128x128xf32, #tpu.memory_space<vmem>>, %arg11: memref<656xf32, #tpu.memory_space<vmem>>, %arg12: memref<10248x128xf32, #tpu.memory_space<vmem_shared>>, %arg13: memref<10248xf32, #tpu.memory_space<vmem_shared>>, %arg14: memref<!tpu.dma_semaphore, #tpu.memory_space<semaphore_mem>>, %arg15: memref<!tpu.dma_semaphore, #tpu.memory_space<semaphore_mem>>, %arg16: memref<!tpu.dma_semaphore, #tpu.memory_space<semaphore_mem>>, %arg17: memref<!tpu.dma_semaphore, #tpu.memory_space<semaphore_mem>>) attributes {dimension_semantics = [#tpu.dimension_semantics<core_parallel>, #tpu.dimension_semantics<subcore_parallel>], iteration_bounds = array<i64: 2, 16>, scalar_prefetch = 0 : i64, scratch_operands = 10 : i64, tpu.core_type = #tpu.core_type<sc_vector_subcore>, window_params = [{transform_indices = #map}, {transform_indices = #map}, {transform_indices = #map}, {transform_indices = #map}, {transform_indices = #map1}, {transform_indices = #map2}]} {
    %broadcast_in_dim3A = arith.constant 0.000000e+00 : f32
    %broadcast_in_dim3A_0 = vector.broadcast %broadcast_in_dim3A : f32 to vector<16xf32>
    %swap3A = arith.constant 0 : index
    %swap3A_1 = tpu.vector_load %arg11[%swap3A] {strides = array<i32>} : memref<656xf32, #tpu.memory_space<vmem>>, vector<16xf32>,
    %swap3A_2 = vector.shape_cast %swap3A_1 : vector<16xf32> to vector<16xf32>
    %swap3A_3 = vector.shape_cast %broadcast_in_dim3A_0 : vector<16xf32> to vector<16xf32>
    tpu.vector_store %arg11[%swap3A], %swap3A_3 {strides = array<i32>} : memref<656xf32, #tpu.memory_space<vmem>>, vector<16xf32>,
    %broadcast_in_dim3A_4 = arith.constant 0.000000e+00 : f32
    %broadcast_in_dim3A_5 = vector.broadcast %broadcast_in_dim3A_4 : f32 to vector<16xf32>
    %swap3A_6 = arith.constant 16 : index
    %swap3A_7 = tpu.vector_load %arg11[%swap3A_6] {strides = array<i32>} : memref<656xf32, #tpu.memory_space<vmem>>, vector<16xf32>,
    %swap3A_8 = vector.shape_cast %swap3A_7 : vector<16xf32> to vector<16xf32>
    %swap3A_9 = vector.shape_cast %broadcast_in_dim3A_5 : vector<16xf32> to vector<16xf32>
    tpu.vector_store %arg11[%swap3A_6], %swap3A_9 {strides = array<i32>} : memref<656xf32, #tpu.memory_space<vmem>>, vector<16xf32>,
    %broadcast_in_dim3A_10 = arith.constant 0.000000e+00 : f32
    %broadcast_in_dim3A_11 = vector.broadcast %broadcast_in_dim3A_10 : f32 to vector<16xf32>
    %swap3A_12 = arith.constant 32 : index
    %swap3A_13 = tpu.vector_load %arg11[%swap3A_12] {strides = array<i32>} : memref<656xf32, #tpu.memory_space<vmem>>, vector<16xf32>,
    %swap3A_14 = vector.shape_cast %swap3A_13 : vector<16xf32> to vector<16xf32>
    %swap3A_15 = vector.shape_cast %broadcast_in_dim3A_11 : vector<16xf32> to vector<16xf32>
    tpu.vector_store %arg11[%swap3A_12], %swap3A_15 {strides = array<i32>} : memref<656xf32, #tpu.memory_space<vmem>>, vector<16xf32>,
    %broadcast_in_dim3A_16 = arith.constant 0.000000e+00 : f32
    %broadcast_in_dim3A_17 = vector.broadcast %broadcast_in_dim3A_16 : f32 to vector<16xf32>
    %swap3A_18 = arith.constant 48 : index
    %swap3A_19 = tpu.vector_load %arg11[%swap3A_18] {strides = array<i32>} : memref<656xf32, #tpu.memory_space<vmem>>, vector<16xf32>,
    %swap3A_20 = vector.shape_cast %swap3A_19 : vector<16xf32> to vector<16xf32>
    %swap3A_21 = vector.shape_cast %broadcast_in_dim3A_17 : vector<16xf32> to vector<16xf32>
    tpu.vector_store %arg11[%swap3A_18], %swap3A_21 {strides = array<i32>} : memref<656xf32, #tpu.memory_space<vmem>>, vector<16xf32>,
    %broadcast_in_dim3A_22 = arith.constant 0.000000e+00 : f32
    %broadcast_in_dim3A_23 = vector.broadcast %broadcast_in_dim3A_22 : f32 to vector<16xf32>
    %swap3A_24 = arith.constant 64 : index
    %swap3A_25 = tpu.vector_load %arg11[%swap3A_24] {strides = array<i32>} : memref<656xf32, #tpu.memory_space<vmem>>, vector<16xf32>,
    %swap3A_26 = vector.shape_cast %swap3A_25 : vector<16xf32> to vector<16xf32>
    %swap3A_27 = vector.shape_cast %broadcast_in_dim3A_23 : vector<16xf32> to vector<16xf32>
    tpu.vector_store %arg11[%swap3A_24], %swap3A_27 {strides = array<i32>} : memref<656xf32, #tpu.memory_space<vmem>>, vector<16xf32>,
    %broadcast_in_dim3A_28 = arith.constant 0.000000e+00 : f32
    %broadcast_in_dim3A_29 = vector.broadcast %broadcast_in_dim3A_28 : f32 to vector<16xf32>
    %swap3A_30 = arith.constant 80 : index
    %swap3A_31 = tpu.vector_load %arg11[%swap3A_30] {strides = array<i32>} : memref<656xf32, #tpu.memory_space<vmem>>, vector<16xf32>,
    %swap3A_32 = vector.shape_cast %swap3A_31 : vector<16xf32> to vector<16xf32>
    %swap3A_33 = vector.shape_cast %broadcast_in_dim3A_29 : vector<16xf32> to vector<16xf32>
    tpu.vector_store %arg11[%swap3A_30], %swap3A_33 {strides = array<i32>} : memref<656xf32, #tpu.memory_space<vmem>>, vector<16xf32>,
    %broadcast_in_dim3A_34 = arith.constant 0.000000e+00 : f32
    %broadcast_in_dim3A_35 = vector.broadcast %broadcast_in_dim3A_34 : f32 to vector<16xf32>
    %swap3A_36 = arith.constant 96 : index
    %swap3A_37 = tpu.vector_load %arg11[%swap3A_36] {strides = array<i32>} : memref<656xf32, #tpu.memory_space<vmem>>, vector<16xf32>,
    %swap3A_38 = vector.shape_cast %swap3A_37 : vector<16xf32> to vector<16xf32>
    %swap3A_39 = vector.shape_cast %broadcast_in_dim3A_35 : vector<16xf32> to vector<16xf32>
    tpu.vector_store %arg11[%swap3A_36], %swap3A_39 {strides = array<i32>} : memref<656xf32, #tpu.memory_space<vmem>>, vector<16xf32>,
    %broadcast_in_dim3A_40 = arith.constant 0.000000e+00 : f32
    %broadcast_in_dim3A_41 = vector.broadcast %broadcast_in_dim3A_40 : f32 to vector<16xf32>
    %swap3A_42 = arith.constant 112 : index
    %swap3A_43 = tpu.vector_load %arg11[%swap3A_42] {strides = array<i32>} : memref<656xf32, #tpu.memory_space<vmem>>, vector<16xf32>,
    %swap3A_44 = vector.shape_cast %swap3A_43 : vector<16xf32> to vector<16xf32>
    %swap3A_45 = vector.shape_cast %broadcast_in_dim3A_41 : vector<16xf32> to vector<16xf32>
    tpu.vector_store %arg11[%swap3A_42], %swap3A_45 {strides = array<i32>} : memref<656xf32, #tpu.memory_space<vmem>>, vector<16xf32>,
    %broadcast_in_dim3A_46 = arith.constant 0.000000e+00 : f32
    %broadcast_in_dim3A_47 = vector.broadcast %broadcast_in_dim3A_46 : f32 to vector<16xf32>
    %swap3A_48 = arith.constant 128 : index
    %swap3A_49 = tpu.vector_load %arg11[%swap3A_48] {strides = array<i32>} : memref<656xf32, #tpu.memory_space<vmem>>, vector<16xf32>,
    %swap3A_50 = vector.shape_cast %swap3A_49 : vector<16xf32> to vector<16xf32>
    %swap3A_51 = vector.shape_cast %broadcast_in_dim3A_47 : vector<16xf32> to vector<16xf32>
    tpu.vector_store %arg11[%swap3A_48], %swap3A_51 {strides = array<i32>} : memref<656xf32, #tpu.memory_space<vmem>>, vector<16xf32>,
    %broadcast_in_dim3A_52 = arith.constant 0.000000e+00 : f32
    %broadcast_in_dim3A_53 = vector.broadcast %broadcast_in_dim3A_52 : f32 to vector<16xf32>
    %swap3A_54 = arith.constant 144 : index
    %swap3A_55 = tpu.vector_load %arg11[%swap3A_54] {strides = array<i32>} : memref<656xf32, #tpu.memory_space<vmem>>, vector<16xf32>,
    %swap3A_56 = vector.shape_cast %swap3A_55 : vector<16xf32> to vector<16xf32>
    %swap3A_57 = vector.shape_cast %broadcast_in_dim3A_53 : vector<16xf32> to vector<16xf32>
    tpu.vector_store %arg11[%swap3A_54], %swap3A_57 {strides = array<i32>} : memref<656xf32, #tpu.memory_space<vmem>>, vector<16xf32>,
    %broadcast_in_dim3A_58 = arith.constant 0.000000e+00 : f32
    %broadcast_in_dim3A_59 = vector.broadcast %broadcast_in_dim3A_58 : f32 to vector<16xf32>
    %swap3A_60 = arith.constant 160 : index
    %swap3A_61 = tpu.vector_load %arg11[%swap3A_60] {strides = array<i32>} : memref<656xf32, #tpu.memory_space<vmem>>, vector<16xf32>,
    %swap3A_62 = vector.shape_cast %swap3A_61 : vector<16xf32> to vector<16xf32>
    %swap3A_63 = vector.shape_cast %broadcast_in_dim3A_59 : vector<16xf32> to vector<16xf32>
    tpu.vector_store %arg11[%swap3A_60], %swap3A_63 {strides = array<i32>} : memref<656xf32, #tpu.memory_space<vmem>>, vector<16xf32>,
    %broadcast_in_dim3A_64 = arith.constant 0.000000e+00 : f32
    %broadcast_in_dim3A_65 = vector.broadcast %broadcast_in_dim3A_64 : f32 to vector<16xf32>
    %swap3A_66 = arith.constant 176 : index
    %swap3A_67 = tpu.vector_load %arg11[%swap3A_66] {strides = array<i32>} : memref<656xf32, #tpu.memory_space<vmem>>, vector<16xf32>,
    %swap3A_68 = vector.shape_cast %swap3A_67 : vector<16xf32> to vector<16xf32>
    %swap3A_69 = vector.shape_cast %broadcast_in_dim3A_65 : vector<16xf32> to vector<16xf32>
    tpu.vector_store %arg11[%swap3A_66], %swap3A_69 {strides = array<i32>} : memref<656xf32, #tpu.memory_space<vmem>>, vector<16xf32>,
    %broadcast_in_dim3A_70 = arith.constant 0.000000e+00 : f32
    %broadcast_in_dim3A_71 = vector.broadcast %broadcast_in_dim3A_70 : f32 to vector<16xf32>
    %swap3A_72 = arith.constant 192 : index
    %swap3A_73 = tpu.vector_load %arg11[%swap3A_72] {strides = array<i32>} : memref<656xf32, #tpu.memory_space<vmem>>, vector<16xf32>,
    %swap3A_74 = vector.shape_cast %swap3A_73 : vector<16xf32> to vector<16xf32>
    %swap3A_75 = vector.shape_cast %broadcast_in_dim3A_71 : vector<16xf32> to vector<16xf32>
    tpu.vector_store %arg11[%swap3A_72], %swap3A_75 {strides = array<i32>} : memref<656xf32, #tpu.memory_space<vmem>>, vector<16xf32>,
    %broadcast_in_dim3A_76 = arith.constant 0.000000e+00 : f32
    %broadcast_in_dim3A_77 = vector.broadcast %broadcast_in_dim3A_76 : f32 to vector<16xf32>
    %swap3A_78 = arith.constant 208 : index
    %swap3A_79 = tpu.vector_load %arg11[%swap3A_78] {strides = array<i32>} : memref<656xf32, #tpu.memory_space<vmem>>, vector<16xf32>,
    %swap3A_80 = vector.shape_cast %swap3A_79 : vector<16xf32> to vector<16xf32>
    %swap3A_81 = vector.shape_cast %broadcast_in_dim3A_77 : vector<16xf32> to vector<16xf32>
    tpu.vector_store %arg11[%swap3A_78], %swap3A_81 {strides = array<i32>} : memref<656xf32, #tpu.memory_space<vmem>>, vector<16xf32>,
    %broadcast_in_dim3A_82 = arith.constant 0.000000e+00 : f32
    %broadcast_in_dim3A_83 = vector.broadcast %broadcast_in_dim3A_82 : f32 to vector<16xf32>
    %swap3A_84 = arith.constant 224 : index
    %swap3A_85 = tpu.vector_load %arg11[%swap3A_84] {strides = array<i32>} : memref<656xf32, #tpu.memory_space<vmem>>, vector<16xf32>,
    %swap3A_86 = vector.shape_cast %swap3A_85 : vector<16xf32> to vector<16xf32>
    %swap3A_87 = vector.shape_cast %broadcast_in_dim3A_83 : vector<16xf32> to vector<16xf32>
    tpu.vector_store %arg11[%swap3A_84], %swap3A_87 {strides = array<i32>} : memref<656xf32, #tpu.memory_space<vmem>>, vector<16xf32>,
    %broadcast_in_dim3A_88 = arith.constant 0.000000e+00 : f32
    %broadcast_in_dim3A_89 = vector.broadcast %broadcast_in_dim3A_88 : f32 to vector<16xf32>
    %swap3A_90 = arith.constant 240 : index
    %swap3A_91 = tpu.vector_load %arg11[%swap3A_90] {strides = array<i32>} : memref<656xf32, #tpu.memory_space<vmem>>, vector<16xf32>,
    %swap3A_92 = vector.shape_cast %swap3A_91 : vector<16xf32> to vector<16xf32>
    %swap3A_93 = vector.shape_cast %broadcast_in_dim3A_89 : vector<16xf32> to vector<16xf32>
    tpu.vector_store %arg11[%swap3A_90], %swap3A_93 {strides = array<i32>} : memref<656xf32, #tpu.memory_space<vmem>>, vector<16xf32>,
    %broadcast_in_dim3A_94 = arith.constant 0.000000e+00 : f32
    %broadcast_in_dim3A_95 = vector.broadcast %broadcast_in_dim3A_94 : f32 to vector<16xf32>
    %swap3A_96 = arith.constant 256 : index
    %swap3A_97 = tpu.vector_load %arg11[%swap3A_96] {strides = array<i32>} : memref<656xf32, #tpu.memory_space<vmem>>, vector<16xf32>,
    %swap3A_98 = vector.shape_cast %swap3A_97 : vector<16xf32> to vector<16xf32>
    %swap3A_99 = vector.shape_cast %broadcast_in_dim3A_95 : vector<16xf32> to vector<16xf32>
    tpu.vector_store %arg11[%swap3A_96], %swap3A_99 {strides = array<i32>} : memref<656xf32, #tpu.memory_space<vmem>>, vector<16xf32>,
    %broadcast_in_dim3A_100 = arith.constant 0.000000e+00 : f32
    %broadcast_in_dim3A_101 = vector.broadcast %broadcast_in_dim3A_100 : f32 to vector<16xf32>
    %swap3A_102 = arith.constant 272 : index
    %swap3A_103 = tpu.vector_load %arg11[%swap3A_102] {strides = array<i32>} : memref<656xf32, #tpu.memory_space<vmem>>, vector<16xf32>,
    %swap3A_104 = vector.shape_cast %swap3A_103 : vector<16xf32> to vector<16xf32>
    %swap3A_105 = vector.shape_cast %broadcast_in_dim3A_101 : vector<16xf32> to vector<16xf32>
    tpu.vector_store %arg11[%swap3A_102], %swap3A_105 {strides = array<i32>} : memref<656xf32, #tpu.memory_space<vmem>>, vector<16xf32>,
    %broadcast_in_dim3A_106 = arith.constant 0.000000e+00 : f32
    %broadcast_in_dim3A_107 = vector.broadcast %broadcast_in_dim3A_106 : f32 to vector<16xf32>
    %swap3A_108 = arith.constant 288 : index
    %swap3A_109 = tpu.vector_load %arg11[%swap3A_108] {strides = array<i32>} : memref<656xf32, #tpu.memory_space<vmem>>, vector<16xf32>,
    %swap3A_110 = vector.shape_cast %swap3A_109 : vector<16xf32> to vector<16xf32>
    %swap3A_111 = vector.shape_cast %broadcast_in_dim3A_107 : vector<16xf32> to vector<16xf32>
    tpu.vector_store %arg11[%swap3A_108], %swap3A_111 {strides = array<i32>} : memref<656xf32, #tpu.memory_space<vmem>>, vector<16xf32>,
    %broadcast_in_dim3A_112 = arith.constant 0.000000e+00 : f32
    %broadcast_in_dim3A_113 = vector.broadcast %broadcast_in_dim3A_112 : f32 to vector<16xf32>
    %swap3A_114 = arith.constant 304 : index
    %swap3A_115 = tpu.vector_load %arg11[%swap3A_114] {strides = array<i32>} : memref<656xf32, #tpu.memory_space<vmem>>, vector<16xf32>,
    %swap3A_116 = vector.shape_cast %swap3A_115 : vector<16xf32> to vector<16xf32>
    %swap3A_117 = vector.shape_cast %broadcast_in_dim3A_113 : vector<16xf32> to vector<16xf32>
    tpu.vector_store %arg11[%swap3A_114], %swap3A_117 {strides = array<i32>} : memref<656xf32, #tpu.memory_space<vmem>>, vector<16xf32>,
    %broadcast_in_dim3A_118 = arith.constant 0.000000e+00 : f32
    %broadcast_in_dim3A_119 = vector.broadcast %broadcast_in_dim3A_118 : f32 to vector<16xf32>
    %swap3A_120 = arith.constant 320 : index
    %swap3A_121 = tpu.vector_load %arg11[%swap3A_120] {strides = array<i32>} : memref<656xf32, #tpu.memory_space<vmem>>, vector<16xf32>,
    %swap3A_122 = vector.shape_cast %swap3A_121 : vector<16xf32> to vector<16xf32>
    %swap3A_123 = vector.shape_cast %broadcast_in_dim3A_119 : vector<16xf32> to vector<16xf32>
    tpu.vector_store %arg11[%swap3A_120], %swap3A_123 {strides = array<i32>} : memref<656xf32, #tpu.memory_space<vmem>>, vector<16xf32>,
    %broadcast_in_dim3A_124 = arith.constant 0.000000e+00 : f32
    %broadcast_in_dim3A_125 = vector.broadcast %broadcast_in_dim3A_124 : f32 to vector<16xf32>
    %swap3A_126 = arith.constant 336 : index
    %swap3A_127 = tpu.vector_load %arg11[%swap3A_126] {strides = array<i32>} : memref<656xf32, #tpu.memory_space<vmem>>, vector<16xf32>,
    %swap3A_128 = vector.shape_cast %swap3A_127 : vector<16xf32> to vector<16xf32>
    %swap3A_129 = vector.shape_cast %broadcast_in_dim3A_125 : vector<16xf32> to vector<16xf32>
    tpu.vector_store %arg11[%swap3A_126], %swap3A_129 {strides = array<i32>} : memref<656xf32, #tpu.memory_space<vmem>>, vector<16xf32>,
    %broadcast_in_dim3A_130 = arith.constant 0.000000e+00 : f32
    %broadcast_in_dim3A_131 = vector.broadcast %broadcast_in_dim3A_130 : f32 to vector<16xf32>
    %swap3A_132 = arith.constant 352 : index
    %swap3A_133 = tpu.vector_load %arg11[%swap3A_132] {strides = array<i32>} : memref<656xf32, #tpu.memory_space<vmem>>, vector<16xf32>,
    %swap3A_134 = vector.shape_cast %swap3A_133 : vector<16xf32> to vector<16xf32>
    %swap3A_135 = vector.shape_cast %broadcast_in_dim3A_131 : vector<16xf32> to vector<16xf32>
    tpu.vector_store %arg11[%swap3A_132], %swap3A_135 {strides = array<i32>} : memref<656xf32, #tpu.memory_space<vmem>>, vector<16xf32>,
    %broadcast_in_dim3A_136 = arith.constant 0.000000e+00 : f32
    %broadcast_in_dim3A_137 = vector.broadcast %broadcast_in_dim3A_136 : f32 to vector<16xf32>
    %swap3A_138 = arith.constant 368 : index
    %swap3A_139 = tpu.vector_load %arg11[%swap3A_138] {strides = array<i32>} : memref<656xf32, #tpu.memory_space<vmem>>, vector<16xf32>,
    %swap3A_140 = vector.shape_cast %swap3A_139 : vector<16xf32> to vector<16xf32>
    %swap3A_141 = vector.shape_cast %broadcast_in_dim3A_137 : vector<16xf32> to vector<16xf32>
    tpu.vector_store %arg11[%swap3A_138], %swap3A_141 {strides = array<i32>} : memref<656xf32, #tpu.memory_space<vmem>>, vector<16xf32>,
    %broadcast_in_dim3A_142 = arith.constant 0.000000e+00 : f32
    %broadcast_in_dim3A_143 = vector.broadcast %broadcast_in_dim3A_142 : f32 to vector<16xf32>
    %swap3A_144 = arith.constant 384 : index
    %swap3A_145 = tpu.vector_load %arg11[%swap3A_144] {strides = array<i32>} : memref<656xf32, #tpu.memory_space<vmem>>, vector<16xf32>,
    %swap3A_146 = vector.shape_cast %swap3A_145 : vector<16xf32> to vector<16xf32>
    %swap3A_147 = vector.shape_cast %broadcast_in_dim3A_143 : vector<16xf32> to vector<16xf32>
    tpu.vector_store %arg11[%swap3A_144], %swap3A_147 {strides = array<i32>} : memref<656xf32, #tpu.memory_space<vmem>>, vector<16xf32>,
    %broadcast_in_dim3A_148 = arith.constant 0.000000e+00 : f32
    %broadcast_in_dim3A_149 = vector.broadcast %broadcast_in_dim3A_148 : f32 to vector<16xf32>
    %swap3A_150 = arith.constant 400 : index
    %swap3A_151 = tpu.vector_load %arg11[%swap3A_150] {strides = array<i32>} : memref<656xf32, #tpu.memory_space<vmem>>, vector<16xf32>,
    %swap3A_152 = vector.shape_cast %swap3A_151 : vector<16xf32> to vector<16xf32>
    %swap3A_153 = vector.shape_cast %broadcast_in_dim3A_149 : vector<16xf32> to vector<16xf32>
    tpu.vector_store %arg11[%swap3A_150], %swap3A_153 {strides = array<i32>} : memref<656xf32, #tpu.memory_space<vmem>>, vector<16xf32>,
    %broadcast_in_dim3A_154 = arith.constant 0.000000e+00 : f32
    %broadcast_in_dim3A_155 = vector.broadcast %broadcast_in_dim3A_154 : f32 to vector<16xf32>
    %swap3A_156 = arith.constant 416 : index
    %swap3A_157 = tpu.vector_load %arg11[%swap3A_156] {strides = array<i32>} : memref<656xf32, #tpu.memory_space<vmem>>, vector<16xf32>,
    %swap3A_158 = vector.shape_cast %swap3A_157 : vector<16xf32> to vector<16xf32>
    %swap3A_159 = vector.shape_cast %broadcast_in_dim3A_155 : vector<16xf32> to vector<16xf32>
    tpu.vector_store %arg11[%swap3A_156], %swap3A_159 {strides = array<i32>} : memref<656xf32, #tpu.memory_space<vmem>>, vector<16xf32>,
    %broadcast_in_dim3A_160 = arith.constant 0.000000e+00 : f32
    %broadcast_in_dim3A_161 = vector.broadcast %broadcast_in_dim3A_160 : f32 to vector<16xf32>
    %swap3A_162 = arith.constant 432 : index
    %swap3A_163 = tpu.vector_load %arg11[%swap3A_162] {strides = array<i32>} : memref<656xf32, #tpu.memory_space<vmem>>, vector<16xf32>,
    %swap3A_164 = vector.shape_cast %swap3A_163 : vector<16xf32> to vector<16xf32>
    %swap3A_165 = vector.shape_cast %broadcast_in_dim3A_161 : vector<16xf32> to vector<16xf32>
    tpu.vector_store %arg11[%swap3A_162], %swap3A_165 {strides = array<i32>} : memref<656xf32, #tpu.memory_space<vmem>>, vector<16xf32>,
    %broadcast_in_dim3A_166 = arith.constant 0.000000e+00 : f32
    %broadcast_in_dim3A_167 = vector.broadcast %broadcast_in_dim3A_166 : f32 to vector<16xf32>
    %swap3A_168 = arith.constant 448 : index
    %swap3A_169 = tpu.vector_load %arg11[%swap3A_168] {strides = array<i32>} : memref<656xf32, #tpu.memory_space<vmem>>, vector<16xf32>,
    %swap3A_170 = vector.shape_cast %swap3A_169 : vector<16xf32> to vector<16xf32>
    %swap3A_171 = vector.shape_cast %broadcast_in_dim3A_167 : vector<16xf32> to vector<16xf32>
    tpu.vector_store %arg11[%swap3A_168], %swap3A_171 {strides = array<i32>} : memref<656xf32, #tpu.memory_space<vmem>>, vector<16xf32>,
    %broadcast_in_dim3A_172 = arith.constant 0.000000e+00 : f32
    %broadcast_in_dim3A_173 = vector.broadcast %broadcast_in_dim3A_172 : f32 to vector<16xf32>
    %swap3A_174 = arith.constant 464 : index
    %swap3A_175 = tpu.vector_load %arg11[%swap3A_174] {strides = array<i32>} : memref<656xf32, #tpu.memory_space<vmem>>, vector<16xf32>,
    %swap3A_176 = vector.shape_cast %swap3A_175 : vector<16xf32> to vector<16xf32>
    %swap3A_177 = vector.shape_cast %broadcast_in_dim3A_173 : vector<16xf32> to vector<16xf32>
    tpu.vector_store %arg11[%swap3A_174], %swap3A_177 {strides = array<i32>} : memref<656xf32, #tpu.memory_space<vmem>>, vector<16xf32>,
    %broadcast_in_dim3A_178 = arith.constant 0.000000e+00 : f32
    %broadcast_in_dim3A_179 = vector.broadcast %broadcast_in_dim3A_178 : f32 to vector<16xf32>
    %swap3A_180 = arith.constant 480 : index
    %swap3A_181 = tpu.vector_load %arg11[%swap3A_180] {strides = array<i32>} : memref<656xf32, #tpu.memory_space<vmem>>, vector<16xf32>,
    %swap3A_182 = vector.shape_cast %swap3A_181 : vector<16xf32> to vector<16xf32>
    %swap3A_183 = vector.shape_cast %broadcast_in_dim3A_179 : vector<16xf32> to vector<16xf32>
    tpu.vector_store %arg11[%swap3A_180], %swap3A_183 {strides = array<i32>} : memref<656xf32, #tpu.memory_space<vmem>>, vector<16xf32>,
    %broadcast_in_dim3A_184 = arith.constant 0.000000e+00 : f32
    %broadcast_in_dim3A_185 = vector.broadcast %broadcast_in_dim3A_184 : f32 to vector<16xf32>
    %swap3A_186 = arith.constant 496 : index
    %swap3A_187 = tpu.vector_load %arg11[%swap3A_186] {strides = array<i32>} : memref<656xf32, #tpu.memory_space<vmem>>, vector<16xf32>,
    %swap3A_188 = vector.shape_cast %swap3A_187 : vector<16xf32> to vector<16xf32>
    %swap3A_189 = vector.shape_cast %broadcast_in_dim3A_185 : vector<16xf32> to vector<16xf32>
    tpu.vector_store %arg11[%swap3A_186], %swap3A_189 {strides = array<i32>} : memref<656xf32, #tpu.memory_space<vmem>>, vector<16xf32>,
    %broadcast_in_dim3A_190 = arith.constant 0.000000e+00 : f32
    %broadcast_in_dim3A_191 = vector.broadcast %broadcast_in_dim3A_190 : f32 to vector<16xf32>
    %swap3A_192 = arith.constant 512 : index
    %swap3A_193 = tpu.vector_load %arg11[%swap3A_192] {strides = array<i32>} : memref<656xf32, #tpu.memory_space<vmem>>, vector<16xf32>,
    %swap3A_194 = vector.shape_cast %swap3A_193 : vector<16xf32> to vector<16xf32>
    %swap3A_195 = vector.shape_cast %broadcast_in_dim3A_191 : vector<16xf32> to vector<16xf32>
    tpu.vector_store %arg11[%swap3A_192], %swap3A_195 {strides = array<i32>} : memref<656xf32, #tpu.memory_space<vmem>>, vector<16xf32>,
    %broadcast_in_dim3A_196 = arith.constant 0.000000e+00 : f32
    %broadcast_in_dim3A_197 = vector.broadcast %broadcast_in_dim3A_196 : f32 to vector<16xf32>
    %swap3A_198 = arith.constant 528 : index
    %swap3A_199 = tpu.vector_load %arg11[%swap3A_198] {strides = array<i32>} : memref<656xf32, #tpu.memory_space<vmem>>, vector<16xf32>,
    %swap3A_200 = vector.shape_cast %swap3A_199 : vector<16xf32> to vector<16xf32>
    %swap3A_201 = vector.shape_cast %broadcast_in_dim3A_197 : vector<16xf32> to vector<16xf32>
    tpu.vector_store %arg11[%swap3A_198], %swap3A_201 {strides = array<i32>} : memref<656xf32, #tpu.memory_space<vmem>>, vector<16xf32>,
    %broadcast_in_dim3A_202 = arith.constant 0.000000e+00 : f32
    %broadcast_in_dim3A_203 = vector.broadcast %broadcast_in_dim3A_202 : f32 to vector<16xf32>
    %swap3A_204 = arith.constant 544 : index
    %swap3A_205 = tpu.vector_load %arg11[%swap3A_204] {strides = array<i32>} : memref<656xf32, #tpu.memory_space<vmem>>, vector<16xf32>,
    %swap3A_206 = vector.shape_cast %swap3A_205 : vector<16xf32> to vector<16xf32>
    %swap3A_207 = vector.shape_cast %broadcast_in_dim3A_203 : vector<16xf32> to vector<16xf32>
    tpu.vector_store %arg11[%swap3A_204], %swap3A_207 {strides = array<i32>} : memref<656xf32, #tpu.memory_space<vmem>>, vector<16xf32>,
    %broadcast_in_dim3A_208 = arith.constant 0.000000e+00 : f32
    %broadcast_in_dim3A_209 = vector.broadcast %broadcast_in_dim3A_208 : f32 to vector<16xf32>
    %swap3A_210 = arith.constant 560 : index
    %swap3A_211 = tpu.vector_load %arg11[%swap3A_210] {strides = array<i32>} : memref<656xf32, #tpu.memory_space<vmem>>, vector<16xf32>,
    %swap3A_212 = vector.shape_cast %swap3A_211 : vector<16xf32> to vector<16xf32>
    %swap3A_213 = vector.shape_cast %broadcast_in_dim3A_209 : vector<16xf32> to vector<16xf32>
    tpu.vector_store %arg11[%swap3A_210], %swap3A_213 {strides = array<i32>} : memref<656xf32, #tpu.memory_space<vmem>>, vector<16xf32>,
    %broadcast_in_dim3A_214 = arith.constant 0.000000e+00 : f32
    %broadcast_in_dim3A_215 = vector.broadcast %broadcast_in_dim3A_214 : f32 to vector<16xf32>
    %swap3A_216 = arith.constant 576 : index
    %swap3A_217 = tpu.vector_load %arg11[%swap3A_216] {strides = array<i32>} : memref<656xf32, #tpu.memory_space<vmem>>, vector<16xf32>,
    %swap3A_218 = vector.shape_cast %swap3A_217 : vector<16xf32> to vector<16xf32>
    %swap3A_219 = vector.shape_cast %broadcast_in_dim3A_215 : vector<16xf32> to vector<16xf32>
    tpu.vector_store %arg11[%swap3A_216], %swap3A_219 {strides = array<i32>} : memref<656xf32, #tpu.memory_space<vmem>>, vector<16xf32>,
    %broadcast_in_dim3A_220 = arith.constant 0.000000e+00 : f32
    %broadcast_in_dim3A_221 = vector.broadcast %broadcast_in_dim3A_220 : f32 to vector<16xf32>
    %swap3A_222 = arith.constant 592 : index
    %swap3A_223 = tpu.vector_load %arg11[%swap3A_222] {strides = array<i32>} : memref<656xf32, #tpu.memory_space<vmem>>, vector<16xf32>,
    %swap3A_224 = vector.shape_cast %swap3A_223 : vector<16xf32> to vector<16xf32>
    %swap3A_225 = vector.shape_cast %broadcast_in_dim3A_221 : vector<16xf32> to vector<16xf32>
    tpu.vector_store %arg11[%swap3A_222], %swap3A_225 {strides = array<i32>} : memref<656xf32, #tpu.memory_space<vmem>>, vector<16xf32>,
    %broadcast_in_dim3A_226 = arith.constant 0.000000e+00 : f32
    %broadcast_in_dim3A_227 = vector.broadcast %broadcast_in_dim3A_226 : f32 to vector<16xf32>
    %swap3A_228 = arith.constant 608 : index
    %swap3A_229 = tpu.vector_load %arg11[%swap3A_228] {strides = array<i32>} : memref<656xf32, #tpu.memory_space<vmem>>, vector<16xf32>,
    %swap3A_230 = vector.shape_cast %swap3A_229 : vector<16xf32> to vector<16xf32>
    %swap3A_231 = vector.shape_cast %broadcast_in_dim3A_227 : vector<16xf32> to vector<16xf32>
    tpu.vector_store %arg11[%swap3A_228], %swap3A_231 {strides = array<i32>} : memref<656xf32, #tpu.memory_space<vmem>>, vector<16xf32>,
    %broadcast_in_dim3A_232 = arith.constant 0.000000e+00 : f32
    %broadcast_in_dim3A_233 = vector.broadcast %broadcast_in_dim3A_232 : f32 to vector<16xf32>
    %swap3A_234 = arith.constant 624 : index
    %swap3A_235 = tpu.vector_load %arg11[%swap3A_234] {strides = array<i32>} : memref<656xf32, #tpu.memory_space<vmem>>, vector<16xf32>,
    %swap3A_236 = vector.shape_cast %swap3A_235 : vector<16xf32> to vector<16xf32>
    %swap3A_237 = vector.shape_cast %broadcast_in_dim3A_233 : vector<16xf32> to vector<16xf32>
    tpu.vector_store %arg11[%swap3A_234], %swap3A_237 {strides = array<i32>} : memref<656xf32, #tpu.memory_space<vmem>>, vector<16xf32>,
    %broadcast_in_dim3A_238 = arith.constant 0.000000e+00 : f32
    %broadcast_in_dim3A_239 = vector.broadcast %broadcast_in_dim3A_238 : f32 to vector<16xf32>
    %swap3A_240 = arith.constant 640 : index
    %swap3A_241 = tpu.vector_load %arg11[%swap3A_240] {strides = array<i32>} : memref<656xf32, #tpu.memory_space<vmem>>, vector<16xf32>,
    %swap3A_242 = vector.shape_cast %swap3A_241 : vector<16xf32> to vector<16xf32>
    %swap3A_243 = vector.shape_cast %broadcast_in_dim3A_239 : vector<16xf32> to vector<16xf32>
    tpu.vector_store %arg11[%swap3A_240], %swap3A_243 {strides = array<i32>} : memref<656xf32, #tpu.memory_space<vmem>>, vector<16xf32>,
    %eq3A = arith.constant 15 : i32
    %eq3A_244 = arith.cmpi eq, %arg1, %eq3A : i32
    %convert_element_type3A = arith.extui %eq3A_244 : i1 to i32
    %cond3A = arith.constant 0 : i32
    %cond3A_245 = arith.cmpi ne, %convert_element_type3A, %cond3A : i32
    scf.if %cond3A_245 {
      "tpu.region"() ({
        %run_scoped3A = tpu.sem_alloc : memref<!tpu.dma_semaphore, #tpu.memory_space<semaphore_mem>>
        %dma_start3A = arith.constant 9600 : i32
        %dma_start3A_318 = arith.constant 0 : i32
        %dma_start3A_319 = tpu.memref_slice %arg12[%dma_start3A, %dma_start3A_318] : memref<10248x128xf32, #tpu.memory_space<vmem_shared>> -> memref<648x128xf32, #tpu.memory_space<vmem_shared>>
        tpu.enqueue_dma source(%arg5 : memref<648x128xf32, #tpu.memory_space<hbm>>) target(%dma_start3A_319 : memref<648x128xf32, #tpu.memory_space<vmem_shared>>) target_semaphore(%run_scoped3A : memref<!tpu.dma_semaphore, #tpu.memory_space<semaphore_mem>>)
        %dma_wait3A = arith.constant 9600 : i32
        %dma_wait3A_320 = arith.constant 0 : i32
        %dma_wait3A_321 = tpu.memref_slice %arg12[%dma_wait3A, %dma_wait3A_320] : memref<10248x128xf32, #tpu.memory_space<vmem_shared>> -> memref<648x128xf32, #tpu.memory_space<vmem_shared>>
        tpu.wait_dma2 semaphore(%run_scoped3A : memref<!tpu.dma_semaphore, #tpu.memory_space<semaphore_mem>>) src(%arg5 : memref<648x128xf32, #tpu.memory_space<hbm>>) dst(%dma_wait3A_321 : memref<648x128xf32, #tpu.memory_space<vmem_shared>>)
        tpu.yield
      }) : () -> ()
      "tpu.region"() ({
        %run_scoped3A = tpu.sem_alloc : memref<!tpu.dma_semaphore, #tpu.memory_space<semaphore_mem>>
        %dma_start3A = arith.constant 0 : i32
        %dma_start3A_318 = tpu.memref_slice %arg11[%dma_start3A] : memref<656xf32, #tpu.memory_space<vmem>> -> memref<648xf32, #tpu.memory_space<vmem>>
        %dma_start3A_319 = arith.constant 9600 : i32
        %dma_start3A_320 = tpu.memref_slice %arg13[%dma_start3A_319] : memref<10248xf32, #tpu.memory_space<vmem_shared>> -> memref<648xf32, #tpu.memory_space<vmem_shared>>
        %dma_start3A_321 = arith.constant 9600 : i32
        %dma_start3A_322 = tpu.memref_slice %arg13[%dma_start3A_321] : memref<10248xf32, #tpu.memory_space<vmem_shared>> -> memref<648xf32, #tpu.memory_space<vmem_shared>>
        %dma_start3A_323 = arith.constant 0 : i32
        %dma_start3A_324 = tpu.memref_slice %arg11[%dma_start3A_323] : memref<656xf32, #tpu.memory_space<vmem>> -> memref<648xf32, #tpu.memory_space<vmem>>
        tpu.enqueue_dma source(%dma_start3A_324 : memref<648xf32, #tpu.memory_space<vmem>>) target(%dma_start3A_322 : memref<648xf32, #tpu.memory_space<vmem_shared>>) target_semaphore(%run_scoped3A : memref<!tpu.dma_semaphore, #tpu.memory_space<semaphore_mem>>)
        %dma_wait3A = arith.constant 0 : i32
        %dma_wait3A_325 = tpu.memref_slice %arg11[%dma_wait3A] : memref<656xf32, #tpu.memory_space<vmem>> -> memref<648xf32, #tpu.memory_space<vmem>>
        %dma_wait3A_326 = arith.constant 9600 : i32
        %dma_wait3A_327 = tpu.memref_slice %arg13[%dma_wait3A_326] : memref<10248xf32, #tpu.memory_space<vmem_shared>> -> memref<648xf32, #tpu.memory_space<vmem_shared>>
        %dma_wait3A_328 = arith.constant 9600 : i32
        %dma_wait3A_329 = tpu.memref_slice %arg13[%dma_wait3A_328] : memref<10248xf32, #tpu.memory_space<vmem_shared>> -> memref<648xf32, #tpu.memory_space<vmem_shared>>
        %dma_wait3A_330 = arith.constant 0 : i32
        %dma_wait3A_331 = tpu.memref_slice %arg11[%dma_wait3A_330] : memref<656xf32, #tpu.memory_space<vmem>> -> memref<648xf32, #tpu.memory_space<vmem>>
        tpu.wait_dma2 semaphore(%run_scoped3A : memref<!tpu.dma_semaphore, #tpu.memory_space<semaphore_mem>>) src(%dma_wait3A_331 : memref<648xf32, #tpu.memory_space<vmem>>) dst(%dma_wait3A_329 : memref<648xf32, #tpu.memory_space<vmem_shared>>)
        tpu.yield
      }) : () -> ()
    } else {
    }
    %ne3A = arith.constant 15 : i32
    %ne3A_246 = arith.cmpi ne, %arg1, %ne3A : i32
    %convert_element_type3A_247 = arith.extui %ne3A_246 : i1 to i32
    %cond3A_248 = arith.constant 0 : i32
    %cond3A_249 = arith.cmpi ne, %convert_element_type3A_247, %cond3A_248 : i32
    scf.if %cond3A_249 {
      %mul3A_318 = arith.constant 640 : i32
      %mul3A_319 = arith.muli %arg1, %mul3A_318 : i32
      "tpu.region"() ({
        %run_scoped3A = tpu.sem_alloc : memref<!tpu.dma_semaphore, #tpu.memory_space<semaphore_mem>>
        %dma_start3A = arith.constant 0 : i32
        %dma_start3A_322 = tpu.memref_slice %arg12[%mul3A_319, %dma_start3A] : memref<10248x128xf32, #tpu.memory_space<vmem_shared>> -> memref<640x128xf32, #tpu.memory_space<vmem_shared>>
        %dma_start3A_323 = arith.constant 0 : i32
        %dma_start3A_324 = arith.constant 0 : i32
        %dma_start3A_325 = tpu.memref_slice %arg5[%dma_start3A_323, %dma_start3A_324] : memref<648x128xf32, #tpu.memory_space<hbm>> -> memref<640x128xf32, #tpu.memory_space<hbm>>
        tpu.enqueue_dma source(%dma_start3A_325 : memref<640x128xf32, #tpu.memory_space<hbm>>) target(%dma_start3A_322 : memref<640x128xf32, #tpu.memory_space<vmem_shared>>) target_semaphore(%run_scoped3A : memref<!tpu.dma_semaphore, #tpu.memory_space<semaphore_mem>>)
        %dma_wait3A = arith.constant 0 : i32
        %dma_wait3A_326 = tpu.memref_slice %arg12[%mul3A_319, %dma_wait3A] : memref<10248x128xf32, #tpu.memory_space<vmem_shared>> -> memref<640x128xf32, #tpu.memory_space<vmem_shared>>
        %dma_wait3A_327 = arith.constant 0 : i32
        %dma_wait3A_328 = arith.constant 0 : i32
        %dma_wait3A_329 = tpu.memref_slice %arg5[%dma_wait3A_327, %dma_wait3A_328] : memref<648x128xf32, #tpu.memory_space<hbm>> -> memref<640x128xf32, #tpu.memory_space<hbm>>
        tpu.wait_dma2 semaphore(%run_scoped3A : memref<!tpu.dma_semaphore, #tpu.memory_space<semaphore_mem>>) src(%dma_wait3A_329 : memref<640x128xf32, #tpu.memory_space<hbm>>) dst(%dma_wait3A_326 : memref<640x128xf32, #tpu.memory_space<vmem_shared>>)
        tpu.yield
      }) : () -> ()
      %mul3A_320 = arith.constant 640 : i32
      %mul3A_321 = arith.muli %arg1, %mul3A_320 : i32
      "tpu.region"() ({
        %run_scoped3A = tpu.sem_alloc : memref<!tpu.dma_semaphore, #tpu.memory_space<semaphore_mem>>
        %dma_start3A = arith.constant 0 : i32
        %dma_start3A_322 = tpu.memref_slice %arg11[%dma_start3A] : memref<656xf32, #tpu.memory_space<vmem>> -> memref<640xf32, #tpu.memory_space<vmem>>
        %dma_start3A_323 = tpu.memref_slice %arg13[%mul3A_321] : memref<10248xf32, #tpu.memory_space<vmem_shared>> -> memref<640xf32, #tpu.memory_space<vmem_shared>>
        %dma_start3A_324 = tpu.memref_slice %arg13[%mul3A_321] : memref<10248xf32, #tpu.memory_space<vmem_shared>> -> memref<640xf32, #tpu.memory_space<vmem_shared>>
        %dma_start3A_325 = arith.constant 0 : i32
        %dma_start3A_326 = tpu.memref_slice %arg11[%dma_start3A_325] : memref<656xf32, #tpu.memory_space<vmem>> -> memref<640xf32, #tpu.memory_space<vmem>>
        tpu.enqueue_dma source(%dma_start3A_326 : memref<640xf32, #tpu.memory_space<vmem>>) target(%dma_start3A_324 : memref<640xf32, #tpu.memory_space<vmem_shared>>) target_semaphore(%run_scoped3A : memref<!tpu.dma_semaphore, #tpu.memory_space<semaphore_mem>>)
        %dma_wait3A = arith.constant 0 : i32
        %dma_wait3A_327 = tpu.memref_slice %arg11[%dma_wait3A] : memref<656xf32, #tpu.memory_space<vmem>> -> memref<640xf32, #tpu.memory_space<vmem>>
        %dma_wait3A_328 = tpu.memref_slice %arg13[%mul3A_321] : memref<10248xf32, #tpu.memory_space<vmem_shared>> -> memref<640xf32, #tpu.memory_space<vmem_shared>>
        %dma_wait3A_329 = tpu.memref_slice %arg13[%mul3A_321] : memref<10248xf32, #tpu.memory_space<vmem_shared>> -> memref<640xf32, #tpu.memory_space<vmem_shared>>
        %dma_wait3A_330 = arith.constant 0 : i32
        %dma_wait3A_331 = tpu.memref_slice %arg11[%dma_wait3A_330] : memref<656xf32, #tpu.memory_space<vmem>> -> memref<640xf32, #tpu.memory_space<vmem>>
        tpu.wait_dma2 semaphore(%run_scoped3A : memref<!tpu.dma_semaphore, #tpu.memory_space<semaphore_mem>>) src(%dma_wait3A_331 : memref<640xf32, #tpu.memory_space<vmem>>) dst(%dma_wait3A_329 : memref<640xf32, #tpu.memory_space<vmem_shared>>)
        tpu.yield
      }) : () -> ()
    } else {
    }
    %broadcast_in_dim3A_250 = arith.constant 1.000000e+00 : f32
    %broadcast_in_dim3A_251 = vector.broadcast %broadcast_in_dim3A_250 : f32 to vector<16xf32>
    %swap3A_252 = arith.constant 0 : index
    %swap3A_253 = tpu.vector_load %arg11[%swap3A_252] {strides = array<i32>} : memref<656xf32, #tpu.memory_space<vmem>>, vector<16xf32>,
    %swap3A_254 = vector.shape_cast %swap3A_253 : vector<16xf32> to vector<16xf32>
    %swap3A_255 = vector.shape_cast %broadcast_in_dim3A_251 : vector<16xf32> to vector<16xf32>
    tpu.vector_store %arg11[%swap3A_252], %swap3A_255 {strides = array<i32>} : memref<656xf32, #tpu.memory_space<vmem>>, vector<16xf32>,
    %broadcast_in_dim3A_256 = arith.constant 1.000000e+00 : f32
    %broadcast_in_dim3A_257 = vector.broadcast %broadcast_in_dim3A_256 : f32 to vector<16xf32>
    %swap3A_258 = arith.constant 16 : index
    %swap3A_259 = tpu.vector_load %arg11[%swap3A_258] {strides = array<i32>} : memref<656xf32, #tpu.memory_space<vmem>>, vector<16xf32>,
    %swap3A_260 = vector.shape_cast %swap3A_259 : vector<16xf32> to vector<16xf32>
    %swap3A_261 = vector.shape_cast %broadcast_in_dim3A_257 : vector<16xf32> to vector<16xf32>
    tpu.vector_store %arg11[%swap3A_258], %swap3A_261 {strides = array<i32>} : memref<656xf32, #tpu.memory_space<vmem>>, vector<16xf32>,
    %broadcast_in_dim3A_262 = arith.constant 1.000000e+00 : f32
    %broadcast_in_dim3A_263 = vector.broadcast %broadcast_in_dim3A_262 : f32 to vector<16xf32>
    %swap3A_264 = arith.constant 32 : index
    %swap3A_265 = tpu.vector_load %arg11[%swap3A_264] {strides = array<i32>} : memref<656xf32, #tpu.memory_space<vmem>>, vector<16xf32>,
    %swap3A_266 = vector.shape_cast %swap3A_265 : vector<16xf32> to vector<16xf32>
    %swap3A_267 = vector.shape_cast %broadcast_in_dim3A_263 : vector<16xf32> to vector<16xf32>
    tpu.vector_store %arg11[%swap3A_264], %swap3A_267 {strides = array<i32>} : memref<656xf32, #tpu.memory_space<vmem>>, vector<16xf32>,
    %broadcast_in_dim3A_268 = arith.constant 1.000000e+00 : f32
    %broadcast_in_dim3A_269 = vector.broadcast %broadcast_in_dim3A_268 : f32 to vector<16xf32>
    %swap3A_270 = arith.constant 48 : index
    %swap3A_271 = tpu.vector_load %arg11[%swap3A_270] {strides = array<i32>} : memref<656xf32, #tpu.memory_space<vmem>>, vector<16xf32>,
    %swap3A_272 = vector.shape_cast %swap3A_271 : vector<16xf32> to vector<16xf32>
    %swap3A_273 = vector.shape_cast %broadcast_in_dim3A_269 : vector<16xf32> to vector<16xf32>
    tpu.vector_store %arg11[%swap3A_270], %swap3A_273 {strides = array<i32>} : memref<656xf32, #tpu.memory_space<vmem>>, vector<16xf32>,
    %broadcast_in_dim3A_274 = arith.constant 1.000000e+00 : f32
    %broadcast_in_dim3A_275 = vector.broadcast %broadcast_in_dim3A_274 : f32 to vector<16xf32>
    %swap3A_276 = arith.constant 64 : index
    %swap3A_277 = tpu.vector_load %arg11[%swap3A_276] {strides = array<i32>} : memref<656xf32, #tpu.memory_space<vmem>>, vector<16xf32>,
    %swap3A_278 = vector.shape_cast %swap3A_277 : vector<16xf32> to vector<16xf32>
    %swap3A_279 = vector.shape_cast %broadcast_in_dim3A_275 : vector<16xf32> to vector<16xf32>
    tpu.vector_store %arg11[%swap3A_276], %swap3A_279 {strides = array<i32>} : memref<656xf32, #tpu.memory_space<vmem>>, vector<16xf32>,
    %broadcast_in_dim3A_280 = arith.constant 1.000000e+00 : f32
    %broadcast_in_dim3A_281 = vector.broadcast %broadcast_in_dim3A_280 : f32 to vector<16xf32>
    %swap3A_282 = arith.constant 80 : index
    %swap3A_283 = tpu.vector_load %arg11[%swap3A_282] {strides = array<i32>} : memref<656xf32, #tpu.memory_space<vmem>>, vector<16xf32>,
    %swap3A_284 = vector.shape_cast %swap3A_283 : vector<16xf32> to vector<16xf32>
    %swap3A_285 = vector.shape_cast %broadcast_in_dim3A_281 : vector<16xf32> to vector<16xf32>
    tpu.vector_store %arg11[%swap3A_282], %swap3A_285 {strides = array<i32>} : memref<656xf32, #tpu.memory_space<vmem>>, vector<16xf32>,
    %broadcast_in_dim3A_286 = arith.constant 1.000000e+00 : f32
    %broadcast_in_dim3A_287 = vector.broadcast %broadcast_in_dim3A_286 : f32 to vector<16xf32>
    %swap3A_288 = arith.constant 96 : index
    %swap3A_289 = tpu.vector_load %arg11[%swap3A_288] {strides = array<i32>} : memref<656xf32, #tpu.memory_space<vmem>>, vector<16xf32>,
    %swap3A_290 = vector.shape_cast %swap3A_289 : vector<16xf32> to vector<16xf32>
    %swap3A_291 = vector.shape_cast %broadcast_in_dim3A_287 : vector<16xf32> to vector<16xf32>
    tpu.vector_store %arg11[%swap3A_288], %swap3A_291 {strides = array<i32>} : memref<656xf32, #tpu.memory_space<vmem>>, vector<16xf32>,
    %broadcast_in_dim3A_292 = arith.constant 1.000000e+00 : f32
    %broadcast_in_dim3A_293 = vector.broadcast %broadcast_in_dim3A_292 : f32 to vector<16xf32>
    %swap3A_294 = arith.constant 112 : index
    %swap3A_295 = tpu.vector_load %arg11[%swap3A_294] {strides = array<i32>} : memref<656xf32, #tpu.memory_space<vmem>>, vector<16xf32>,
    %swap3A_296 = vector.shape_cast %swap3A_295 : vector<16xf32> to vector<16xf32>
    %swap3A_297 = vector.shape_cast %broadcast_in_dim3A_293 : vector<16xf32> to vector<16xf32>
    tpu.vector_store %arg11[%swap3A_294], %swap3A_297 {strides = array<i32>} : memref<656xf32, #tpu.memory_space<vmem>>, vector<16xf32>,
    %barrier3A = arith.constant 0 : index
    tpu.barrier barrier_id(%barrier3A)
    %mul3A = arith.constant 16 : i32
    %mul3A_298 = arith.muli %arg0, %mul3A : i32
    %add3A = arith.addi %mul3A_298, %arg1 : i32
    %mul3A_299 = arith.constant 80 : i32
    %mul3A_300 = arith.muli %add3A, %mul3A_299 : i32
    %scan3A = arith.constant 0 : i32
    %scan3A_301 = arith.constant 0 : i32
    %scan3A_302 = arith.constant 2 : i32
    %scan3A_303 = arith.addi %scan3A_301, %scan3A_302 : i32
    %scan3A_304 = arith.constant 1 : i32
    scf.for %scan3A_318 = %scan3A_301 to %scan3A_303 step %scan3A_304  : i32 {
      %mul3A_319 = arith.constant 40 : i32
      %mul3A_320 = arith.muli %scan3A_318, %mul3A_319 : i32
      %add3A_321 = arith.addi %mul3A_300, %mul3A_320 : i32
      "tpu.region"() ({
        %run_scoped3A = tpu.sem_alloc : memref<!tpu.dma_semaphore, #tpu.memory_space<semaphore_mem>>
        %dma_start3A = arith.constant 0 : i32
        %dma_start3A_354 = tpu.memref_slice %arg2[%add3A_321, %dma_start3A] : memref<2560x128xi32, #tpu.memory_space<hbm>> -> memref<40x128xi32, #tpu.memory_space<hbm>>
        %dma_start3A_355 = arith.constant 0 : i32
        %dma_start3A_356 = tpu.memref_slice %arg2[%add3A_321, %dma_start3A_355] : memref<2560x128xi32, #tpu.memory_space<hbm>> -> memref<40x128xi32, #tpu.memory_space<hbm>>
        tpu.enqueue_dma source(%dma_start3A_356 : memref<40x128xi32, #tpu.memory_space<hbm>>) target(%arg8 : memref<40x128xi32, #tpu.memory_space<vmem>>) target_semaphore(%run_scoped3A : memref<!tpu.dma_semaphore, #tpu.memory_space<semaphore_mem>>)
        %dma_wait3A_357 = arith.constant 0 : i32
        %dma_wait3A_358 = tpu.memref_slice %arg2[%add3A_321, %dma_wait3A_357] : memref<2560x128xi32, #tpu.memory_space<hbm>> -> memref<40x128xi32, #tpu.memory_space<hbm>>
        %dma_wait3A_359 = arith.constant 0 : i32
        %dma_wait3A_360 = tpu.memref_slice %arg2[%add3A_321, %dma_wait3A_359] : memref<2560x128xi32, #tpu.memory_space<hbm>> -> memref<40x128xi32, #tpu.memory_space<hbm>>
        tpu.wait_dma2 semaphore(%run_scoped3A : memref<!tpu.dma_semaphore, #tpu.memory_space<semaphore_mem>>) src(%dma_wait3A_360 : memref<40x128xi32, #tpu.memory_space<hbm>>) dst(%arg8 : memref<40x128xi32, #tpu.memory_space<vmem>>)
        tpu.yield
      }) : () -> ()
      %mul3A_322 = arith.constant 40 : i32
      %mul3A_323 = arith.muli %scan3A_318, %mul3A_322 : i32
      %add3A_324 = arith.addi %mul3A_300, %mul3A_323 : i32
      "tpu.region"() ({
        %run_scoped3A = tpu.sem_alloc : memref<!tpu.dma_semaphore, #tpu.memory_space<semaphore_mem>>
        %dma_start3A = arith.constant 0 : i32
        %dma_start3A_354 = tpu.memref_slice %arg3[%add3A_324, %dma_start3A] : memref<2560x128xi32, #tpu.memory_space<hbm>> -> memref<40x128xi32, #tpu.memory_space<hbm>>
        %dma_start3A_355 = arith.constant 0 : i32
        %dma_start3A_356 = tpu.memref_slice %arg3[%add3A_324, %dma_start3A_355] : memref<2560x128xi32, #tpu.memory_space<hbm>> -> memref<40x128xi32, #tpu.memory_space<hbm>>
        tpu.enqueue_dma source(%dma_start3A_356 : memref<40x128xi32, #tpu.memory_space<hbm>>) target(%arg9 : memref<40x128xi32, #tpu.memory_space<vmem>>) target_semaphore(%run_scoped3A : memref<!tpu.dma_semaphore, #tpu.memory_space<semaphore_mem>>)
        %dma_wait3A_357 = arith.constant 0 : i32
        %dma_wait3A_358 = tpu.memref_slice %arg3[%add3A_324, %dma_wait3A_357] : memref<2560x128xi32, #tpu.memory_space<hbm>> -> memref<40x128xi32, #tpu.memory_space<hbm>>
        %dma_wait3A_359 = arith.constant 0 : i32
        %dma_wait3A_360 = tpu.memref_slice %arg3[%add3A_324, %dma_wait3A_359] : memref<2560x128xi32, #tpu.memory_space<hbm>> -> memref<40x128xi32, #tpu.memory_space<hbm>>
        tpu.wait_dma2 semaphore(%run_scoped3A : memref<!tpu.dma_semaphore, #tpu.memory_space<semaphore_mem>>) src(%dma_wait3A_360 : memref<40x128xi32, #tpu.memory_space<hbm>>) dst(%arg9 : memref<40x128xi32, #tpu.memory_space<vmem>>)
        tpu.yield
      }) : () -> ()
      %scan3A_325 = arith.constant 0 : i32
      %scan3A_326 = arith.constant 0 : i32
      %scan3A_327 = arith.constant 10 : i32
      %scan3A_328 = arith.addi %scan3A_326, %scan3A_327 : i32
      %scan3A_329 = arith.constant 1 : i32
      scf.for %scan3A_354 = %scan3A_326 to %scan3A_328 step %scan3A_329  : i32 {
        %mul3A_355 = arith.constant 4 : i32
        %mul3A_356 = arith.muli %scan3A_354, %mul3A_355 : i32
        %add3A_357 = arith.constant 0 : i32
        %add3A_358 = arith.addi %mul3A_356, %add3A_357 : i32
        %gt3A = arith.constant 0 : i32
        %gt3A_359 = arith.cmpi sgt, %scan3A_354, %gt3A : i32
        %convert_element_type3A_360 = arith.extui %gt3A_359 : i1 to i32
        %cond3A_361 = arith.constant 0 : i32
        %cond3A_362 = arith.cmpi ne, %convert_element_type3A_360, %cond3A_361 : i32
        scf.if %cond3A_362 {
          %dma_wait3A_572 = arith.constant 0 : i32
          %dma_wait3A_573 = arith.constant 0 : i32
          %dma_wait3A_574 = arith.constant 0 : i32
          %dma_wait3A_575 = tpu.memref_slice %arg10[%dma_wait3A_572, %dma_wait3A_573, %dma_wait3A_574] : memref<2x128x128xf32, #tpu.memory_space<vmem>> -> memref<1x128x128xf32, #tpu.memory_space<vmem>>
          %dma_wait3A_576 = tpu.memref_squeeze %dma_wait3A_575 : memref<1x128x128xf32, #tpu.memory_space<vmem>> -> memref<128x128xf32, #tpu.memory_space<vmem>>
          %dma_wait3A_577 = arith.constant 0 : i32
          %dma_wait3A_578 = tpu.memref_slice %arg9[%add3A_358, %dma_wait3A_577] : memref<40x128xi32, #tpu.memory_space<vmem>> -> memref<1x128xi32, #tpu.memory_space<vmem>>
          %dma_wait3A_579 = tpu.memref_squeeze %dma_wait3A_578 : memref<1x128xi32, #tpu.memory_space<vmem>> -> memref<128xi32, #tpu.memory_space<vmem>>
          %dma_wait3A_580 = arith.constant 0 : i32
          %dma_wait3A_581 = arith.constant 0 : i32
          %dma_wait3A_582 = tpu.memref_slice %arg12[%dma_wait3A_580, %dma_wait3A_581] : memref<10248x128xf32, #tpu.memory_space<vmem_shared>> -> memref<10248x128xf32, #tpu.memory_space<vmem_shared>>
          tpu.wait_indirect_dma semaphore(%arg16 : memref<!tpu.dma_semaphore, #tpu.memory_space<semaphore_mem>>) src(%dma_wait3A_576 : memref<128x128xf32, #tpu.memory_space<vmem>>) dst(%dma_wait3A_582 : memref<10248x128xf32, #tpu.memory_space<vmem_shared>>)
        } else {
        }
        %dma_start3A = arith.constant 0 : i32
        %dma_start3A_363 = arith.constant 0 : i32
        %dma_start3A_364 = arith.constant 0 : i32
        %dma_start3A_365 = tpu.memref_slice %arg10[%dma_start3A, %dma_start3A_363, %dma_start3A_364] : memref<2x128x128xf32, #tpu.memory_space<vmem>> -> memref<1x128x128xf32, #tpu.memory_space<vmem>>
        %dma_start3A_366 = tpu.memref_squeeze %dma_start3A_365 : memref<1x128x128xf32, #tpu.memory_space<vmem>> -> memref<128x128xf32, #tpu.memory_space<vmem>>
        %dma_start3A_367 = arith.constant 0 : i32
        %dma_start3A_368 = tpu.memref_slice %arg8[%add3A_358, %dma_start3A_367] : memref<40x128xi32, #tpu.memory_space<vmem>> -> memref<1x128xi32, #tpu.memory_space<vmem>>
        %dma_start3A_369 = tpu.memref_squeeze %dma_start3A_368 : memref<1x128xi32, #tpu.memory_space<vmem>> -> memref<128xi32, #tpu.memory_space<vmem>>
        %dma_start3A_370 = arith.constant 0 : i32
        %dma_start3A_371 = arith.constant 0 : i32
        %dma_start3A_372 = tpu.memref_slice %arg4[%dma_start3A_370, %dma_start3A_371] : memref<10240x128xf32, #tpu.memory_space<hbm>> -> memref<10240x128xf32, #tpu.memory_space<hbm>>
        tpu.enqueue_indirect_dma source(%dma_start3A_372 : memref<10240x128xf32, #tpu.memory_space<hbm>>) target(%dma_start3A_366 : memref<128x128xf32, #tpu.memory_space<vmem>>) offsets(%dma_start3A_369 : memref<128xi32, #tpu.memory_space<vmem>>) semaphore(%arg14 : memref<!tpu.dma_semaphore, #tpu.memory_space<semaphore_mem>>)
        %gt3A_373 = arith.constant 0 : i32
        %gt3A_374 = arith.cmpi sgt, %scan3A_354, %gt3A_373 : i32
        %convert_element_type3A_375 = arith.extui %gt3A_374 : i1 to i32
        %cond3A_376 = arith.constant 0 : i32
        %cond3A_377 = arith.cmpi ne, %convert_element_type3A_375, %cond3A_376 : i32
        scf.if %cond3A_377 {
          %dma_wait3A_572 = arith.constant 1 : i32
          %dma_wait3A_573 = arith.constant 0 : i32
          %dma_wait3A_574 = arith.constant 0 : i32
          %dma_wait3A_575 = tpu.memref_slice %arg10[%dma_wait3A_572, %dma_wait3A_573, %dma_wait3A_574] : memref<2x128x128xf32, #tpu.memory_space<vmem>> -> memref<1x128x128xf32, #tpu.memory_space<vmem>>
          %dma_wait3A_576 = tpu.memref_squeeze %dma_wait3A_575 : memref<1x128x128xf32, #tpu.memory_space<vmem>> -> memref<128x128xf32, #tpu.memory_space<vmem>>
          %dma_wait3A_577 = arith.constant 0 : i32
          %dma_wait3A_578 = tpu.memref_slice %arg9[%add3A_358, %dma_wait3A_577] : memref<40x128xi32, #tpu.memory_space<vmem>> -> memref<1x128xi32, #tpu.memory_space<vmem>>
          %dma_wait3A_579 = tpu.memref_squeeze %dma_wait3A_578 : memref<1x128xi32, #tpu.memory_space<vmem>> -> memref<128xi32, #tpu.memory_space<vmem>>
          %dma_wait3A_580 = arith.constant 0 : i32
          %dma_wait3A_581 = arith.constant 0 : i32
          %dma_wait3A_582 = tpu.memref_slice %arg12[%dma_wait3A_580, %dma_wait3A_581] : memref<10248x128xf32, #tpu.memory_space<vmem_shared>> -> memref<10248x128xf32, #tpu.memory_space<vmem_shared>>
          tpu.wait_indirect_dma semaphore(%arg17 : memref<!tpu.dma_semaphore, #tpu.memory_space<semaphore_mem>>) src(%dma_wait3A_576 : memref<128x128xf32, #tpu.memory_space<vmem>>) dst(%dma_wait3A_582 : memref<10248x128xf32, #tpu.memory_space<vmem_shared>>)
        } else {
        }
        %add3A_378 = arith.constant 1 : i32
        %add3A_379 = arith.addi %add3A_358, %add3A_378 : i32
        %dma_start3A_380 = arith.constant 1 : i32
        %dma_start3A_381 = arith.constant 0 : i32
        %dma_start3A_382 = arith.constant 0 : i32
        %dma_start3A_383 = tpu.memref_slice %arg10[%dma_start3A_380, %dma_start3A_381, %dma_start3A_382] : memref<2x128x128xf32, #tpu.memory_space<vmem>> -> memref<1x128x128xf32, #tpu.memory_space<vmem>>
        %dma_start3A_384 = tpu.memref_squeeze %dma_start3A_383 : memref<1x128x128xf32, #tpu.memory_space<vmem>> -> memref<128x128xf32, #tpu.memory_space<vmem>>
        %dma_start3A_385 = arith.constant 0 : i32
        %dma_start3A_386 = tpu.memref_slice %arg8[%add3A_379, %dma_start3A_385] : memref<40x128xi32, #tpu.memory_space<vmem>> -> memref<1x128xi32, #tpu.memory_space<vmem>>
        %dma_start3A_387 = tpu.memref_squeeze %dma_start3A_386 : memref<1x128xi32, #tpu.memory_space<vmem>> -> memref<128xi32, #tpu.memory_space<vmem>>
        %dma_start3A_388 = arith.constant 0 : i32
        %dma_start3A_389 = arith.constant 0 : i32
        %dma_start3A_390 = tpu.memref_slice %arg4[%dma_start3A_388, %dma_start3A_389] : memref<10240x128xf32, #tpu.memory_space<hbm>> -> memref<10240x128xf32, #tpu.memory_space<hbm>>
        tpu.enqueue_indirect_dma source(%dma_start3A_390 : memref<10240x128xf32, #tpu.memory_space<hbm>>) target(%dma_start3A_384 : memref<128x128xf32, #tpu.memory_space<vmem>>) offsets(%dma_start3A_387 : memref<128xi32, #tpu.memory_space<vmem>>) semaphore(%arg15 : memref<!tpu.dma_semaphore, #tpu.memory_space<semaphore_mem>>)
        %dma_wait3A_391 = arith.constant 0 : i32
        %dma_wait3A_392 = arith.constant 0 : i32
        %dma_wait3A_393 = arith.constant 0 : i32
        %dma_wait3A_394 = tpu.memref_slice %arg10[%dma_wait3A_391, %dma_wait3A_392, %dma_wait3A_393] : memref<2x128x128xf32, #tpu.memory_space<vmem>> -> memref<1x128x128xf32, #tpu.memory_space<vmem>>
        %dma_wait3A_395 = tpu.memref_squeeze %dma_wait3A_394 : memref<1x128x128xf32, #tpu.memory_space<vmem>> -> memref<128x128xf32, #tpu.memory_space<vmem>>
        %dma_wait3A_396 = arith.constant 0 : i32
        %dma_wait3A_397 = tpu.memref_slice %arg8[%add3A_358, %dma_wait3A_396] : memref<40x128xi32, #tpu.memory_space<vmem>> -> memref<1x128xi32, #tpu.memory_space<vmem>>
        %dma_wait3A_398 = tpu.memref_squeeze %dma_wait3A_397 : memref<1x128xi32, #tpu.memory_space<vmem>> -> memref<128xi32, #tpu.memory_space<vmem>>
        %dma_wait3A_399 = arith.constant 0 : i32
        %dma_wait3A_400 = arith.constant 0 : i32
        %dma_wait3A_401 = tpu.memref_slice %arg4[%dma_wait3A_399, %dma_wait3A_400] : memref<10240x128xf32, #tpu.memory_space<hbm>> -> memref<10240x128xf32, #tpu.memory_space<hbm>>
        tpu.wait_indirect_dma semaphore(%arg14 : memref<!tpu.dma_semaphore, #tpu.memory_space<semaphore_mem>>) src(%dma_wait3A_401 : memref<10240x128xf32, #tpu.memory_space<hbm>>) dst(%dma_wait3A_395 : memref<128x128xf32, #tpu.memory_space<vmem>>)
        %dma_start3A_402 = arith.constant 0 : i32
        %dma_start3A_403 = arith.constant 0 : i32
        %dma_start3A_404 = arith.constant 0 : i32
        %dma_start3A_405 = tpu.memref_slice %arg10[%dma_start3A_402, %dma_start3A_403, %dma_start3A_404] : memref<2x128x128xf32, #tpu.memory_space<vmem>> -> memref<1x128x128xf32, #tpu.memory_space<vmem>>
        %dma_start3A_406 = tpu.memref_squeeze %dma_start3A_405 : memref<1x128x128xf32, #tpu.memory_space<vmem>> -> memref<128x128xf32, #tpu.memory_space<vmem>>
        %dma_start3A_407 = arith.constant 0 : i32
        %dma_start3A_408 = tpu.memref_slice %arg9[%add3A_358, %dma_start3A_407] : memref<40x128xi32, #tpu.memory_space<vmem>> -> memref<1x128xi32, #tpu.memory_space<vmem>>
        %dma_start3A_409 = tpu.memref_squeeze %dma_start3A_408 : memref<1x128xi32, #tpu.memory_space<vmem>> -> memref<128xi32, #tpu.memory_space<vmem>>
        %dma_start3A_410 = arith.constant 0 : i32
        %dma_start3A_411 = arith.constant 0 : i32
        %dma_start3A_412 = tpu.memref_slice %arg12[%dma_start3A_410, %dma_start3A_411] : memref<10248x128xf32, #tpu.memory_space<vmem_shared>> -> memref<10248x128xf32, #tpu.memory_space<vmem_shared>>
        tpu.enqueue_indirect_dma source(%dma_start3A_406 : memref<128x128xf32, #tpu.memory_space<vmem>>) target(%dma_start3A_412 : memref<10248x128xf32, #tpu.memory_space<vmem_shared>>) offsets(%dma_start3A_409 : memref<128xi32, #tpu.memory_space<vmem>>) semaphore(%arg16 : memref<!tpu.dma_semaphore, #tpu.memory_space<semaphore_mem>>) {add = true}
        %mul3A_413 = arith.constant 40 : i32
        %mul3A_414 = arith.muli %scan3A_318, %mul3A_413 : i32
        %add3A_415 = arith.addi %mul3A_300, %mul3A_414 : i32
        %add3A_416 = arith.addi %add3A_415, %add3A_358 : i32
        %lt3A = arith.constant 2500 : i32
        %lt3A_417 = arith.cmpi slt, %add3A_416, %lt3A : i32
        %convert_element_type3A_418 = arith.extui %lt3A_417 : i1 to i32
        %cond3A_419 = arith.constant 0 : i32
        %cond3A_420 = arith.cmpi ne, %convert_element_type3A_418, %cond3A_419 : i32
        scf.if %cond3A_420 {
          "tpu.region"() ({
            %run_scoped3A = tpu.sem_alloc : memref<!tpu.dma_semaphore, #tpu.memory_space<semaphore_mem>>
            %dma_start3A_572 = arith.constant 0 : i32
            %dma_start3A_573 = tpu.memref_slice %arg11[%dma_start3A_572] : memref<656xf32, #tpu.memory_space<vmem>> -> memref<128xf32, #tpu.memory_space<vmem>>
            %dma_start3A_574 = arith.constant 0 : i32
            %dma_start3A_575 = tpu.memref_slice %arg9[%add3A_358, %dma_start3A_574] : memref<40x128xi32, #tpu.memory_space<vmem>> -> memref<1x128xi32, #tpu.memory_space<vmem>>
            %dma_start3A_576 = tpu.memref_squeeze %dma_start3A_575 : memref<1x128xi32, #tpu.memory_space<vmem>> -> memref<128xi32, #tpu.memory_space<vmem>>
            %dma_start3A_577 = arith.constant 0 : i32
            %dma_start3A_578 = tpu.memref_slice %arg13[%dma_start3A_577] : memref<10248xf32, #tpu.memory_space<vmem_shared>> -> memref<10248xf32, #tpu.memory_space<vmem_shared>>
            tpu.enqueue_indirect_dma source(%dma_start3A_573 : memref<128xf32, #tpu.memory_space<vmem>>) target(%dma_start3A_578 : memref<10248xf32, #tpu.memory_space<vmem_shared>>) offsets(%dma_start3A_576 : memref<128xi32, #tpu.memory_space<vmem>>) semaphore(%run_scoped3A : memref<!tpu.dma_semaphore, #tpu.memory_space<semaphore_mem>>) {add = true}
            %dma_wait3A_579 = arith.constant 0 : i32
            %dma_wait3A_580 = tpu.memref_slice %arg11[%dma_wait3A_579] : memref<656xf32, #tpu.memory_space<vmem>> -> memref<128xf32, #tpu.memory_space<vmem>>
            %dma_wait3A_581 = arith.constant 0 : i32
            %dma_wait3A_582 = tpu.memref_slice %arg9[%add3A_358, %dma_wait3A_581] : memref<40x128xi32, #tpu.memory_space<vmem>> -> memref<1x128xi32, #tpu.memory_space<vmem>>
            %dma_wait3A_583 = tpu.memref_squeeze %dma_wait3A_582 : memref<1x128xi32, #tpu.memory_space<vmem>> -> memref<128xi32, #tpu.memory_space<vmem>>
            %dma_wait3A_584 = arith.constant 0 : i32
            %dma_wait3A_585 = tpu.memref_slice %arg13[%dma_wait3A_584] : memref<10248xf32, #tpu.memory_space<vmem_shared>> -> memref<10248xf32, #tpu.memory_space<vmem_shared>>
            tpu.wait_indirect_dma semaphore(%run_scoped3A : memref<!tpu.dma_semaphore, #tpu.memory_space<semaphore_mem>>) src(%dma_wait3A_580 : memref<128xf32, #tpu.memory_space<vmem>>) dst(%dma_wait3A_585 : memref<10248xf32, #tpu.memory_space<vmem_shared>>)
            tpu.yield
          }) : () -> ()
        } else {
        }
        %dma_wait3A_421 = arith.constant 1 : i32
        %dma_wait3A_422 = arith.constant 0 : i32
        %dma_wait3A_423 = arith.constant 0 : i32
        %dma_wait3A_424 = tpu.memref_slice %arg10[%dma_wait3A_421, %dma_wait3A_422, %dma_wait3A_423] : memref<2x128x128xf32, #tpu.memory_space<vmem>> -> memref<1x128x128xf32, #tpu.memory_space<vmem>>
        %dma_wait3A_425 = tpu.memref_squeeze %dma_wait3A_424 : memref<1x128x128xf32, #tpu.memory_space<vmem>> -> memref<128x128xf32, #tpu.memory_space<vmem>>
        %dma_wait3A_426 = arith.constant 0 : i32
        %dma_wait3A_427 = tpu.memref_slice %arg8[%add3A_379, %dma_wait3A_426] : memref<40x128xi32, #tpu.memory_space<vmem>> -> memref<1x128xi32, #tpu.memory_space<vmem>>
        %dma_wait3A_428 = tpu.memref_squeeze %dma_wait3A_427 : memref<1x128xi32, #tpu.memory_space<vmem>> -> memref<128xi32, #tpu.memory_space<vmem>>
        %dma_wait3A_429 = arith.constant 0 : i32
        %dma_wait3A_430 = arith.constant 0 : i32
        %dma_wait3A_431 = tpu.memref_slice %arg4[%dma_wait3A_429, %dma_wait3A_430] : memref<10240x128xf32, #tpu.memory_space<hbm>> -> memref<10240x128xf32, #tpu.memory_space<hbm>>
        tpu.wait_indirect_dma semaphore(%arg15 : memref<!tpu.dma_semaphore, #tpu.memory_space<semaphore_mem>>) src(%dma_wait3A_431 : memref<10240x128xf32, #tpu.memory_space<hbm>>) dst(%dma_wait3A_425 : memref<128x128xf32, #tpu.memory_space<vmem>>)
        %add3A_432 = arith.constant 1 : i32
        %add3A_433 = arith.addi %add3A_358, %add3A_432 : i32
        %dma_start3A_434 = arith.constant 1 : i32
        %dma_start3A_435 = arith.constant 0 : i32
        %dma_start3A_436 = arith.constant 0 : i32
        %dma_start3A_437 = tpu.memref_slice %arg10[%dma_start3A_434, %dma_start3A_435, %dma_start3A_436] : memref<2x128x128xf32, #tpu.memory_space<vmem>> -> memref<1x128x128xf32, #tpu.memory_space<vmem>>
        %dma_start3A_438 = tpu.memref_squeeze %dma_start3A_437 : memref<1x128x128xf32, #tpu.memory_space<vmem>> -> memref<128x128xf32, #tpu.memory_space<vmem>>
        %dma_start3A_439 = arith.constant 0 : i32
        %dma_start3A_440 = tpu.memref_slice %arg9[%add3A_433, %dma_start3A_439] : memref<40x128xi32, #tpu.memory_space<vmem>> -> memref<1x128xi32, #tpu.memory_space<vmem>>
        %dma_start3A_441 = tpu.memref_squeeze %dma_start3A_440 : memref<1x128xi32, #tpu.memory_space<vmem>> -> memref<128xi32, #tpu.memory_space<vmem>>
        %dma_start3A_442 = arith.constant 0 : i32
        %dma_start3A_443 = arith.constant 0 : i32
        %dma_start3A_444 = tpu.memref_slice %arg12[%dma_start3A_442, %dma_start3A_443] : memref<10248x128xf32, #tpu.memory_space<vmem_shared>> -> memref<10248x128xf32, #tpu.memory_space<vmem_shared>>
        tpu.enqueue_indirect_dma source(%dma_start3A_438 : memref<128x128xf32, #tpu.memory_space<vmem>>) target(%dma_start3A_444 : memref<10248x128xf32, #tpu.memory_space<vmem_shared>>) offsets(%dma_start3A_441 : memref<128xi32, #tpu.memory_space<vmem>>) semaphore(%arg17 : memref<!tpu.dma_semaphore, #tpu.memory_space<semaphore_mem>>) {add = true}
        %mul3A_445 = arith.constant 40 : i32
        %mul3A_446 = arith.muli %scan3A_318, %mul3A_445 : i32
        %add3A_447 = arith.addi %mul3A_300, %mul3A_446 : i32
        %add3A_448 = arith.addi %add3A_447, %add3A_358 : i32
        %add3A_449 = arith.constant 1 : i32
        %add3A_450 = arith.addi %add3A_448, %add3A_449 : i32
        %lt3A_451 = arith.constant 2500 : i32
        %lt3A_452 = arith.cmpi slt, %add3A_450, %lt3A_451 : i32
        %convert_element_type3A_453 = arith.extui %lt3A_452 : i1 to i32
        %cond3A_454 = arith.constant 0 : i32
        %cond3A_455 = arith.cmpi ne, %convert_element_type3A_453, %cond3A_454 : i32
        scf.if %cond3A_455 {
          %add3A_572 = arith.constant 1 : i32
          %add3A_573 = arith.addi %add3A_358, %add3A_572 : i32
          "tpu.region"() ({
            %run_scoped3A = tpu.sem_alloc : memref<!tpu.dma_semaphore, #tpu.memory_space<semaphore_mem>>
            %dma_start3A_574 = arith.constant 0 : i32
            %dma_start3A_575 = tpu.memref_slice %arg11[%dma_start3A_574] : memref<656xf32, #tpu.memory_space<vmem>> -> memref<128xf32, #tpu.memory_space<vmem>>
            %dma_start3A_576 = arith.constant 0 : i32
            %dma_start3A_577 = tpu.memref_slice %arg9[%add3A_573, %dma_start3A_576] : memref<40x128xi32, #tpu.memory_space<vmem>> -> memref<1x128xi32, #tpu.memory_space<vmem>>
            %dma_start3A_578 = tpu.memref_squeeze %dma_start3A_577 : memref<1x128xi32, #tpu.memory_space<vmem>> -> memref<128xi32, #tpu.memory_space<vmem>>
            %dma_start3A_579 = arith.constant 0 : i32
            %dma_start3A_580 = tpu.memref_slice %arg13[%dma_start3A_579] : memref<10248xf32, #tpu.memory_space<vmem_shared>> -> memref<10248xf32, #tpu.memory_space<vmem_shared>>
            tpu.enqueue_indirect_dma source(%dma_start3A_575 : memref<128xf32, #tpu.memory_space<vmem>>) target(%dma_start3A_580 : memref<10248xf32, #tpu.memory_space<vmem_shared>>) offsets(%dma_start3A_578 : memref<128xi32, #tpu.memory_space<vmem>>) semaphore(%run_scoped3A : memref<!tpu.dma_semaphore, #tpu.memory_space<semaphore_mem>>) {add = true}
            %dma_wait3A_581 = arith.constant 0 : i32
            %dma_wait3A_582 = tpu.memref_slice %arg11[%dma_wait3A_581] : memref<656xf32, #tpu.memory_space<vmem>> -> memref<128xf32, #tpu.memory_space<vmem>>
            %dma_wait3A_583 = arith.constant 0 : i32
            %dma_wait3A_584 = tpu.memref_slice %arg9[%add3A_573, %dma_wait3A_583] : memref<40x128xi32, #tpu.memory_space<vmem>> -> memref<1x128xi32, #tpu.memory_space<vmem>>
            %dma_wait3A_585 = tpu.memref_squeeze %dma_wait3A_584 : memref<1x128xi32, #tpu.memory_space<vmem>> -> memref<128xi32, #tpu.memory_space<vmem>>
            %dma_wait3A_586 = arith.constant 0 : i32
            %dma_wait3A_587 = tpu.memref_slice %arg13[%dma_wait3A_586] : memref<10248xf32, #tpu.memory_space<vmem_shared>> -> memref<10248xf32, #tpu.memory_space<vmem_shared>>
            tpu.wait_indirect_dma semaphore(%run_scoped3A : memref<!tpu.dma_semaphore, #tpu.memory_space<semaphore_mem>>) src(%dma_wait3A_582 : memref<128xf32, #tpu.memory_space<vmem>>) dst(%dma_wait3A_587 : memref<10248xf32, #tpu.memory_space<vmem_shared>>)
            tpu.yield
          }) : () -> ()
        } else {
        }
        %mul3A_456 = arith.constant 4 : i32
        %mul3A_457 = arith.muli %scan3A_354, %mul3A_456 : i32
        %add3A_458 = arith.constant 2 : i32
        %add3A_459 = arith.addi %mul3A_457, %add3A_458 : i32
        %dma_wait3A_460 = arith.constant 0 : i32
        %dma_wait3A_461 = arith.constant 0 : i32
        %dma_wait3A_462 = arith.constant 0 : i32
        %dma_wait3A_463 = tpu.memref_slice %arg10[%dma_wait3A_460, %dma_wait3A_461, %dma_wait3A_462] : memref<2x128x128xf32, #tpu.memory_space<vmem>> -> memref<1x128x128xf32, #tpu.memory_space<vmem>>
        %dma_wait3A_464 = tpu.memref_squeeze %dma_wait3A_463 : memref<1x128x128xf32, #tpu.memory_space<vmem>> -> memref<128x128xf32, #tpu.memory_space<vmem>>
        %dma_wait3A_465 = arith.constant 0 : i32
        %dma_wait3A_466 = tpu.memref_slice %arg9[%add3A_459, %dma_wait3A_465] : memref<40x128xi32, #tpu.memory_space<vmem>> -> memref<1x128xi32, #tpu.memory_space<vmem>>
        %dma_wait3A_467 = tpu.memref_squeeze %dma_wait3A_466 : memref<1x128xi32, #tpu.memory_space<vmem>> -> memref<128xi32, #tpu.memory_space<vmem>>
        %dma_wait3A_468 = arith.constant 0 : i32
        %dma_wait3A_469 = arith.constant 0 : i32
        %dma_wait3A_470 = tpu.memref_slice %arg12[%dma_wait3A_468, %dma_wait3A_469] : memref<10248x128xf32, #tpu.memory_space<vmem_shared>> -> memref<10248x128xf32, #tpu.memory_space<vmem_shared>>
        tpu.wait_indirect_dma semaphore(%arg16 : memref<!tpu.dma_semaphore, #tpu.memory_space<semaphore_mem>>) src(%dma_wait3A_464 : memref<128x128xf32, #tpu.memory_space<vmem>>) dst(%dma_wait3A_470 : memref<10248x128xf32, #tpu.memory_space<vmem_shared>>)
        %dma_start3A_471 = arith.constant 0 : i32
        %dma_start3A_472 = arith.constant 0 : i32
        %dma_start3A_473 = arith.constant 0 : i32
        %dma_start3A_474 = tpu.memref_slice %arg10[%dma_start3A_471, %dma_start3A_472, %dma_start3A_473] : memref<2x128x128xf32, #tpu.memory_space<vmem>> -> memref<1x128x128xf32, #tpu.memory_space<vmem>>
        %dma_start3A_475 = tpu.memref_squeeze %dma_start3A_474 : memref<1x128x128xf32, #tpu.memory_space<vmem>> -> memref<128x128xf32, #tpu.memory_space<vmem>>
        %dma_start3A_476 = arith.constant 0 : i32
        %dma_start3A_477 = tpu.memref_slice %arg8[%add3A_459, %dma_start3A_476] : memref<40x128xi32, #tpu.memory_space<vmem>> -> memref<1x128xi32, #tpu.memory_space<vmem>>
        %dma_start3A_478 = tpu.memref_squeeze %dma_start3A_477 : memref<1x128xi32, #tpu.memory_space<vmem>> -> memref<128xi32, #tpu.memory_space<vmem>>
        %dma_start3A_479 = arith.constant 0 : i32
        %dma_start3A_480 = arith.constant 0 : i32
        %dma_start3A_481 = tpu.memref_slice %arg4[%dma_start3A_479, %dma_start3A_480] : memref<10240x128xf32, #tpu.memory_space<hbm>> -> memref<10240x128xf32, #tpu.memory_space<hbm>>
        tpu.enqueue_indirect_dma source(%dma_start3A_481 : memref<10240x128xf32, #tpu.memory_space<hbm>>) target(%dma_start3A_475 : memref<128x128xf32, #tpu.memory_space<vmem>>) offsets(%dma_start3A_478 : memref<128xi32, #tpu.memory_space<vmem>>) semaphore(%arg14 : memref<!tpu.dma_semaphore, #tpu.memory_space<semaphore_mem>>)
        %dma_wait3A_482 = arith.constant 1 : i32
        %dma_wait3A_483 = arith.constant 0 : i32
        %dma_wait3A_484 = arith.constant 0 : i32
        %dma_wait3A_485 = tpu.memref_slice %arg10[%dma_wait3A_482, %dma_wait3A_483, %dma_wait3A_484] : memref<2x128x128xf32, #tpu.memory_space<vmem>> -> memref<1x128x128xf32, #tpu.memory_space<vmem>>
        %dma_wait3A_486 = tpu.memref_squeeze %dma_wait3A_485 : memref<1x128x128xf32, #tpu.memory_space<vmem>> -> memref<128x128xf32, #tpu.memory_space<vmem>>
        %dma_wait3A_487 = arith.constant 0 : i32
        %dma_wait3A_488 = tpu.memref_slice %arg9[%add3A_459, %dma_wait3A_487] : memref<40x128xi32, #tpu.memory_space<vmem>> -> memref<1x128xi32, #tpu.memory_space<vmem>>
        %dma_wait3A_489 = tpu.memref_squeeze %dma_wait3A_488 : memref<1x128xi32, #tpu.memory_space<vmem>> -> memref<128xi32, #tpu.memory_space<vmem>>
        %dma_wait3A_490 = arith.constant 0 : i32
        %dma_wait3A_491 = arith.constant 0 : i32
        %dma_wait3A_492 = tpu.memref_slice %arg12[%dma_wait3A_490, %dma_wait3A_491] : memref<10248x128xf32, #tpu.memory_space<vmem_shared>> -> memref<10248x128xf32, #tpu.memory_space<vmem_shared>>
        tpu.wait_indirect_dma semaphore(%arg17 : memref<!tpu.dma_semaphore, #tpu.memory_space<semaphore_mem>>) src(%dma_wait3A_486 : memref<128x128xf32, #tpu.memory_space<vmem>>) dst(%dma_wait3A_492 : memref<10248x128xf32, #tpu.memory_space<vmem_shared>>)
        %add3A_493 = arith.constant 1 : i32
        %add3A_494 = arith.addi %add3A_459, %add3A_493 : i32
        %dma_start3A_495 = arith.constant 1 : i32
        %dma_start3A_496 = arith.constant 0 : i32
        %dma_start3A_497 = arith.constant 0 : i32
        %dma_start3A_498 = tpu.memref_slice %arg10[%dma_start3A_495, %dma_start3A_496, %dma_start3A_497] : memref<2x128x128xf32, #tpu.memory_space<vmem>> -> memref<1x128x128xf32, #tpu.memory_space<vmem>>
        %dma_start3A_499 = tpu.memref_squeeze %dma_start3A_498 : memref<1x128x128xf32, #tpu.memory_space<vmem>> -> memref<128x128xf32, #tpu.memory_space<vmem>>
        %dma_start3A_500 = arith.constant 0 : i32
        %dma_start3A_501 = tpu.memref_slice %arg8[%add3A_494, %dma_start3A_500] : memref<40x128xi32, #tpu.memory_space<vmem>> -> memref<1x128xi32, #tpu.memory_space<vmem>>
        %dma_start3A_502 = tpu.memref_squeeze %dma_start3A_501 : memref<1x128xi32, #tpu.memory_space<vmem>> -> memref<128xi32, #tpu.memory_space<vmem>>
        %dma_start3A_503 = arith.constant 0 : i32
        %dma_start3A_504 = arith.constant 0 : i32
        %dma_start3A_505 = tpu.memref_slice %arg4[%dma_start3A_503, %dma_start3A_504] : memref<10240x128xf32, #tpu.memory_space<hbm>> -> memref<10240x128xf32, #tpu.memory_space<hbm>>
        tpu.enqueue_indirect_dma source(%dma_start3A_505 : memref<10240x128xf32, #tpu.memory_space<hbm>>) target(%dma_start3A_499 : memref<128x128xf32, #tpu.memory_space<vmem>>) offsets(%dma_start3A_502 : memref<128xi32, #tpu.memory_space<vmem>>) semaphore(%arg15 : memref<!tpu.dma_semaphore, #tpu.memory_space<semaphore_mem>>)
        %dma_wait3A_506 = arith.constant 0 : i32
        %dma_wait3A_507 = arith.constant 0 : i32
        %dma_wait3A_508 = arith.constant 0 : i32
        %dma_wait3A_509 = tpu.memref_slice %arg10[%dma_wait3A_506, %dma_wait3A_507, %dma_wait3A_508] : memref<2x128x128xf32, #tpu.memory_space<vmem>> -> memref<1x128x128xf32, #tpu.memory_space<vmem>>
        %dma_wait3A_510 = tpu.memref_squeeze %dma_wait3A_509 : memref<1x128x128xf32, #tpu.memory_space<vmem>> -> memref<128x128xf32, #tpu.memory_space<vmem>>
        %dma_wait3A_511 = arith.constant 0 : i32
        %dma_wait3A_512 = tpu.memref_slice %arg8[%add3A_459, %dma_wait3A_511] : memref<40x128xi32, #tpu.memory_space<vmem>> -> memref<1x128xi32, #tpu.memory_space<vmem>>
        %dma_wait3A_513 = tpu.memref_squeeze %dma_wait3A_512 : memref<1x128xi32, #tpu.memory_space<vmem>> -> memref<128xi32, #tpu.memory_space<vmem>>
        %dma_wait3A_514 = arith.constant 0 : i32
        %dma_wait3A_515 = arith.constant 0 : i32
        %dma_wait3A_516 = tpu.memref_slice %arg4[%dma_wait3A_514, %dma_wait3A_515] : memref<10240x128xf32, #tpu.memory_space<hbm>> -> memref<10240x128xf32, #tpu.memory_space<hbm>>
        tpu.wait_indirect_dma semaphore(%arg14 : memref<!tpu.dma_semaphore, #tpu.memory_space<semaphore_mem>>) src(%dma_wait3A_516 : memref<10240x128xf32, #tpu.memory_space<hbm>>) dst(%dma_wait3A_510 : memref<128x128xf32, #tpu.memory_space<vmem>>)
        %dma_start3A_517 = arith.constant 0 : i32
        %dma_start3A_518 = arith.constant 0 : i32
        %dma_start3A_519 = arith.constant 0 : i32
        %dma_start3A_520 = tpu.memref_slice %arg10[%dma_start3A_517, %dma_start3A_518, %dma_start3A_519] : memref<2x128x128xf32, #tpu.memory_space<vmem>> -> memref<1x128x128xf32, #tpu.memory_space<vmem>>
        %dma_start3A_521 = tpu.memref_squeeze %dma_start3A_520 : memref<1x128x128xf32, #tpu.memory_space<vmem>> -> memref<128x128xf32, #tpu.memory_space<vmem>>
        %dma_start3A_522 = arith.constant 0 : i32
        %dma_start3A_523 = tpu.memref_slice %arg9[%add3A_459, %dma_start3A_522] : memref<40x128xi32, #tpu.memory_space<vmem>> -> memref<1x128xi32, #tpu.memory_space<vmem>>
        %dma_start3A_524 = tpu.memref_squeeze %dma_start3A_523 : memref<1x128xi32, #tpu.memory_space<vmem>> -> memref<128xi32, #tpu.memory_space<vmem>>
        %dma_start3A_525 = arith.constant 0 : i32
        %dma_start3A_526 = arith.constant 0 : i32
        %dma_start3A_527 = tpu.memref_slice %arg12[%dma_start3A_525, %dma_start3A_526] : memref<10248x128xf32, #tpu.memory_space<vmem_shared>> -> memref<10248x128xf32, #tpu.memory_space<vmem_shared>>
        tpu.enqueue_indirect_dma source(%dma_start3A_521 : memref<128x128xf32, #tpu.memory_space<vmem>>) target(%dma_start3A_527 : memref<10248x128xf32, #tpu.memory_space<vmem_shared>>) offsets(%dma_start3A_524 : memref<128xi32, #tpu.memory_space<vmem>>) semaphore(%arg16 : memref<!tpu.dma_semaphore, #tpu.memory_space<semaphore_mem>>) {add = true}
        %mul3A_528 = arith.constant 40 : i32
        %mul3A_529 = arith.muli %scan3A_318, %mul3A_528 : i32
        %add3A_530 = arith.addi %mul3A_300, %mul3A_529 : i32
        %add3A_531 = arith.addi %add3A_530, %add3A_459 : i32
        %lt3A_532 = arith.constant 2500 : i32
        %lt3A_533 = arith.cmpi slt, %add3A_531, %lt3A_532 : i32
        %convert_element_type3A_534 = arith.extui %lt3A_533 : i1 to i32
        %cond3A_535 = arith.constant 0 : i32
        %cond3A_536 = arith.cmpi ne, %convert_element_type3A_534, %cond3A_535 : i32
        scf.if %cond3A_536 {
          "tpu.region"() ({
            %run_scoped3A = tpu.sem_alloc : memref<!tpu.dma_semaphore, #tpu.memory_space<semaphore_mem>>
            %dma_start3A_572 = arith.constant 0 : i32
            %dma_start3A_573 = tpu.memref_slice %arg11[%dma_start3A_572] : memref<656xf32, #tpu.memory_space<vmem>> -> memref<128xf32, #tpu.memory_space<vmem>>
            %dma_start3A_574 = arith.constant 0 : i32
            %dma_start3A_575 = tpu.memref_slice %arg9[%add3A_459, %dma_start3A_574] : memref<40x128xi32, #tpu.memory_space<vmem>> -> memref<1x128xi32, #tpu.memory_space<vmem>>
            %dma_start3A_576 = tpu.memref_squeeze %dma_start3A_575 : memref<1x128xi32, #tpu.memory_space<vmem>> -> memref<128xi32, #tpu.memory_space<vmem>>
            %dma_start3A_577 = arith.constant 0 : i32
            %dma_start3A_578 = tpu.memref_slice %arg13[%dma_start3A_577] : memref<10248xf32, #tpu.memory_space<vmem_shared>> -> memref<10248xf32, #tpu.memory_space<vmem_shared>>
            tpu.enqueue_indirect_dma source(%dma_start3A_573 : memref<128xf32, #tpu.memory_space<vmem>>) target(%dma_start3A_578 : memref<10248xf32, #tpu.memory_space<vmem_shared>>) offsets(%dma_start3A_576 : memref<128xi32, #tpu.memory_space<vmem>>) semaphore(%run_scoped3A : memref<!tpu.dma_semaphore, #tpu.memory_space<semaphore_mem>>) {add = true}
            %dma_wait3A_579 = arith.constant 0 : i32
            %dma_wait3A_580 = tpu.memref_slice %arg11[%dma_wait3A_579] : memref<656xf32, #tpu.memory_space<vmem>> -> memref<128xf32, #tpu.memory_space<vmem>>
            %dma_wait3A_581 = arith.constant 0 : i32
            %dma_wait3A_582 = tpu.memref_slice %arg9[%add3A_459, %dma_wait3A_581] : memref<40x128xi32, #tpu.memory_space<vmem>> -> memref<1x128xi32, #tpu.memory_space<vmem>>
            %dma_wait3A_583 = tpu.memref_squeeze %dma_wait3A_582 : memref<1x128xi32, #tpu.memory_space<vmem>> -> memref<128xi32, #tpu.memory_space<vmem>>
            %dma_wait3A_584 = arith.constant 0 : i32
            %dma_wait3A_585 = tpu.memref_slice %arg13[%dma_wait3A_584] : memref<10248xf32, #tpu.memory_space<vmem_shared>> -> memref<10248xf32, #tpu.memory_space<vmem_shared>>
            tpu.wait_indirect_dma semaphore(%run_scoped3A : memref<!tpu.dma_semaphore, #tpu.memory_space<semaphore_mem>>) src(%dma_wait3A_580 : memref<128xf32, #tpu.memory_space<vmem>>) dst(%dma_wait3A_585 : memref<10248xf32, #tpu.memory_space<vmem_shared>>)
            tpu.yield
          }) : () -> ()
        } else {
        }
        %dma_wait3A_537 = arith.constant 1 : i32
        %dma_wait3A_538 = arith.constant 0 : i32
        %dma_wait3A_539 = arith.constant 0 : i32
        %dma_wait3A_540 = tpu.memref_slice %arg10[%dma_wait3A_537, %dma_wait3A_538, %dma_wait3A_539] : memref<2x128x128xf32, #tpu.memory_space<vmem>> -> memref<1x128x128xf32, #tpu.memory_space<vmem>>
        %dma_wait3A_541 = tpu.memref_squeeze %dma_wait3A_540 : memref<1x128x128xf32, #tpu.memory_space<vmem>> -> memref<128x128xf32, #tpu.memory_space<vmem>>
        %dma_wait3A_542 = arith.constant 0 : i32
        %dma_wait3A_543 = tpu.memref_slice %arg8[%add3A_494, %dma_wait3A_542] : memref<40x128xi32, #tpu.memory_space<vmem>> -> memref<1x128xi32, #tpu.memory_space<vmem>>
        %dma_wait3A_544 = tpu.memref_squeeze %dma_wait3A_543 : memref<1x128xi32, #tpu.memory_space<vmem>> -> memref<128xi32, #tpu.memory_space<vmem>>
        %dma_wait3A_545 = arith.constant 0 : i32
        %dma_wait3A_546 = arith.constant 0 : i32
        %dma_wait3A_547 = tpu.memref_slice %arg4[%dma_wait3A_545, %dma_wait3A_546] : memref<10240x128xf32, #tpu.memory_space<hbm>> -> memref<10240x128xf32, #tpu.memory_space<hbm>>
        tpu.wait_indirect_dma semaphore(%arg15 : memref<!tpu.dma_semaphore, #tpu.memory_space<semaphore_mem>>) src(%dma_wait3A_547 : memref<10240x128xf32, #tpu.memory_space<hbm>>) dst(%dma_wait3A_541 : memref<128x128xf32, #tpu.memory_space<vmem>>)
        %add3A_548 = arith.constant 1 : i32
        %add3A_549 = arith.addi %add3A_459, %add3A_548 : i32
        %dma_start3A_550 = arith.constant 1 : i32
        %dma_start3A_551 = arith.constant 0 : i32
        %dma_start3A_552 = arith.constant 0 : i32
        %dma_start3A_553 = tpu.memref_slice %arg10[%dma_start3A_550, %dma_start3A_551, %dma_start3A_552] : memref<2x128x128xf32, #tpu.memory_space<vmem>> -> memref<1x128x128xf32, #tpu.memory_space<vmem>>
        %dma_start3A_554 = tpu.memref_squeeze %dma_start3A_553 : memref<1x128x128xf32, #tpu.memory_space<vmem>> -> memref<128x128xf32, #tpu.memory_space<vmem>>
        %dma_start3A_555 = arith.constant 0 : i32
        %dma_start3A_556 = tpu.memref_slice %arg9[%add3A_549, %dma_start3A_555] : memref<40x128xi32, #tpu.memory_space<vmem>> -> memref<1x128xi32, #tpu.memory_space<vmem>>
        %dma_start3A_557 = tpu.memref_squeeze %dma_start3A_556 : memref<1x128xi32, #tpu.memory_space<vmem>> -> memref<128xi32, #tpu.memory_space<vmem>>
        %dma_start3A_558 = arith.constant 0 : i32
        %dma_start3A_559 = arith.constant 0 : i32
        %dma_start3A_560 = tpu.memref_slice %arg12[%dma_start3A_558, %dma_start3A_559] : memref<10248x128xf32, #tpu.memory_space<vmem_shared>> -> memref<10248x128xf32, #tpu.memory_space<vmem_shared>>
        tpu.enqueue_indirect_dma source(%dma_start3A_554 : memref<128x128xf32, #tpu.memory_space<vmem>>) target(%dma_start3A_560 : memref<10248x128xf32, #tpu.memory_space<vmem_shared>>) offsets(%dma_start3A_557 : memref<128xi32, #tpu.memory_space<vmem>>) semaphore(%arg17 : memref<!tpu.dma_semaphore, #tpu.memory_space<semaphore_mem>>) {add = true}
        %mul3A_561 = arith.constant 40 : i32
        %mul3A_562 = arith.muli %scan3A_318, %mul3A_561 : i32
        %add3A_563 = arith.addi %mul3A_300, %mul3A_562 : i32
        %add3A_564 = arith.addi %add3A_563, %add3A_459 : i32
        %add3A_565 = arith.constant 1 : i32
        %add3A_566 = arith.addi %add3A_564, %add3A_565 : i32
        %lt3A_567 = arith.constant 2500 : i32
        %lt3A_568 = arith.cmpi slt, %add3A_566, %lt3A_567 : i32
        %convert_element_type3A_569 = arith.extui %lt3A_568 : i1 to i32
        %cond3A_570 = arith.constant 0 : i32
        %cond3A_571 = arith.cmpi ne, %convert_element_type3A_569, %cond3A_570 : i32
        scf.if %cond3A_571 {
          %add3A_572 = arith.constant 1 : i32
          %add3A_573 = arith.addi %add3A_459, %add3A_572 : i32
          "tpu.region"() ({
            %run_scoped3A = tpu.sem_alloc : memref<!tpu.dma_semaphore, #tpu.memory_space<semaphore_mem>>
            %dma_start3A_574 = arith.constant 0 : i32
            %dma_start3A_575 = tpu.memref_slice %arg11[%dma_start3A_574] : memref<656xf32, #tpu.memory_space<vmem>> -> memref<128xf32, #tpu.memory_space<vmem>>
            %dma_start3A_576 = arith.constant 0 : i32
            %dma_start3A_577 = tpu.memref_slice %arg9[%add3A_573, %dma_start3A_576] : memref<40x128xi32, #tpu.memory_space<vmem>> -> memref<1x128xi32, #tpu.memory_space<vmem>>
            %dma_start3A_578 = tpu.memref_squeeze %dma_start3A_577 : memref<1x128xi32, #tpu.memory_space<vmem>> -> memref<128xi32, #tpu.memory_space<vmem>>
            %dma_start3A_579 = arith.constant 0 : i32
            %dma_start3A_580 = tpu.memref_slice %arg13[%dma_start3A_579] : memref<10248xf32, #tpu.memory_space<vmem_shared>> -> memref<10248xf32, #tpu.memory_space<vmem_shared>>
            tpu.enqueue_indirect_dma source(%dma_start3A_575 : memref<128xf32, #tpu.memory_space<vmem>>) target(%dma_start3A_580 : memref<10248xf32, #tpu.memory_space<vmem_shared>>) offsets(%dma_start3A_578 : memref<128xi32, #tpu.memory_space<vmem>>) semaphore(%run_scoped3A : memref<!tpu.dma_semaphore, #tpu.memory_space<semaphore_mem>>) {add = true}
            %dma_wait3A_581 = arith.constant 0 : i32
            %dma_wait3A_582 = tpu.memref_slice %arg11[%dma_wait3A_581] : memref<656xf32, #tpu.memory_space<vmem>> -> memref<128xf32, #tpu.memory_space<vmem>>
            %dma_wait3A_583 = arith.constant 0 : i32
            %dma_wait3A_584 = tpu.memref_slice %arg9[%add3A_573, %dma_wait3A_583] : memref<40x128xi32, #tpu.memory_space<vmem>> -> memref<1x128xi32, #tpu.memory_space<vmem>>
            %dma_wait3A_585 = tpu.memref_squeeze %dma_wait3A_584 : memref<1x128xi32, #tpu.memory_space<vmem>> -> memref<128xi32, #tpu.memory_space<vmem>>
            %dma_wait3A_586 = arith.constant 0 : i32
            %dma_wait3A_587 = tpu.memref_slice %arg13[%dma_wait3A_586] : memref<10248xf32, #tpu.memory_space<vmem_shared>> -> memref<10248xf32, #tpu.memory_space<vmem_shared>>
            tpu.wait_indirect_dma semaphore(%run_scoped3A : memref<!tpu.dma_semaphore, #tpu.memory_space<semaphore_mem>>) src(%dma_wait3A_582 : memref<128xf32, #tpu.memory_space<vmem>>) dst(%dma_wait3A_587 : memref<10248xf32, #tpu.memory_space<vmem_shared>>)
            tpu.yield
          }) : () -> ()
        } else {
        }
      }
      %scan3A_330 = arith.constant 10 : i32
      %dma_wait3A = arith.constant 0 : i32
      %dma_wait3A_331 = arith.constant 0 : i32
      %dma_wait3A_332 = arith.constant 0 : i32
      %dma_wait3A_333 = arith.constant 0 : i32
      %dma_wait3A_334 = tpu.memref_slice %arg10[%dma_wait3A, %dma_wait3A_332, %dma_wait3A_333] : memref<2x128x128xf32, #tpu.memory_space<vmem>> -> memref<1x128x128xf32, #tpu.memory_space<vmem>>
      %dma_wait3A_335 = tpu.memref_squeeze %dma_wait3A_334 : memref<1x128x128xf32, #tpu.memory_space<vmem>> -> memref<128x128xf32, #tpu.memory_space<vmem>>
      %dma_wait3A_336 = arith.constant 0 : i32
      %dma_wait3A_337 = tpu.memref_slice %arg9[%dma_wait3A_331, %dma_wait3A_336] : memref<40x128xi32, #tpu.memory_space<vmem>> -> memref<1x128xi32, #tpu.memory_space<vmem>>
      %dma_wait3A_338 = tpu.memref_squeeze %dma_wait3A_337 : memref<1x128xi32, #tpu.memory_space<vmem>> -> memref<128xi32, #tpu.memory_space<vmem>>
      %dma_wait3A_339 = arith.constant 0 : i32
      %dma_wait3A_340 = arith.constant 0 : i32
      %dma_wait3A_341 = tpu.memref_slice %arg12[%dma_wait3A_339, %dma_wait3A_340] : memref<10248x128xf32, #tpu.memory_space<vmem_shared>> -> memref<10248x128xf32, #tpu.memory_space<vmem_shared>>
      tpu.wait_indirect_dma semaphore(%arg16 : memref<!tpu.dma_semaphore, #tpu.memory_space<semaphore_mem>>) src(%dma_wait3A_335 : memref<128x128xf32, #tpu.memory_space<vmem>>) dst(%dma_wait3A_341 : memref<10248x128xf32, #tpu.memory_space<vmem_shared>>)
      %dma_wait3A_342 = arith.constant 1 : i32
      %dma_wait3A_343 = arith.constant 1 : i32
      %dma_wait3A_344 = arith.constant 0 : i32
      %dma_wait3A_345 = arith.constant 0 : i32
      %dma_wait3A_346 = tpu.memref_slice %arg10[%dma_wait3A_342, %dma_wait3A_344, %dma_wait3A_345] : memref<2x128x128xf32, #tpu.memory_space<vmem>> -> memref<1x128x128xf32, #tpu.memory_space<vmem>>
      %dma_wait3A_347 = tpu.memref_squeeze %dma_wait3A_346 : memref<1x128x128xf32, #tpu.memory_space<vmem>> -> memref<128x128xf32, #tpu.memory_space<vmem>>
      %dma_wait3A_348 = arith.constant 0 : i32
      %dma_wait3A_349 = tpu.memref_slice %arg9[%dma_wait3A_343, %dma_wait3A_348] : memref<40x128xi32, #tpu.memory_space<vmem>> -> memref<1x128xi32, #tpu.memory_space<vmem>>
      %dma_wait3A_350 = tpu.memref_squeeze %dma_wait3A_349 : memref<1x128xi32, #tpu.memory_space<vmem>> -> memref<128xi32, #tpu.memory_space<vmem>>
      %dma_wait3A_351 = arith.constant 0 : i32
      %dma_wait3A_352 = arith.constant 0 : i32
      %dma_wait3A_353 = tpu.memref_slice %arg12[%dma_wait3A_351, %dma_wait3A_352] : memref<10248x128xf32, #tpu.memory_space<vmem_shared>> -> memref<10248x128xf32, #tpu.memory_space<vmem_shared>>
      tpu.wait_indirect_dma semaphore(%arg17 : memref<!tpu.dma_semaphore, #tpu.memory_space<semaphore_mem>>) src(%dma_wait3A_347 : memref<128x128xf32, #tpu.memory_space<vmem>>) dst(%dma_wait3A_353 : memref<10248x128xf32, #tpu.memory_space<vmem_shared>>)
    }
    %scan3A_305 = arith.constant 2 : i32
    %barrier3A_306 = arith.constant 0 : index
    tpu.barrier barrier_id(%barrier3A_306)
    %mul3A_307 = arith.constant 640 : i32
    %mul3A_308 = arith.muli %arg1, %mul3A_307 : i32
    %mul3A_309 = arith.constant 640 : i32
    %mul3A_310 = arith.muli %arg1, %mul3A_309 : i32
    "tpu.region"() ({
      %run_scoped3A = tpu.sem_alloc : memref<!tpu.dma_semaphore, #tpu.memory_space<semaphore_mem>>
      %dma_start3A = arith.constant 0 : i32
      %dma_start3A_318 = tpu.memref_slice %arg6[%arg0, %mul3A_310, %dma_start3A] : memref<2x10240x128xf32, #tpu.memory_space<hbm>> -> memref<1x640x128xf32, #tpu.memory_space<hbm>>
      %dma_start3A_319 = tpu.memref_squeeze %dma_start3A_318 : memref<1x640x128xf32, #tpu.memory_space<hbm>> -> memref<640x128xf32, #tpu.memory_space<hbm>>
      %dma_start3A_320 = arith.constant 0 : i32
      %dma_start3A_321 = tpu.memref_slice %arg12[%mul3A_308, %dma_start3A_320] : memref<10248x128xf32, #tpu.memory_space<vmem_shared>> -> memref<640x128xf32, #tpu.memory_space<vmem_shared>>
      tpu.enqueue_dma source(%dma_start3A_321 : memref<640x128xf32, #tpu.memory_space<vmem_shared>>) target(%dma_start3A_319 : memref<640x128xf32, #tpu.memory_space<hbm>>) target_semaphore(%run_scoped3A : memref<!tpu.dma_semaphore, #tpu.memory_space<semaphore_mem>>)
      %dma_wait3A = arith.constant 0 : i32
      %dma_wait3A_322 = tpu.memref_slice %arg6[%arg0, %mul3A_310, %dma_wait3A] : memref<2x10240x128xf32, #tpu.memory_space<hbm>> -> memref<1x640x128xf32, #tpu.memory_space<hbm>>
      %dma_wait3A_323 = tpu.memref_squeeze %dma_wait3A_322 : memref<1x640x128xf32, #tpu.memory_space<hbm>> -> memref<640x128xf32, #tpu.memory_space<hbm>>
      %dma_wait3A_324 = arith.constant 0 : i32
      %dma_wait3A_325 = tpu.memref_slice %arg12[%mul3A_308, %dma_wait3A_324] : memref<10248x128xf32, #tpu.memory_space<vmem_shared>> -> memref<640x128xf32, #tpu.memory_space<vmem_shared>>
      tpu.wait_dma2 semaphore(%run_scoped3A : memref<!tpu.dma_semaphore, #tpu.memory_space<semaphore_mem>>) src(%dma_wait3A_325 : memref<640x128xf32, #tpu.memory_space<vmem_shared>>) dst(%dma_wait3A_323 : memref<640x128xf32, #tpu.memory_space<hbm>>)
      tpu.yield
    }) : () -> ()
    %mul3A_311 = arith.constant 640 : i32
    %mul3A_312 = arith.muli %arg1, %mul3A_311 : i32
    "tpu.region"() ({
      %run_scoped3A = tpu.sem_alloc : memref<!tpu.dma_semaphore, #tpu.memory_space<semaphore_mem>>
      %dma_start3A = arith.constant 0 : i32
      %dma_start3A_318 = tpu.memref_slice %arg11[%dma_start3A] : memref<656xf32, #tpu.memory_space<vmem>> -> memref<640xf32, #tpu.memory_space<vmem>>
      %dma_start3A_319 = tpu.memref_slice %arg13[%mul3A_312] : memref<10248xf32, #tpu.memory_space<vmem_shared>> -> memref<640xf32, #tpu.memory_space<vmem_shared>>
      %dma_start3A_320 = arith.constant 0 : i32
      %dma_start3A_321 = tpu.memref_slice %arg11[%dma_start3A_320] : memref<656xf32, #tpu.memory_space<vmem>> -> memref<640xf32, #tpu.memory_space<vmem>>
      %dma_start3A_322 = tpu.memref_slice %arg13[%mul3A_312] : memref<10248xf32, #tpu.memory_space<vmem_shared>> -> memref<640xf32, #tpu.memory_space<vmem_shared>>
      tpu.enqueue_dma source(%dma_start3A_322 : memref<640xf32, #tpu.memory_space<vmem_shared>>) target(%dma_start3A_321 : memref<640xf32, #tpu.memory_space<vmem>>) target_semaphore(%run_scoped3A : memref<!tpu.dma_semaphore, #tpu.memory_space<semaphore_mem>>)
      %dma_wait3A = arith.constant 0 : i32
      %dma_wait3A_323 = tpu.memref_slice %arg11[%dma_wait3A] : memref<656xf32, #tpu.memory_space<vmem>> -> memref<640xf32, #tpu.memory_space<vmem>>
      %dma_wait3A_324 = tpu.memref_slice %arg13[%mul3A_312] : memref<10248xf32, #tpu.memory_space<vmem_shared>> -> memref<640xf32, #tpu.memory_space<vmem_shared>>
      %dma_wait3A_325 = arith.constant 0 : i32
      %dma_wait3A_326 = tpu.memref_slice %arg11[%dma_wait3A_325] : memref<656xf32, #tpu.memory_space<vmem>> -> memref<640xf32, #tpu.memory_space<vmem>>
      %dma_wait3A_327 = tpu.memref_slice %arg13[%mul3A_312] : memref<10248xf32, #tpu.memory_space<vmem_shared>> -> memref<640xf32, #tpu.memory_space<vmem_shared>>
      tpu.wait_dma2 semaphore(%run_scoped3A : memref<!tpu.dma_semaphore, #tpu.memory_space<semaphore_mem>>) src(%dma_wait3A_327 : memref<640xf32, #tpu.memory_space<vmem_shared>>) dst(%dma_wait3A_326 : memref<640xf32, #tpu.memory_space<vmem>>)
      tpu.yield
    }) : () -> ()
    %mul3A_313 = arith.constant 10240 : i32
    %mul3A_314 = arith.muli %arg0, %mul3A_313 : i32
    %mul3A_315 = arith.constant 640 : i32
    %mul3A_316 = arith.muli %arg1, %mul3A_315 : i32
    %add3A_317 = arith.addi %mul3A_314, %mul3A_316 : i32
    "tpu.region"() ({
      %run_scoped3A = tpu.sem_alloc : memref<!tpu.dma_semaphore, #tpu.memory_space<semaphore_mem>>
      %dma_start3A = arith.constant 0 : i32
      %dma_start3A_318 = tpu.memref_slice %arg11[%dma_start3A] : memref<656xf32, #tpu.memory_space<vmem>> -> memref<640xf32, #tpu.memory_space<vmem>>
      %dma_start3A_319 = tpu.memref_slice %arg7[%add3A_317] : memref<20480xf32, #tpu.memory_space<hbm>> -> memref<640xf32, #tpu.memory_space<hbm>>
      %dma_start3A_320 = tpu.memref_slice %arg7[%add3A_317] : memref<20480xf32, #tpu.memory_space<hbm>> -> memref<640xf32, #tpu.memory_space<hbm>>
      %dma_start3A_321 = arith.constant 0 : i32
      %dma_start3A_322 = tpu.memref_slice %arg11[%dma_start3A_321] : memref<656xf32, #tpu.memory_space<vmem>> -> memref<640xf32, #tpu.memory_space<vmem>>
      tpu.enqueue_dma source(%dma_start3A_322 : memref<640xf32, #tpu.memory_space<vmem>>) target(%dma_start3A_320 : memref<640xf32, #tpu.memory_space<hbm>>) target_semaphore(%run_scoped3A : memref<!tpu.dma_semaphore, #tpu.memory_space<semaphore_mem>>)
      %dma_wait3A = arith.constant 0 : i32
      %dma_wait3A_323 = tpu.memref_slice %arg11[%dma_wait3A] : memref<656xf32, #tpu.memory_space<vmem>> -> memref<640xf32, #tpu.memory_space<vmem>>
      %dma_wait3A_324 = tpu.memref_slice %arg7[%add3A_317] : memref<20480xf32, #tpu.memory_space<hbm>> -> memref<640xf32, #tpu.memory_space<hbm>>
      %dma_wait3A_325 = tpu.memref_slice %arg7[%add3A_317] : memref<20480xf32, #tpu.memory_space<hbm>> -> memref<640xf32, #tpu.memory_space<hbm>>
      %dma_wait3A_326 = arith.constant 0 : i32
      %dma_wait3A_327 = tpu.memref_slice %arg11[%dma_wait3A_326] : memref<656xf32, #tpu.memory_space<vmem>> -> memref<640xf32, #tpu.memory_space<vmem>>
      tpu.wait_dma2 semaphore(%run_scoped3A : memref<!tpu.dma_semaphore, #tpu.memory_space<semaphore_mem>>) src(%dma_wait3A_327 : memref<640xf32, #tpu.memory_space<vmem>>) dst(%dma_wait3A_325 : memref<640xf32, #tpu.memory_space<hbm>>)
      tpu.yield
    }) : () -> ()
    return
  }
}

module attributes {stable_mosaic.version = 14 : i64} {
  func.func @_tc1_body(%arg0: i32, %arg1: memref<2x1280x1xf32, #tpu.memory_space<vmem>>, %arg2: memref<2x1280x128xf32, #tpu.memory_space<vmem>>, %arg3: memref<1280x128xf32, #tpu.memory_space<vmem>>, %arg4: memref<128x256xf32, #tpu.memory_space<vmem>>, %arg5: memref<128x256xf32, #tpu.memory_space<vmem>>, %arg6: memref<1x256xf32, #tpu.memory_space<vmem>>, %arg7: memref<2x1280x128xf32, #tpu.memory_space<vmem>>) attributes {dimension_semantics = [#tpu.dimension_semantics<arbitrary>], iteration_bounds = array<i64: 8>, scalar_prefetch = 0 : i64, scratch_operands = 0 : i64, tpu.core_type = #tpu.core_type<tc>, window_params = [{transform_indices = @transform_0, window_bounds = array<i64: 2, 1280, 1>}, {transform_indices = @transform_1, window_bounds = array<i64: 2, 1280, 128>}, {transform_indices = @transform_2, window_bounds = array<i64: 1280, 128>}, {pipeline_mode = #tpu.pipeline_mode<synchronous>, transform_indices = @transform_3, window_bounds = array<i64: 128, 256>}, {pipeline_mode = #tpu.pipeline_mode<synchronous>, transform_indices = @transform_4, window_bounds = array<i64: 128, 256>}, {pipeline_mode = #tpu.pipeline_mode<synchronous>, transform_indices = @transform_5, window_bounds = array<i64: 1, 256>}, {transform_indices = @transform_6, window_bounds = array<i64: 2, 1280, 128>}]} {
    %get3A = arith.constant 0 : index
    %get3A_0 = arith.constant 0 : index
    %get3A_1 = arith.constant 0 : index
    %get3A_2 = vector.load %arg1[%get3A, %get3A_0, %get3A_1] : memref<2x1280x1xf32, #tpu.memory_space<vmem>>, vector<1x1280x1xf32>
    %get3A_3 = vector.shape_cast %get3A_2 : vector<1x1280x1xf32> to vector<1280x1xf32>
    %get3A_4 = arith.constant 1 : index
    %get3A_5 = arith.constant 0 : index
    %get3A_6 = arith.constant 0 : index
    %get3A_7 = vector.load %arg1[%get3A_4, %get3A_5, %get3A_6] : memref<2x1280x1xf32, #tpu.memory_space<vmem>>, vector<1x1280x1xf32>
    %get3A_8 = vector.shape_cast %get3A_7 : vector<1x1280x1xf32> to vector<1280x1xf32>
    %add3A = arith.addf %get3A_3, %get3A_8 : vector<1280x1xf32>
    %max3A = arith.constant 1.000000e+00 : f32
    %max3A_9 = vector.broadcast %max3A : f32 to vector<1280x1xf32>
    %max3A_10 = arith.maximumf %add3A, %max3A_9 : vector<1280x1xf32>
    %div3A = arith.constant 1.000000e+00 : f32
    %div3A_11 = vector.broadcast %div3A : f32 to vector<1280x1xf32>
    %div3A_12 = arith.divf %div3A_11, %max3A_10 : vector<1280x1xf32>
    %get3A_13 = arith.constant 0 : index
    %get3A_14 = arith.constant 0 : index
    %get3A_15 = arith.constant 0 : index
    %get3A_16 = vector.load %arg2[%get3A_13, %get3A_14, %get3A_15] : memref<2x1280x128xf32, #tpu.memory_space<vmem>>, vector<1x1280x128xf32>
    %get3A_17 = vector.shape_cast %get3A_16 : vector<1x1280x128xf32> to vector<1280x128xf32>
    %get3A_18 = arith.constant 1 : index
    %get3A_19 = arith.constant 0 : index
    %get3A_20 = arith.constant 0 : index
    %get3A_21 = vector.load %arg2[%get3A_18, %get3A_19, %get3A_20] : memref<2x1280x128xf32, #tpu.memory_space<vmem>>, vector<1x1280x128xf32>
    %get3A_22 = vector.shape_cast %get3A_21 : vector<1x1280x128xf32> to vector<1280x128xf32>
    %add3A_23 = arith.addf %get3A_17, %get3A_22 : vector<1280x128xf32>
    %mul3A = vector.broadcast %div3A_12 : vector<1280x1xf32> to vector<1280x128xf32>
    %mul3A_24 = arith.mulf %add3A_23, %mul3A : vector<1280x128xf32>
    %get3A_25 = arith.constant 0 : index
    %get3A_26 = arith.constant 0 : index
    %get3A_27 = vector.load %arg4[%get3A_25, %get3A_26] : memref<128x256xf32, #tpu.memory_space<vmem>>, vector<128x256xf32>
    %dot_general3A = arith.constant dense<0.000000e+00> : vector<1280x256xf32>
    %dot_general3A_28 = tpu.matmul %mul3A_24, %get3A_27, %dot_general3A {dimension_numbers = #tpu.dot_dimension_numbers<[1], [0], [0], [1], [0, 0, 1, 1], [], []>, transpose_lhs_hint = false} : vector<1280x128xf32>, vector<128x256xf32>, vector<1280x256xf32> -> vector<1280x256xf32>
    %get3A_29 = arith.constant 0 : index
    %get3A_30 = arith.constant 0 : index
    %get3A_31 = vector.load %arg3[%get3A_29, %get3A_30] : memref<1280x128xf32, #tpu.memory_space<vmem>>, vector<1280x128xf32>
    %get3A_32 = arith.constant 0 : index
    %get3A_33 = arith.constant 0 : index
    %get3A_34 = vector.load %arg5[%get3A_32, %get3A_33] : memref<128x256xf32, #tpu.memory_space<vmem>>, vector<128x256xf32>
    %dot_general3A_35 = arith.constant dense<0.000000e+00> : vector<1280x256xf32>
    %dot_general3A_36 = tpu.matmul %get3A_31, %get3A_34, %dot_general3A_35 {dimension_numbers = #tpu.dot_dimension_numbers<[1], [0], [0], [1], [0, 0, 1, 1], [], []>, transpose_lhs_hint = false} : vector<1280x128xf32>, vector<128x256xf32>, vector<1280x256xf32> -> vector<1280x256xf32>
    %add3A_37 = arith.addf %dot_general3A_28, %dot_general3A_36 : vector<1280x256xf32>
    %get3A_38 = arith.constant 0 : index
    %get3A_39 = arith.constant 0 : index
    %get3A_40 = vector.load %arg6[%get3A_38, %get3A_39] : memref<1x256xf32, #tpu.memory_space<vmem>>, vector<1x256xf32>
    %add3A_41 = vector.broadcast %get3A_40 : vector<1x256xf32> to vector<1280x256xf32>
    %add3A_42 = arith.addf %add3A_37, %add3A_41 : vector<1280x256xf32>
    %max3A_43 = arith.constant 0.000000e+00 : f32
    %max3A_44 = vector.broadcast %max3A_43 : f32 to vector<1280x256xf32>
    %max3A_45 = arith.maximumf %add3A_42, %max3A_44 : vector<1280x256xf32>
    %slice3A = vector.extract_strided_slice %max3A_45 {offsets = [0, 0], sizes = [1280, 128], strides = [1, 1]} : vector<1280x256xf32> to vector<1280x128xf32>
    %swap3A = arith.constant 0 : index
    %swap3A_46 = arith.constant 0 : index
    %swap3A_47 = arith.constant 0 : index
    %swap3A_48 = vector.load %arg7[%swap3A, %swap3A_46, %swap3A_47] : memref<2x1280x128xf32, #tpu.memory_space<vmem>>, vector<1x1280x128xf32>
    %swap3A_49 = vector.shape_cast %swap3A_48 : vector<1x1280x128xf32> to vector<1280x128xf32>
    %swap3A_50 = vector.shape_cast %slice3A : vector<1280x128xf32> to vector<1x1280x128xf32>
    tpu.vector_store %arg7[%swap3A, %swap3A_46, %swap3A_47], %swap3A_50 {strides = array<i32>} : memref<2x1280x128xf32, #tpu.memory_space<vmem>>, vector<1x1280x128xf32>,
    %slice3A_51 = vector.extract_strided_slice %max3A_45 {offsets = [0, 128], sizes = [1280, 128], strides = [1, 1]} : vector<1280x256xf32> to vector<1280x128xf32>
    %swap3A_52 = arith.constant 1 : index
    %swap3A_53 = arith.constant 0 : index
    %swap3A_54 = arith.constant 0 : index
    %swap3A_55 = vector.load %arg7[%swap3A_52, %swap3A_53, %swap3A_54] : memref<2x1280x128xf32, #tpu.memory_space<vmem>>, vector<1x1280x128xf32>
    %swap3A_56 = vector.shape_cast %swap3A_55 : vector<1x1280x128xf32> to vector<1280x128xf32>
    %swap3A_57 = vector.shape_cast %slice3A_51 : vector<1280x128xf32> to vector<1x1280x128xf32>
    tpu.vector_store %arg7[%swap3A_52, %swap3A_53, %swap3A_54], %swap3A_57 {strides = array<i32>} : memref<2x1280x128xf32, #tpu.memory_space<vmem>>, vector<1x1280x128xf32>,
    return
  }
  func.func @transform_0(%arg0: i32) -> (i32, i32, i32) {
    %c0_i32 = arith.constant 0 : i32
    %c0_i32_0 = arith.constant 0 : i32
    %c0_i32_1 = arith.constant 0 : i32
    return %c0_i32, %arg0, %c0_i32_0 : i32, i32, i32
  }
  func.func @transform_1(%arg0: i32) -> (i32, i32, i32) {
    %c0_i32 = arith.constant 0 : i32
    %c0_i32_0 = arith.constant 0 : i32
    %c0_i32_1 = arith.constant 0 : i32
    return %c0_i32, %arg0, %c0_i32_0 : i32, i32, i32
  }
  func.func @transform_2(%arg0: i32) -> (i32, i32) {
    %c0_i32 = arith.constant 0 : i32
    %c0_i32_0 = arith.constant 0 : i32
    return %arg0, %c0_i32 : i32, i32
  }
  func.func @transform_3(%arg0: i32) -> (i32, i32) {
    %c0_i32 = arith.constant 0 : i32
    %c0_i32_0 = arith.constant 0 : i32
    %c0_i32_1 = arith.constant 0 : i32
    return %c0_i32, %c0_i32_0 : i32, i32
  }
  func.func @transform_4(%arg0: i32) -> (i32, i32) {
    %c0_i32 = arith.constant 0 : i32
    %c0_i32_0 = arith.constant 0 : i32
    %c0_i32_1 = arith.constant 0 : i32
    return %c0_i32, %c0_i32_0 : i32, i32
  }
  func.func @transform_5(%arg0: i32) -> (i32, i32) {
    %c0_i32 = arith.constant 0 : i32
    %c0_i32_0 = arith.constant 0 : i32
    %c0_i32_1 = arith.constant 0 : i32
    return %c0_i32, %c0_i32_0 : i32, i32
  }
  func.func @transform_6(%arg0: i32) -> (i32, i32, i32) {
    %c0_i32 = arith.constant 0 : i32
    %c0_i32_0 = arith.constant 0 : i32
    %c0_i32_1 = arith.constant 0 : i32
    return %c0_i32, %arg0, %c0_i32_0 : i32, i32, i32
  }
}

module attributes {stable_mosaic.version = 14 : i64} {
  func.func @_tc2_body(%arg0: i32, %arg1: memref<2x400x1xf32, #tpu.memory_space<vmem>>, %arg2: memref<2x400x128xf32, #tpu.memory_space<vmem>>, %arg3: memref<2x400x128xf32, #tpu.memory_space<vmem>>, %arg4: memref<256x256xf32, #tpu.memory_space<vmem>>, %arg5: memref<256x256xf32, #tpu.memory_space<vmem>>, %arg6: memref<1x256xf32, #tpu.memory_space<vmem>>, %arg7: memref<400x256xf32, #tpu.memory_space<vmem>>) attributes {dimension_semantics = [#tpu.dimension_semantics<arbitrary>], iteration_bounds = array<i64: 25>, scalar_prefetch = 0 : i64, scratch_operands = 0 : i64, tpu.core_type = #tpu.core_type<tc>, window_params = [{transform_indices = @transform_0, window_bounds = array<i64: 2, 400, 1>}, {transform_indices = @transform_1, window_bounds = array<i64: 2, 400, 128>}, {transform_indices = @transform_2, window_bounds = array<i64: 2, 400, 128>}, {pipeline_mode = #tpu.pipeline_mode<synchronous>, transform_indices = @transform_3, window_bounds = array<i64: 256, 256>}, {pipeline_mode = #tpu.pipeline_mode<synchronous>, transform_indices = @transform_4, window_bounds = array<i64: 256, 256>}, {pipeline_mode = #tpu.pipeline_mode<synchronous>, transform_indices = @transform_5, window_bounds = array<i64: 1, 256>}, {transform_indices = @transform_6, window_bounds = array<i64: 400, 256>}]} {
    %get3A = arith.constant 0 : index
    %get3A_0 = arith.constant 0 : index
    %get3A_1 = arith.constant 0 : index
    %get3A_2 = vector.load %arg1[%get3A, %get3A_0, %get3A_1] : memref<2x400x1xf32, #tpu.memory_space<vmem>>, vector<1x400x1xf32>
    %get3A_3 = vector.shape_cast %get3A_2 : vector<1x400x1xf32> to vector<400x1xf32>
    %get3A_4 = arith.constant 1 : index
    %get3A_5 = arith.constant 0 : index
    %get3A_6 = arith.constant 0 : index
    %get3A_7 = vector.load %arg1[%get3A_4, %get3A_5, %get3A_6] : memref<2x400x1xf32, #tpu.memory_space<vmem>>, vector<1x400x1xf32>
    %get3A_8 = vector.shape_cast %get3A_7 : vector<1x400x1xf32> to vector<400x1xf32>
    %add3A = arith.addf %get3A_3, %get3A_8 : vector<400x1xf32>
    %max3A = arith.constant 1.000000e+00 : f32
    %max3A_9 = vector.broadcast %max3A : f32 to vector<400x1xf32>
    %max3A_10 = arith.maximumf %add3A, %max3A_9 : vector<400x1xf32>
    %div3A = arith.constant 1.000000e+00 : f32
    %div3A_11 = vector.broadcast %div3A : f32 to vector<400x1xf32>
    %div3A_12 = arith.divf %div3A_11, %max3A_10 : vector<400x1xf32>
    %get3A_13 = arith.constant 0 : index
    %get3A_14 = arith.constant 0 : index
    %get3A_15 = arith.constant 0 : index
    %get3A_16 = vector.load %arg2[%get3A_13, %get3A_14, %get3A_15] : memref<2x400x128xf32, #tpu.memory_space<vmem>>, vector<1x400x128xf32>
    %get3A_17 = vector.shape_cast %get3A_16 : vector<1x400x128xf32> to vector<400x128xf32>
    %mul3A = vector.broadcast %div3A_12 : vector<400x1xf32> to vector<400x128xf32>
    %mul3A_18 = arith.mulf %get3A_17, %mul3A : vector<400x128xf32>
    %get3A_19 = arith.constant 1 : index
    %get3A_20 = arith.constant 0 : index
    %get3A_21 = arith.constant 0 : index
    %get3A_22 = vector.load %arg2[%get3A_19, %get3A_20, %get3A_21] : memref<2x400x128xf32, #tpu.memory_space<vmem>>, vector<1x400x128xf32>
    %get3A_23 = vector.shape_cast %get3A_22 : vector<1x400x128xf32> to vector<400x128xf32>
    %mul3A_24 = vector.broadcast %div3A_12 : vector<400x1xf32> to vector<400x128xf32>
    %mul3A_25 = arith.mulf %get3A_23, %mul3A_24 : vector<400x128xf32>
    %concatenate3A = tpu.concatenate %mul3A_18, %mul3A_25 in 1 : vector<400x128xf32>, vector<400x128xf32> -> vector<400x256xf32>
    %get3A_26 = arith.constant 0 : index
    %get3A_27 = arith.constant 0 : index
    %get3A_28 = arith.constant 0 : index
    %get3A_29 = vector.load %arg3[%get3A_26, %get3A_27, %get3A_28] : memref<2x400x128xf32, #tpu.memory_space<vmem>>, vector<1x400x128xf32>
    %get3A_30 = vector.shape_cast %get3A_29 : vector<1x400x128xf32> to vector<400x128xf32>
    %get3A_31 = arith.constant 1 : index
    %get3A_32 = arith.constant 0 : index
    %get3A_33 = arith.constant 0 : index
    %get3A_34 = vector.load %arg3[%get3A_31, %get3A_32, %get3A_33] : memref<2x400x128xf32, #tpu.memory_space<vmem>>, vector<1x400x128xf32>
    %get3A_35 = vector.shape_cast %get3A_34 : vector<1x400x128xf32> to vector<400x128xf32>
    %concatenate3A_36 = tpu.concatenate %get3A_30, %get3A_35 in 1 : vector<400x128xf32>, vector<400x128xf32> -> vector<400x256xf32>
    %get3A_37 = arith.constant 0 : index
    %get3A_38 = arith.constant 0 : index
    %get3A_39 = vector.load %arg4[%get3A_37, %get3A_38] : memref<256x256xf32, #tpu.memory_space<vmem>>, vector<256x256xf32>
    %dot_general3A = arith.constant dense<0.000000e+00> : vector<400x256xf32>
    %dot_general3A_40 = tpu.matmul %concatenate3A, %get3A_39, %dot_general3A {dimension_numbers = #tpu.dot_dimension_numbers<[1], [0], [0], [1], [0, 0, 1, 1], [], []>, transpose_lhs_hint = false} : vector<400x256xf32>, vector<256x256xf32>, vector<400x256xf32> -> vector<400x256xf32>
    %get3A_41 = arith.constant 0 : index
    %get3A_42 = arith.constant 0 : index
    %get3A_43 = vector.load %arg5[%get3A_41, %get3A_42] : memref<256x256xf32, #tpu.memory_space<vmem>>, vector<256x256xf32>
    %dot_general3A_44 = arith.constant dense<0.000000e+00> : vector<400x256xf32>
    %dot_general3A_45 = tpu.matmul %concatenate3A_36, %get3A_43, %dot_general3A_44 {dimension_numbers = #tpu.dot_dimension_numbers<[1], [0], [0], [1], [0, 0, 1, 1], [], []>, transpose_lhs_hint = false} : vector<400x256xf32>, vector<256x256xf32>, vector<400x256xf32> -> vector<400x256xf32>
    %add3A_46 = arith.addf %dot_general3A_40, %dot_general3A_45 : vector<400x256xf32>
    %get3A_47 = arith.constant 0 : index
    %get3A_48 = arith.constant 0 : index
    %get3A_49 = vector.load %arg6[%get3A_47, %get3A_48] : memref<1x256xf32, #tpu.memory_space<vmem>>, vector<1x256xf32>
    %add3A_50 = vector.broadcast %get3A_49 : vector<1x256xf32> to vector<400x256xf32>
    %add3A_51 = arith.addf %add3A_46, %add3A_50 : vector<400x256xf32>
    %swap3A = arith.constant 0 : index
    %swap3A_52 = arith.constant 0 : index
    %swap3A_53 = vector.load %arg7[%swap3A, %swap3A_52] : memref<400x256xf32, #tpu.memory_space<vmem>>, vector<400x256xf32>
    tpu.vector_store %arg7[%swap3A, %swap3A_52], %add3A_51 {strides = array<i32>} : memref<400x256xf32, #tpu.memory_space<vmem>>, vector<400x256xf32>,
    return
  }
  func.func @transform_0(%arg0: i32) -> (i32, i32, i32) {
    %c0_i32 = arith.constant 0 : i32
    %c0_i32_0 = arith.constant 0 : i32
    %c0_i32_1 = arith.constant 0 : i32
    return %c0_i32, %arg0, %c0_i32_0 : i32, i32, i32
  }
  func.func @transform_1(%arg0: i32) -> (i32, i32, i32) {
    %c0_i32 = arith.constant 0 : i32
    %c0_i32_0 = arith.constant 0 : i32
    %c0_i32_1 = arith.constant 0 : i32
    return %c0_i32, %arg0, %c0_i32_0 : i32, i32, i32
  }
  func.func @transform_2(%arg0: i32) -> (i32, i32, i32) {
    %c0_i32 = arith.constant 0 : i32
    %c0_i32_0 = arith.constant 0 : i32
    %c0_i32_1 = arith.constant 0 : i32
    return %c0_i32, %arg0, %c0_i32_0 : i32, i32, i32
  }
  func.func @transform_3(%arg0: i32) -> (i32, i32) {
    %c0_i32 = arith.constant 0 : i32
    %c0_i32_0 = arith.constant 0 : i32
    %c0_i32_1 = arith.constant 0 : i32
    return %c0_i32, %c0_i32_0 : i32, i32
  }
  func.func @transform_4(%arg0: i32) -> (i32, i32) {
    %c0_i32 = arith.constant 0 : i32
    %c0_i32_0 = arith.constant 0 : i32
    %c0_i32_1 = arith.constant 0 : i32
    return %c0_i32, %c0_i32_0 : i32, i32
  }
  func.func @transform_5(%arg0: i32) -> (i32, i32) {
    %c0_i32 = arith.constant 0 : i32
    %c0_i32_0 = arith.constant 0 : i32
    %c0_i32_1 = arith.constant 0 : i32
    return %c0_i32, %c0_i32_0 : i32, i32
  }
  func.func @transform_6(%arg0: i32) -> (i32, i32) {
    %c0_i32 = arith.constant 0 : i32
    %c0_i32_0 = arith.constant 0 : i32
    return %arg0, %c0_i32 : i32, i32
  }
}

</mosaic_0001>

<sc_bundles>
// kernel: kernel.6.cloned.1.call-start
scs
__scs_entry_jumppad:
0x0: {  	(pc) =	sbr.rel $0x88, $3  }
0x1: {  	(tag) =	ssettag $0x0;
	lr =	simm.s32 $0x1  }
0x2: {  	[smem:$0x3F99] =	sst lr;
	_ =	strace $0xD0000000  }
0x3: {  	_ = 	snop  }
0x4: {  	_ = 	snop  }
0x5: {  	_ = 	snop  }
0x6: {  	_ = 	snop  }
0x7: {  	_ = 	snop  }
__scs_overlays_trampoline_lowered:
0x8: {  	[smem:$0x3FA8] =	sst s0  }
0x9: {  	[smem:$0x3FA9] =	sst s1  }
0xa: {  	[smem:$0x3FAA] =	sst s2  }
0xb: {  	[smem:$0x3FAB] =	sst s3  }
0xc: {  	[smem:$0x3FAC] =	sst s4  }
0xd: {  	[smem:$0x3FAD] =	sst s5  }
0xe: {  	[smem:$0x3FAE] =	sst s6  }
0xf: {  	[smem:$0x3FAF] =	sst s7  }
0x10: {  	[smem:$0x3FB0] =	sst s8  }
0x11: {  	[smem:$0x3FB1] =	sst s9;
	s0 =	simm.s32 @!p0 $0x0  }
0x12: {  	s1 =	sld [smem:$0x3F97];
	s0 =	simm.s32 @p0 $0x1  }
0x13: {  	[smem:$0x3FB2] =	sst s0;
	s0 =	simm.s32 @!p1 $0x0  }
0x14: {  	s2 =	sld [smem:$0x3F96];
	s0 =	simm.s32 @p1 $0x1  }
0x15: {  	[smem:$0x3FB3] =	sst s0;
	s0 =	simm.s32 @!p2 $0x0  }
0x16: {  	s3 =	sld [smem:$0x3FDB];
	s0 =	simm.s32 @p2 $0x1  }
0x17: {  	s4 =	simm.s32 $0x1BF5;
	[smem:$0x3FB5] =	sst s0  }
0x18: {  	s0 =	sld [smem:$0x3F98];
	_ =	swait.ge [sflag:s4], $0x0  }
0x19: {  	s7 =	sld [smem:$0x3F99]  }
0x1a: {  	s8 =	sadd.s32 $0xFFFFE003, lr  }
0x1b: {  	s9 =	sadd.s32 $0xFFFFFEF7, lr;
	s5 =	simm.s32 $0xFFFFFFFF;
	p2 =	slt.u32 s8, $0xFFFFF086  }
0x1c: {  	p1 =	slt.u32 s9, $0xF7A;
	s5 =	simm.s32 @!p2 $0x0  }
0x1d: {  	s5 =	simm.s32 @p1 $0x1;
	p0 =	seq.s32 s7, s2  }
0x1e: {  	s7 =	smul.u32 @!p0 $0xF7A, s2;
	p2 =	seq.s32 @!p0 s5, $0x0  }
0x1f: {  	s9 =	smul.u32 $0xF7A, s1;
	s8 =	simm.s32 @!p0 $0x1BF5;
	p2 =	por !p2, p0  }
0x20: {  	[sflag:s8] =	ssyncset.s32 @!p0 $0xFFFFF086;
	s6 =	sadd.s32 @!p0 s3, s7;
	s7 =	simm.s32 @!p0 $0x108  }
0x21: {  	s3 =	sadd.s32 s3, s9;
	s6 =	sadd.s32 @!p0 $0x88, s6;
	s7 =	simm.s32 @p2 $0x1082  }
0x22: {  	[simem:s7], [sflag:s8] =	dma.local @!p0 [hbm:s6], $0xF7A  }
0x23: {  	s9 =	sor.u32 $0xD0000000, s2;
	s6 =	simm.s32 $0x108;
	_ =	swait.ge @!p0 [sflag:s8], $0x0  }
0x24: {  	s3 =	sadd.s32 $0x88, s3;
	s6 =	simm.s32 @!p1 $0x1082;
	[sflag:s4] =	ssyncset.s32 $0xFFFFF086  }
0x25: {  	[simem:s6], [sflag:s4] =	dma.local [hbm:s3], $0xF7A  }
0x26: {  	[smem:$0x3F99] =	sst s1;
	(tag) =	ssettag s2;
	_ =	strace s9  }
0x27: {  	s1 =	sld [smem:$0x3FA9]  }
0x28: {  	s2 =	sld [smem:$0x3FAA]  }
0x29: {  	s4 =	sld [smem:$0x3FAC]  }
0x2a: {  	p0 =	seq.s32 s5, $0x0;
	s5 =	sld [smem:$0x3FAD]  }
0x2b: {  	s6 =	sld [smem:$0x3FAE]  }
0x2c: {  	s7 =	sld [smem:$0x3FAF]  }
0x2d: {  	s3 =	simm.s32 $0x108;
	s8 =	sld [smem:$0x3FB0]  }
0x2e: {  	s3 =	simm.s32 @!p0 $0x1082;
	s9 =	sld [smem:$0x3FB1]  }
0x2f: {  	lr =	sadd.s32 s0, s3;
	s0 =	sld [smem:$0x3FA8]  }
0x30: {  	s3 =	sld [smem:$0x3FAB]  }
0x31: {  	[smem:$0x3FB4] =	sst s10  }
0x32: {  	s10 =	sld [smem:$0x3FB2];
	_ =	sdelay $0x3  }
0x33: {  	p0 =	seq.s32 s10, $0x1;
	s10 =	sld [smem:$0x3FB4];
	_ =	sdelay $0x3  }
0x34: {  	[smem:$0x3FB4] =	sst s10  }
0x35: {  	s10 =	sld [smem:$0x3FB3];
	_ =	sdelay $0x3  }
0x36: {  	p1 =	seq.s32 s10, $0x1;
	s10 =	sld [smem:$0x3FB4];
	_ =	sdelay $0x3  }
0x37: {  	[smem:$0x3FB4] =	sst s10  }
0x38: {  	s10 =	sld [smem:$0x3FB5]  }
0x39: {  	_ = 	snop;
	(pc) =	sbr.ind lr, $3  }
0x3a: {  	_ = 	snop  }
0x3b: {  	_ = 	snop  }
0x3c: {  	p2 =	seq.s32 s10, $0x1;
	s10 =	sld [smem:$0x3FB4]  }
0x3d: {  	_ =	shalt  }
0x3e: {  	_ =	shalt  }
0x3f: {  	_ =	shalt  }
0x40: {  	_ =	shalt  }
0x41: {  	_ =	shalt  }
0x42: {  	_ =	shalt  }
0x43: {  	_ =	shalt  }
0x44: {  	_ =	shalt  }
0x45: {  	_ =	shalt  }
0x46: {  	_ =	shalt  }
0x47: {  	_ =	shalt  }
0x48: {  	_ =	shalt  }
0x49: {  	_ =	shalt  }
0x4a: {  	_ =	shalt  }
0x4b: {  	_ =	shalt  }
0x4c: {  	_ =	shalt  }
0x4d: {  	_ =	shalt  }
0x4e: {  	_ =	shalt  }
0x4f: {  	_ =	shalt  }
0x50: {  	_ =	shalt  }
0x51: {  	_ =	shalt  }
0x52: {  	_ =	shalt  }
0x53: {  	_ =	shalt  }
0x54: {  	_ =	shalt  }
0x55: {  	_ =	shalt  }
0x56: {  	_ =	shalt  }
0x57: {  	_ =	shalt  }
0x58: {  	_ =	shalt  }
0x59: {  	_ =	shalt  }
0x5a: {  	_ =	shalt  }
0x5b: {  	_ =	shalt  }
0x5c: {  	_ =	shalt  }
0x5d: {  	_ =	shalt  }
0x5e: {  	_ =	shalt  }
0x5f: {  	_ =	shalt  }
0x60: {  	_ =	shalt  }
0x61: {  	_ =	shalt  }
0x62: {  	_ =	shalt  }
0x63: {  	_ =	shalt  }
0x64: {  	_ =	shalt  }
0x65: {  	_ =	shalt  }
0x66: {  	_ =	shalt  }
0x67: {  	_ =	shalt  }
0x68: {  	_ =	shalt  }
0x69: {  	_ =	shalt  }
0x6a: {  	_ =	shalt  }
0x6b: {  	_ =	shalt  }
0x6c: {  	_ =	shalt  }
0x6d: {  	_ =	shalt  }
0x6e: {  	_ =	shalt  }
0x6f: {  	_ =	shalt  }
0x70: {  	_ =	shalt  }
0x71: {  	_ =	shalt  }
0x72: {  	_ =	shalt  }
0x73: {  	_ =	shalt  }
0x74: {  	_ =	shalt  }
0x75: {  	_ =	shalt  }
0x76: {  	_ =	shalt  }
0x77: {  	_ =	shalt  }
0x78: {  	_ =	shalt  }
0x79: {  	_ =	shalt  }
0x7a: {  	_ =	shalt  }
0x7b: {  	_ =	shalt  }
0x7c: {  	_ =	shalt  }
0x7d: {  	_ =	shalt  }
0x7e: {  	_ =	shalt  }
0x7f: {  	_ =	shalt  }
0x80: {  	_ =	shalt  }
0x81: {  	_ =	shalt  }
0x82: {  	_ =	shalt  }
0x83: {  	_ =	shalt  }
0x84: {  	_ =	shalt  }
0x85: {  	_ =	shalt  }
0x86: {  	_ =	shalt  }
0x87: {  	_ =	shalt  }
.Lfunc_end0:
.L_simem_size_0:
called_computation_lowered:
.L_overlay_start_0:
0x88: {  	s2 =	sld [smem:$0x3FD9]  }
0x89: {  	s3 =	sld [smem:$0x3FFE];
	_ =	sdelay $0x1  }
0x8a: {  	s1 =	srdreg.scid  }
0x8b: {  	s0 =	sand.u32 $0x1, s1  }
0x8c: {  	s17 =	sshll.u32 s0, $0xA;
	s2 =	sadd.s32 s3, s2  }
0x8d: {  	s2 =	sadd.s32 s2, s17  }
0x8e: {  	[smem:$0x3FC0] =	sst s2  }
0x8f: {  	_ = 	snop  }
0x90: {  	s2 =	sld [smem:$0x3FD0];
	(tm) =	ssettm $0x1  }
0x91: {  	s18 =	sld [smem:$0x3FFB];
	_ =	sdelay $0x3  }
0x92: {  	_ =	strace s18  }
0x93: {  	s3 =	sld [smem:$0x3FFC];
	_ =	sdelay $0x3  }
0x94: {  	_ =	strace s3  }
0x95: {  	s3 =	sld [smem:$0x3FFD];
	_ =	sdelay $0x3  }
0x96: {  	_ =	strace s3  }
0x97: {  	_ =	strace $0x8FFFFFFF  }
0x98: {  	s19 =	sld [smem:$0x3FDB];
	_ =	sdelay $0x1  }
0x99: {  	s4 =	simm.s32 $_scs_section_size  }
0x9a: {  	s5 =	simm.s32 $_size__tile_overlayer_lowered;
	s6 =	simm.s32 $_tile_overlayer_lowered  }
0x9b: {  	s22 =	simm.s32 $0x1BFF;
	s21 =	sshll.u32 s6, $0x1;
	s3 =	sadd.s32 s4, s19  }
0x9c: {  	s7 =	simm.s32 $0x0;
	s20 =	sshll.u32 s5, $0x1;
	s5 =	sadd.s32 s21, s3  }
0x9d: {  	[timem:s7], [sflag:s22] =	dma.local [hbm:s5], s20  }
0x9e: {  	_ =	swait.ge [sflag:s22], s20  }
0x9f: {  	s4 =	ssub.s32 $0x0, s20;
	[sflag:s22] =	ssyncset.done $0x0  }
0xa0: {  	[sflag:s22] =	ssyncadd.s32 s4;
	_ =	sdelay $0x1  }
0xa1: {  	s23 =	simm.s32 $0x1B8B  }
0xa2: {  	_ =	swait.ge [sflag:s23], $0x1  }
0xa3: {  	[sflag:s23] =	ssyncset.done $0x0  }
0xa4: {  	s25 =	simm.s32 $0x1B8E;
	s24 =	sld [smem:$0x3FFE];
	[sflag:s23] =	ssyncadd.s32 $0xFFFFFFFF  }
0xa5: {  	s26 =	simm.s32 $execute0_lowered;
	[smem:$0x3FD2] =	sst s25  }
0xa6: {  	s5 =	sshll.u32 s26, $0x1;
	_ =	strace $0x80000046;
	[dreg:$0x1] =	wrdreg $0xFFFFFFFF  }
0xa7: {  	s28 =	simm.s32 $_size_execute0_lowered;
	s3 =	sadd.s32 s3, s5;
	[dreg:$0x0] =	wrdreg $0x0  }
0xa8: {  	s5 =	sshll.u32 s28, $0x1;
	[dreg:$0x2] =	wrdreg s3  }
0xa9: {  	[dreg:$0x3] =	wrdreg s5  }
0xaa: {  	[dreg:$0x4] =	wrdreg $0xC0  }
0xab: {  	_ =	task [dreg:s7], $0x5FFFF  }
0xac: {  	[dreg:$0x1] =	wrdreg $0xFFFFFFFF  }
0xad: {  	[dreg:$0x0] =	wrdreg $0x60  }
0xae: {  	[dreg:$0x2] =	wrdreg s24  }
0xaf: {  	[dreg:$0x3] =	wrdreg s2  }
0xb0: {  	[dreg:$0x4] =	wrdreg $0xAB000  }
0xb1: {  	[dreg:$0x5] =	wrdreg $0x1EB400  }
0xb2: {  	[dreg:$0x6] =	wrdreg $0x9  }
0xb3: {  	_ =	task.clear_ibuf [dreg:s7], $0x7FFFF;
	_ =	strace $0x90000046  }
0xb4: {  	s29 =	simm.s32 $0x9;
	_ =	strace $0x80000048  }
0xb5: {  	_ =	swait.ge [sflag:s29], $0x1  }
0xb6: {  	[sflag:s29] =	ssyncadd.s32 $0xFFFFFFFF  }
0xb7: {  	_ =	strace $0x90000048  }
0xb8: {  	_ =	sfence  }
0xb9: {  	s30 =	sld [smem:$0x0];
	_ =	sdelay $0x2  }
0xba: {  	s31 =	sshll.u32 s1, $0xD;
	s1 =	sshrl.u32 s1, $0x2  }
0xbb: {  	s3 =	sand.u32 $0x4000, s31;
	s1 =	sadd.s32 s1, s30  }
0xbc: {  	s0 =	sor.u32 s3, s0;
	s1 =	sshll.u32 s1, $0x11  }
0xbd: {  	s0 =	sor.u32 s1, s0  }
0xbe: {  	s0 =	sadd.s32 $0x8F2B, s0  }
0xbf: {  	[sflag:s0] =	ssyncadd.remote.s32 $0x1  }
0xc0: {  	_ =	sfence.sel $0xFFFF  }
0xc1: {  	[dreg:$0x0] =	wrdreg $0xFFFFFFFF;
	(pc) =	sbr.abs _section_cstart, $3  }
0xc2: {  	[dreg:$0x1] =	wrdreg $0xFFFFFFFF  }
0xc3: {  	_ =	task.clear_ibuf [dreg:s7], $0x2FFFF;
	_ =	strace $0x9FFFFFFF  }
0xc4: {  	(tm) =	ssettm $0x7FFFFFFF  }
0xc5: {  	_ =	shalt  }
tec
execute0_lowered:
.L_overlay_start_1:
0x0: {  	(tag) =	ssettag $0x1  }
0x1: {  	s1 =	rddreg [dreg:$0x0]  }
0x2: {  	s0 =	rddreg [dreg:$0x1]  }
0x3: {  	s3 =	rddreg [dreg:$0x2];
	s8 =	stileid.u32  }
0x4: {  	s2 =	srdreg.scid;
	s6 =	smul.u32 $0x14000, s8  }
0x5: {  	s4 =	rddreg [dreg:$0x3];
	s7 =	simm.s32 $0x0;
	s9 =	smul.u32 $0x280, s8  }
0x6: {  	s28 =	simm.s32 $0x3;
	s29 =	simm.s32 $0x4;
	s12 =	smul.u32 $0x50000, s8  }
0x7: {  	s31 =	simm.s32 $0x0;
	s2 =	sand.u32 $0x1, s2;
	s14 =	smul.u32 $0xA00, s8  }
0x8: {  	[smem:$0x7FF] =	sst s7;
	s7 =	sadd.s32 $0x2C00, s1;
	s26 =	smul.u32 $0x50, s8  }
0x9: {  	s11 =	sadd.s32 $0x16C00, s1;
	s25 =	sadd.s32 $0x2580, s4;
	s5 =	smul.u32 $0x140000, s2  }
0xa: {  	p0 =	sne.s32 s8, $0xF;
	_ =	strace $0x80000047;
	s10 =	smul.u32 $0x2800, s2  }
0xb: {  	[dreg:$0x5] =	wrdreg s11;
	s20 =	ssub.s32 $0x2, s2;
	s22 =	sshll.u32 s2, $0x4  }
0xc: {  	[dreg:$0x8] =	wrdreg s25;
	s2 =	smul.u32 $0x500, s2;
	s25 =	simm.s32 $0x1  }
0xd: {  	s13 =	sshrl.u32 s20, $0x1;
	s12 =	sshrl.u32 s12, $0x2;
	s23 =	sshrl.u32 s14, $0x2  }
0xe: {  	s11 =	sor.u32 s8, s22;
	s22 =	simm.s32 $0x1400;
	s5 =	sadd.s32 s6, s5  }
0xf: {  	s6 =	sadd.s32 $0xCC00, s1;
	s10 =	sadd.s32 s9, s10;
	s21 =	ssub.s32 s20, s13  }
0x10: {  	s14 =	sadd.s32 s12, s3;
	s24 =	sadd.s32 s23, s4;
	s11 =	smul.u32 $0x50, s11  }
0x11: {  	s9 =	sadd.s32 s9, s4;
	s5 =	sshrl.u32 s5, $0x3;
	[dreg:$0x7] =	wrdreg s24  }
0x12: {  	s10 =	sshrl.u32 s10, $0x3;
	[dreg:$0xa] =	wrdreg s9;
	s30 =	smax.u32 s21, $0x1  }
0x13: {  	[dreg:$0x6] =	wrdreg s14;
	s5 =	sadd.s32 s5, s1;
	s1 =	sadd.s32 s10, s1  }
0x14: {  	s12 =	sadd.s32 $0x12C000, s3;
	[dreg:$0xc] =	wrdreg s30;
	s1 =	sadd.s32 $0x19600, s1  }
0x15: {  	s5 =	sadd.s32 $0x1A000, s5;
	[dreg:$0xb] =	wrdreg s1;
	s1 =	sshll.u32 @p0 s8, $0x6  }
0x16: {  	s17 =	sadd.s32 s26, s2;
	[dreg:$0x9] =	wrdreg s5;
	s1 =	sor.u32 @p0 $0x1C05, s1  }
0x17: {  	s23 =	simm.s32 $0x80;
	[dreg:$0xd] =	wrdreg s1;
	s1 =	sshrl.u32 @p0 s14, $0x3  }
0x18: {  	s26 =	simm.s32 $0x2800;
	[dreg:$0xe] =	wrdreg s1;
	s1 =	sshrl.u32 @!p0 s12, $0x3  }
0x19: {  	v0 =	vimm.f32 $0.0e+00;
	v1 =	vimm.f32 $1.000000000e+00;
	s21 =	simm.s32 $0x5;
	s24 =	simm.s32 $0x6800;
	[dreg:$0xf] =	wrdreg s1  }
.LBB2_1:
0x1a: {  	[tilespmem:$0xA800] =	vst v0  }
0x1b: {  	[tilespmem:$0xA810] =	vst v0  }
0x1c: {  	[tilespmem:$0xA820] =	vst v0  }
0x1d: {  	[tilespmem:$0xA830] =	vst v0  }
0x1e: {  	[tilespmem:$0xA840] =	vst v0  }
0x1f: {  	[tilespmem:$0xA850] =	vst v0  }
0x20: {  	[tilespmem:$0xA860] =	vst v0  }
0x21: {  	[tilespmem:$0xA870] =	vst v0  }
0x22: {  	[tilespmem:$0xA880] =	vst v0  }
0x23: {  	[tilespmem:$0xA890] =	vst v0  }
0x24: {  	[tilespmem:$0xA8A0] =	vst v0  }
0x25: {  	[tilespmem:$0xA8B0] =	vst v0  }
0x26: {  	[tilespmem:$0xA8C0] =	vst v0  }
0x27: {  	[tilespmem:$0xA8D0] =	vst v0  }
0x28: {  	[tilespmem:$0xA8E0] =	vst v0  }
0x29: {  	[tilespmem:$0xA8F0] =	vst v0  }
0x2a: {  	[tilespmem:$0xA900] =	vst v0  }
0x2b: {  	[tilespmem:$0xA910] =	vst v0  }
0x2c: {  	[tilespmem:$0xA920] =	vst v0  }
0x2d: {  	[tilespmem:$0xA930] =	vst v0  }
0x2e: {  	[tilespmem:$0xA940] =	vst v0  }
0x2f: {  	[tilespmem:$0xA950] =	vst v0  }
0x30: {  	[tilespmem:$0xA960] =	vst v0  }
0x31: {  	[tilespmem:$0xA970] =	vst v0  }
0x32: {  	[tilespmem:$0xA980] =	vst v0  }
0x33: {  	[tilespmem:$0xA990] =	vst v0  }
0x34: {  	[tilespmem:$0xA9A0] =	vst v0  }
0x35: {  	[tilespmem:$0xA9B0] =	vst v0  }
0x36: {  	[tilespmem:$0xA9C0] =	vst v0  }
0x37: {  	[tilespmem:$0xA9D0] =	vst v0  }
0x38: {  	[tilespmem:$0xA9E0] =	vst v0  }
0x39: {  	[tilespmem:$0xA9F0] =	vst v0  }
0x3a: {  	[tilespmem:$0xAA00] =	vst v0  }
0x3b: {  	[tilespmem:$0xAA10] =	vst v0  }
0x3c: {  	[tilespmem:$0xAA20] =	vst v0  }
0x3d: {  	[tilespmem:$0xAA30] =	vst v0  }
0x3e: {  	[tilespmem:$0xAA40] =	vst v0  }
0x3f: {  	[tilespmem:$0xAA50] =	vst v0  }
0x40: {  	[tilespmem:$0xAA60] =	vst v0;
	s5 =	rddreg [dreg:$0x5]  }
0x41: {  	[tilespmem:$0xAA70] =	vst v0;
	s1 =	rddreg [dreg:$0xd]  }
0x42: {  	[tilespmem:$0xAA80] =	vst v0;
	s2 =	rddreg [dreg:$0xe]  }
0x43: {  	[spmem:s2], [sflag:s1] =	dma.local @p0 [hbm:s5], $0x2800  }
0x44: {  	s1 =	simm.s32 @p0 $0x5  }
0x45: {  	_ =	swait.ge @p0 [sflag:s1], $0x2800  }
0x46: {  	[sflag:s1] =	ssyncset.done @p0 $0x0  }
0x47: {  	s2 =	simm.s32 @p0 $0xA800;
	s8 =	rddreg [dreg:$0x7];
	[sflag:s1] =	ssyncadd.s32 @p0 $0xFFFFD800  }
0x48: {  	[spmem:s8] =	stream.linear.scatter @p0 [tilespmem:s2], [sflag:$0x5], $0x280, $0x38;
	[tilespmem:$0x1EDC8] =	vst v63  }
0x49: {  	_ =	swait.ge @p0 [sflag:s1], $0x280  }
0x4a: {  	[sflag:s1] =	ssyncset.done @p0 $0x0  }
0x4b: {  	s2 =	rddreg [dreg:$0xf];
	[sflag:s1] =	ssyncadd.s32 @p0 $0xFFFFFD80;
	s1 =	simm.s32 @!p0 $0x1FC5  }
0x4c: {  	[spmem:s2], [sflag:s1] =	dma.local @!p0 [hbm:s5], $0x2880  }
0x4d: {  	s1 =	simm.s32 @!p0 $0x5  }
0x4e: {  	_ =	swait.ge @!p0 [sflag:s1], $0x2880  }
0x4f: {  	[sflag:s1] =	ssyncset.done @!p0 $0x0  }
0x50: {  	s2 =	simm.s32 @!p0 $0xA800;
	s5 =	rddreg [dreg:$0x8];
	[sflag:s1] =	ssyncadd.s32 @!p0 $0xFFFFD780  }
0x51: {  	[spmem:s5] =	stream.linear.scatter @!p0 [tilespmem:s2], [sflag:$0x5], $0x288, $0x38;
	[tilespmem:$0x1EDC8] =	vst v63  }
0x52: {  	_ =	swait.ge @!p0 [sflag:s1], $0x288  }
0x53: {  	[sflag:s1] =	ssyncset.done @!p0 $0x0  }
0x54: {  	[sflag:s1] =	ssyncadd.s32 @!p0 $0xFFFFFD78  }
0x55: {  	[tilespmem:$0xA800] =	vst v1  }
0x56: {  	[tilespmem:$0xA810] =	vst v1  }
0x57: {  	[tilespmem:$0xA820] =	vst v1  }
0x58: {  	[tilespmem:$0xA830] =	vst v1  }
0x59: {  	[tilespmem:$0xA840] =	vst v1  }
0x5a: {  	[tilespmem:$0xA850] =	vst v1  }
0x5b: {  	[tilespmem:$0xA860] =	vst v1  }
0x5c: {  	[tilespmem:$0xA870] =	vst v1  }
0x5d: {  	p3 =	por $0x1, $0x1;
	s2 =	simm.s32 $0x0;
	[bflag:$0x0] =	sbarrier.arrive $0xFFFF  }
.LBB2_2:
0x5e: {  	s1 =	sadd.s32 s11, s2  }
0x5f: {  	s5 =	sshll.u32 s1, $0x4  }
0x60: {  	s1 =	simm.s32 $0x0;
	s9 =	sadd.s32 s6, s5  }
0x61: {  	[tilespmem:s1], [sflag:$0x5] =	stream.linear.gather [hbm4b:s9+s1], $0x1400, $0x38;
	[tilespmem:$0x1EDC8] =	vst v63  }
0x62: {  	_ =	swait.ge [sflag:s21], $0x1400  }
0x63: {  	[sflag:s21] =	ssyncset.done $0x0  }
0x64: {  	s5 =	sadd.s32 s7, s5;
	[sflag:s21] =	ssyncadd.s32 $0xFFFFEC00  }
0x65: {  	[tilespmem:s22], [sflag:$0x5] =	stream.linear.gather [hbm4b:s5+s1], $0x1400, $0x38;
	[tilespmem:$0x1EDC8] =	vst v63  }
0x66: {  	_ =	swait.ge [sflag:s21], $0x1400  }
0x67: {  	p1 =	por $0x0, $0x0;
	[sflag:s21] =	ssyncset.done $0x0  }
0x68: {  	s5 =	simm.s32 @p1 $0x3;
	[sflag:s21] =	ssyncadd.s32 $0xFFFFEC00  }
0x69: {  	_ =	swait.ge @p1 [sflag:s5], $0x4000  }
0x6a: {  	s10 =	simm.s32 @p1 $0x4;
	s12 =	simm.s32 @p1 $0x80;
	[sflag:s5] =	ssyncset.done @p1 $0x0  }
0x6b: {  	s9 =	simm.s32 @p1 $0x2800;
	[sflag:s5] =	ssyncadd.s32 @p1 $0xFFFFC000;
	s5 =	simm.s32 @p1 $0x0  }
0x6c: {  	[tilespmem:s9], [sflag:$0x1] =	stream.indirect.gather @p1 [hbm4b:s0+s12], $0x80, s5, s12, $0xb8;
	[tilespmem:$0x1EDC8] =	vst v63  }
0x6d: {  	_ =	swait.ge @p1 [sflag:s10], $0x4000  }
0x6e: {  	s1 =	simm.s32 @!p1 $0x0;
	s5 =	simm.s32 @!p1 $0x2800;
	[sflag:s10] =	ssyncset.done @p1 $0x0  }
0x6f: {  	s9 =	simm.s32 @!p1 $0x80;
	[sflag:s10] =	ssyncadd.s32 @p1 $0xFFFFC000;
	s10 =	simm.s32 @!p1 $0x0  }
0x70: {  	[tilespmem:s5], [sflag:$0x1] =	stream.indirect.gather @!p1 [hbm4b:s0+s9], $0x80, s10, s9, $0xb8;
	[tilespmem:$0x1EDC8] =	vst v63  }
0x71: {  	s5 =	sor.u32 $0x80, s1  }
0x72: {  	[tilespmem:s24], [sflag:$0x2] =	stream.indirect.gather [hbm4b:s0+s23], $0x80, s5, s23, $0xb8;
	[tilespmem:$0x1EDC8] =	vst v63  }
0x73: {  	s20 =	sadd.s32 s2, s17;
	_ =	swait.ge [sflag:s25], $0x4000  }
0x74: {  	p2 =	sgt.u32 s20, $0x9C3;
	[sflag:s25] =	ssyncset.done $0x0  }
0x75: {  	s9 =	sadd.s32 $0x1400, s1;
	s10 =	simm.s32 @p2 $0x2;
	[sflag:s25] =	ssyncadd.s32 $0xFFFFC000  }
0x76: {  	[spmem:s3] =	stream.indirect.scatter.add.f32 [tilespmem:s26], [sflag:$0x3], $0x80, s9, s23, $0xb8;
	[tilespmem:$0x1EDC8] =	vst v63  }
0x77: {  	_ =	swait.ge @p2 [sflag:s10], $0x4000  }
0x78: {  	s14 =	simm.s32 @p2 $0x80;
	[sflag:s10] =	ssyncset.done @p2 $0x0  }
0x79: {  	s12 =	simm.s32 @p2 $0x6800;
	s13 =	sadd.s32 @p2 $0x1400, s5;
	[sflag:s10] =	ssyncadd.s32 @p2 $0xFFFFC000  }
0x7a: {  	[spmem:s3] =	stream.indirect.scatter.add.f32 @p2 [tilespmem:s12], [sflag:$0x4], $0x80, s13, s14, $0xb8;
	[tilespmem:$0x1EDC8] =	vst v63  }
0x7b: {  	s15 =	simm.s32 @!p2 $0xA800;
	s16 =	simm.s32 @!p2 $0x6;
	s13 =	simm.s32 @!p2 $0x80  }
0x7c: {  	[spmem:s4] =	stream.indirect.scatter.add.f32 @!p2 [tilespmem:s15], [sflag:$0x6], $0x1, s9, s13, $0xb8;
	[tilespmem:$0x1EDC8] =	vst v63  }
0x7d: {  	_ =	swait.ge @!p2 [sflag:s16], $0x80  }
0x7e: {  	[sflag:s16] =	ssyncset.done @!p2 $0x0  }
0x7f: {  	s9 =	simm.s32 @!p2 $0x2;
	[sflag:s16] =	ssyncadd.s32 @!p2 $0xFFFFFF80  }
0x80: {  	_ =	swait.ge @!p2 [sflag:s9], $0x4000  }
0x81: {  	[sflag:s9] =	ssyncset.done @!p2 $0x0  }
0x82: {  	s18 =	simm.s32 @!p2 $0x6800;
	s5 =	sadd.s32 @!p2 $0x1400, s5;
	[sflag:s9] =	ssyncadd.s32 @!p2 $0xFFFFC000  }
0x83: {  	[spmem:s3] =	stream.indirect.scatter.add.f32 @!p2 [tilespmem:s18], [sflag:$0x4], $0x80, s5, s13, $0xb8;
	[tilespmem:$0x1EDC8] =	vst v63  }
0x84: {  	_ = 	snop  }
0x85: {  	[spmem:s4] =	stream.indirect.scatter.add.f32 @!p2 [tilespmem:s15], [sflag:$0x6], $0x1, s5, s13, $0xb8;
	[tilespmem:$0x1EDC8] =	vst v63  }
0x86: {  	_ =	swait.ge @!p2 [sflag:s16], $0x80  }
0x87: {  	[sflag:s16] =	ssyncset.done @!p2 $0x0  }
0x88: {  	[sflag:s16] =	ssyncadd.s32 @!p2 $0xFFFFFF80  }
0x89: {  	_ =	swait.ge [sflag:s28], $0x4000  }
0x8a: {  	[sflag:s28] =	ssyncset.done $0x0  }
0x8b: {  	s30 =	simm.s32 $0x100;
	[sflag:s28] =	ssyncadd.s32 $0xFFFFC000  }
0x8c: {  	[tilespmem:s26], [sflag:$0x1] =	stream.indirect.gather [hbm4b:s0+s23], $0x80, s30, s23, $0xb8;
	[tilespmem:$0x1EDC8] =	vst v63  }
0x8d: {  	_ =	swait.ge [sflag:s29], $0x4000  }
0x8e: {  	[sflag:s29] =	ssyncset.done $0x0  }
0x8f: {  	s1 =	sor.u32 $0x180, s1;
	[sflag:s29] =	ssyncadd.s32 $0xFFFFC000  }
0x90: {  	[tilespmem:s24], [sflag:$0x2] =	stream.indirect.gather [hbm4b:s0+s23], $0x80, s1, s23, $0xb8;
	[tilespmem:$0x1EDC8] =	vst v63  }
0x91: {  	_ =	swait.ge [sflag:s25], $0x4000  }
0x92: {  	[sflag:s25] =	ssyncset.done $0x0  }
0x93: {  	s5 =	simm.s32 $0x1500;
	[sflag:s25] =	ssyncadd.s32 $0xFFFFC000  }
0x94: {  	[spmem:s3] =	stream.indirect.scatter.add.f32 [tilespmem:s26], [sflag:$0x3], $0x80, s5, s23, $0xb8;
	[tilespmem:$0x1EDC8] =	vst v63  }
0x95: {  	_ =	swait.ge @p2 [sflag:s10], $0x4000  }
0x96: {  	[sflag:s10] =	ssyncset.done @p2 $0x0  }
0x97: {  	[sflag:s10] =	ssyncadd.s32 @p2 $0xFFFFC000;
	s10 =	sadd.s32 @p2 $0x1400, s1  }
0x98: {  	[spmem:s3] =	stream.indirect.scatter.add.f32 @p2 [tilespmem:s12], [sflag:$0x4], $0x80, s10, s14, $0xb8;
	[tilespmem:$0x1EDC8] =	vst v63  }
0x99: {  	_ = 	snop  }
0x9a: {  	[spmem:s4] =	stream.indirect.scatter.add.f32 @!p2 [tilespmem:s15], [sflag:$0x6], $0x1, s5, s13, $0xb8;
	[tilespmem:$0x1EDC8] =	vst v63  }
0x9b: {  	_ =	swait.ge @!p2 [sflag:s16], $0x80  }
0x9c: {  	[sflag:s16] =	ssyncset.done @!p2 $0x0  }
0x9d: {  	[sflag:s16] =	ssyncadd.s32 @!p2 $0xFFFFFF80  }
0x9e: {  	_ =	swait.ge @!p2 [sflag:s9], $0x4000  }
0x9f: {  	[sflag:s9] =	ssyncset.done @!p2 $0x0  }
0xa0: {  	s1 =	sadd.s32 @!p2 $0x1400, s1;
	[sflag:s9] =	ssyncadd.s32 @!p2 $0xFFFFC000  }
0xa1: {  	[spmem:s3] =	stream.indirect.scatter.add.f32 @!p2 [tilespmem:s18], [sflag:$0x4], $0x80, s1, s13, $0xb8;
	[tilespmem:$0x1EDC8] =	vst v63  }
0xa2: {  	s2 =	sadd.s32 $0x4, s20  }
0xa3: {  	[spmem:s4] =	stream.indirect.scatter.add.f32 @!p2 [tilespmem:s15], [sflag:$0x5], $0x1, s1, s13, $0xb8;
	[tilespmem:$0x1EDC8] =	vst v63  }
0xa4: {  	p1 =	por p3, p3;
	s10 =	simm.s32 $0x1000;
	s1 =	simm.s32 @!p2 $0x5  }
0xa5: {  	s5 =	simm.s32 $0x800;
	s15 =	simm.s32 $0x200;
	_ =	swait.ge @!p2 [sflag:s1], $0x80  }
.LBB2_3:
0xa6: {  	p4 =	sne.s32 s5, $0x0  }
0xa7: {  	[sflag:s1] =	ssyncset.done @!p2 $0x0;
	s12 =	smov.u32 s10;
	s10 =	sadd.s32 $0x800, s10  }
0xa8: {  	p3 =	sne.s32 s10, $0x5000;
	s9 =	simm.s32 @p4 $0x3;
	[sflag:s1] =	ssyncadd.s32 @!p2 $0xFFFFFF80  }
0xa9: {  	_ =	swait.ge @p4 [sflag:s9], $0x4000  }
0xaa: {  	s1 =	simm.s32 @p4 $0x2800;
	s13 =	simm.s32 @p4 $0x4;
	[sflag:s9] =	ssyncset.done @p4 $0x0  }
0xab: {  	s14 =	simm.s32 @p4 $0x80;
	[sflag:s9] =	ssyncadd.s32 @p4 $0xFFFFC000;
	s9 =	sshra.s32 @p4 s5, $0x2  }
0xac: {  	[tilespmem:s1], [sflag:$0x1] =	stream.indirect.gather @p4 [hbm4b:s0+s14], $0x80, s9, s14, $0xb8;
	[tilespmem:$0x1EDC8] =	vst v63  }
0xad: {  	s1 =	smov.u32 s15;
	_ =	swait.ge @p4 [sflag:s13], $0x4000  }
0xae: {  	s9 =	simm.s32 @!p4 $0x2800;
	s1 =	simm.s32 @!p4 $0x0;
	[sflag:s13] =	ssyncset.done @p4 $0x0  }
0xaf: {  	s14 =	simm.s32 @!p4 $0x0;
	[sflag:s13] =	ssyncadd.s32 @p4 $0xFFFFC000;
	s13 =	simm.s32 @!p4 $0x80  }
0xb0: {  	[tilespmem:s9], [sflag:$0x1] =	stream.indirect.gather @!p4 [hbm4b:s0+s13], $0x80, s14, s13, $0xb8;
	[tilespmem:$0x1EDC8] =	vst v63  }
0xb1: {  	s30 =	sor.u32 $0x80, s1  }
0xb2: {  	[tilespmem:s24], [sflag:$0x2] =	stream.indirect.gather [hbm4b:s0+s23], $0x80, s30, s23, $0xb8;
	[tilespmem:$0x1EDC8] =	vst v63  }
0xb3: {  	_ =	swait.ge [sflag:s25], $0x4000  }
0xb4: {  	[sflag:s25] =	ssyncset.done $0x0  }
0xb5: {  	p2 =	sgt.u32 s2, $0x9C3;
	s9 =	sadd.s32 $0x1400, s1;
	[sflag:s25] =	ssyncadd.s32 $0xFFFFC000  }
0xb6: {  	[spmem:s3] =	stream.indirect.scatter.add.f32 [tilespmem:s26], [sflag:$0x3], $0x80, s9, s23, $0xb8;
	[tilespmem:$0x1EDC8] =	vst v63  }
0xb7: {  	s16 =	simm.s32 @p2 $0x2  }
0xb8: {  	s18 =	simm.s32 @p2 $0x6800;
	_ =	swait.ge @p2 [sflag:s16], $0x4000  }
0xb9: {  	s20 =	simm.s32 @p2 $0x80;
	s19 =	sadd.s32 @p2 $0x1400, s30;
	[sflag:s16] =	ssyncset.done @p2 $0x0  }
0xba: {  	s13 =	simm.s32 @!p2 $0x80;
	s14 =	simm.s32 @!p2 $0xA800;
	[sflag:s16] =	ssyncadd.s32 @p2 $0xFFFFC000  }
0xbb: {  	[spmem:s3] =	stream.indirect.scatter.add.f32 @p2 [tilespmem:s18], [sflag:$0x4], $0x80, s19, s20, $0xb8;
	[tilespmem:$0x1EDC8] =	vst v63  }
0xbc: {  	s19 =	simm.s32 @!p2 $0x6  }
0xbd: {  	[spmem:s4] =	stream.indirect.scatter.add.f32 @!p2 [tilespmem:s14], [sflag:$0x6], $0x1, s9, s13, $0xb8;
	[tilespmem:$0x1EDC8] =	vst v63  }
0xbe: {  	_ =	swait.ge @!p2 [sflag:s19], $0x80  }
0xbf: {  	s9 =	simm.s32 @!p2 $0x2;
	[sflag:s19] =	ssyncset.done @!p2 $0x0  }
0xc0: {  	[sflag:s19] =	ssyncadd.s32 @!p2 $0xFFFFFF80  }
0xc1: {  	_ =	swait.ge @!p2 [sflag:s9], $0x4000  }
0xc2: {  	s8 =	sadd.s32 @!p2 $0x1400, s30;
	s30 =	simm.s32 @!p2 $0x6800;
	[sflag:s9] =	ssyncset.done @!p2 $0x0  }
0xc3: {  	[sflag:s9] =	ssyncadd.s32 @!p2 $0xFFFFC000  }
0xc4: {  	[spmem:s3] =	stream.indirect.scatter.add.f32 @!p2 [tilespmem:s30], [sflag:$0x4], $0x80, s8, s13, $0xb8;
	[tilespmem:$0x1EDC8] =	vst v63  }
0xc5: {  	_ = 	snop  }
0xc6: {  	[spmem:s4] =	stream.indirect.scatter.add.f32 @!p2 [tilespmem:s14], [sflag:$0x6], $0x1, s8, s13, $0xb8;
	[tilespmem:$0x1EDC8] =	vst v63  }
0xc7: {  	_ =	swait.ge @!p2 [sflag:s19], $0x80  }
0xc8: {  	[sflag:s19] =	ssyncset.done @!p2 $0x0  }
0xc9: {  	[sflag:s19] =	ssyncadd.s32 @!p2 $0xFFFFFF80  }
0xca: {  	s8 =	sshra.s32 s5, $0x2;
	s5 =	smov.u32 s12;
	_ =	swait.ge [sflag:s28], $0x4000  }
0xcb: {  	s12 =	sadd.s32 $0x100, s8;
	[sflag:s28] =	ssyncset.done $0x0  }
0xcc: {  	[sflag:s28] =	ssyncadd.s32 $0xFFFFC000  }
0xcd: {  	[tilespmem:s26], [sflag:$0x1] =	stream.indirect.gather [hbm4b:s0+s23], $0x80, s12, s23, $0xb8;
	[tilespmem:$0x1EDC8] =	vst v63  }
0xce: {  	_ =	swait.ge [sflag:s29], $0x4000  }
0xcf: {  	s1 =	sor.u32 $0x180, s1;
	[sflag:s29] =	ssyncset.done $0x0  }
0xd0: {  	[sflag:s29] =	ssyncadd.s32 $0xFFFFC000  }
0xd1: {  	[tilespmem:s24], [sflag:$0x2] =	stream.indirect.gather [hbm4b:s0+s23], $0x80, s1, s23, $0xb8;
	[tilespmem:$0x1EDC8] =	vst v63  }
0xd2: {  	_ =	swait.ge [sflag:s25], $0x4000  }
0xd3: {  	s8 =	sadd.s32 $0x1500, s8;
	[sflag:s25] =	ssyncset.done $0x0  }
0xd4: {  	[sflag:s25] =	ssyncadd.s32 $0xFFFFC000  }
0xd5: {  	[spmem:s3] =	stream.indirect.scatter.add.f32 [tilespmem:s26], [sflag:$0x3], $0x80, s8, s23, $0xb8;
	[tilespmem:$0x1EDC8] =	vst v63  }
0xd6: {  	_ =	swait.ge @p2 [sflag:s16], $0x4000  }
0xd7: {  	s12 =	sadd.s32 @p2 $0x1400, s1;
	[sflag:s16] =	ssyncset.done @p2 $0x0  }
0xd8: {  	[sflag:s16] =	ssyncadd.s32 @p2 $0xFFFFC000  }
0xd9: {  	[spmem:s3] =	stream.indirect.scatter.add.f32 @p2 [tilespmem:s18], [sflag:$0x4], $0x80, s12, s20, $0xb8;
	[tilespmem:$0x1EDC8] =	vst v63  }
0xda: {  	_ = 	snop  }
0xdb: {  	[spmem:s4] =	stream.indirect.scatter.add.f32 @!p2 [tilespmem:s14], [sflag:$0x6], $0x1, s8, s13, $0xb8;
	[tilespmem:$0x1EDC8] =	vst v63  }
0xdc: {  	_ =	swait.ge @!p2 [sflag:s19], $0x80  }
0xdd: {  	[sflag:s19] =	ssyncset.done @!p2 $0x0  }
0xde: {  	[sflag:s19] =	ssyncadd.s32 @!p2 $0xFFFFFF80  }
0xdf: {  	_ =	swait.ge @!p2 [sflag:s9], $0x4000  }
0xe0: {  	s8 =	sadd.s32 @!p2 $0x1400, s1;
	[sflag:s9] =	ssyncset.done @!p2 $0x0  }
.Ltmp0:
0xe1: {  	[sflag:s9] =	ssyncadd.s32 @!p2 $0xFFFFC000;
	(pc) =	sbr.rel @p3 .LBB2_3-.Ltmp0, $4  }
0xe2: {  	[spmem:s3] =	stream.indirect.scatter.add.f32 @!p2 [tilespmem:s30], [sflag:$0x4], $0x80, s8, s13, $0xb8;
	[tilespmem:$0x1EDC8] =	vst v63  }
0xe3: {  	s1 =	simm.s32 @!p2 $0x5  }
0xe4: {  	[spmem:s4] =	stream.indirect.scatter.add.f32 @!p2 [tilespmem:s14], [sflag:$0x5], $0x1, s8, s13, $0xb8;
	[tilespmem:$0x1EDC8] =	vst v63  }
0xe5: {  	s2 =	sadd.s32 $0x4, s2;
	s15 =	sadd.s32 $0x200, s15;
	_ =	swait.ge @!p2 [sflag:s1], $0x80  }
0xe6: {  	p3 =	sne.s32 s5, $0x0;
	[sflag:s1] =	ssyncset.done @!p2 $0x0  }
0xe7: {  	s8 =	simm.s32 @p3 $0x3;
	[sflag:s1] =	ssyncadd.s32 @!p2 $0xFFFFFF80  }
0xe8: {  	_ =	swait.ge @p3 [sflag:s8], $0x4000  }
0xe9: {  	s1 =	simm.s32 @p3 $0x2800;
	s9 =	simm.s32 @p3 $0x4;
	[sflag:s8] =	ssyncset.done @p3 $0x0  }
0xea: {  	s10 =	simm.s32 @p3 $0x80;
	[sflag:s8] =	ssyncadd.s32 @p3 $0xFFFFC000;
	s8 =	sshra.s32 @p3 s5, $0x2  }
0xeb: {  	[tilespmem:s1], [sflag:$0x1] =	stream.indirect.gather @p3 [hbm4b:s0+s10], $0x80, s8, s10, $0xb8;
	[tilespmem:$0x1EDC8] =	vst v63  }
0xec: {  	_ =	swait.ge @p3 [sflag:s9], $0x4000  }
0xed: {  	s15 =	simm.s32 @!p3 $0x0;
	s1 =	simm.s32 @!p3 $0x2800;
	[sflag:s9] =	ssyncset.done @p3 $0x0  }
0xee: {  	s8 =	simm.s32 @!p3 $0x80;
	[sflag:s9] =	ssyncadd.s32 @p3 $0xFFFFC000;
	s9 =	simm.s32 @!p3 $0x0  }
0xef: {  	[tilespmem:s1], [sflag:$0x1] =	stream.indirect.gather @!p3 [hbm4b:s0+s8], $0x80, s9, s8, $0xb8;
	[tilespmem:$0x1EDC8] =	vst v63  }
0xf0: {  	s1 =	sor.u32 $0x80, s15  }
0xf1: {  	[tilespmem:s24], [sflag:$0x2] =	stream.indirect.gather [hbm4b:s0+s23], $0x80, s1, s23, $0xb8;
	[tilespmem:$0x1EDC8] =	vst v63  }
0xf2: {  	_ =	swait.ge [sflag:s25], $0x4000  }
0xf3: {  	p2 =	sgt.u32 s2, $0x9C3;
	[sflag:s25] =	ssyncset.done $0x0  }
0xf4: {  	s2 =	simm.s32 @p2 $0x2;
	s8 =	sadd.s32 $0x1400, s15;
	[sflag:s25] =	ssyncadd.s32 $0xFFFFC000  }
0xf5: {  	[spmem:s3] =	stream.indirect.scatter.add.f32 [tilespmem:s26], [sflag:$0x3], $0x80, s8, s23, $0xb8;
	[tilespmem:$0x1EDC8] =	vst v63  }
0xf6: {  	_ =	swait.ge @p2 [sflag:s2], $0x4000  }
0xf7: {  	s12 =	simm.s32 @p2 $0x80;
	[sflag:s2] =	ssyncset.done @p2 $0x0  }
0xf8: {  	s9 =	simm.s32 @p2 $0x6800;
	s10 =	sadd.s32 @p2 $0x1400, s1;
	[sflag:s2] =	ssyncadd.s32 @p2 $0xFFFFC000  }
0xf9: {  	[spmem:s3] =	stream.indirect.scatter.add.f32 @p2 [tilespmem:s9], [sflag:$0x4], $0x80, s10, s12, $0xb8;
	[tilespmem:$0x1EDC8] =	vst v63  }
0xfa: {  	s13 =	simm.s32 @!p2 $0xA800;
	s14 =	simm.s32 @!p2 $0x6;
	s10 =	simm.s32 @!p2 $0x80  }
0xfb: {  	[spmem:s4] =	stream.indirect.scatter.add.f32 @!p2 [tilespmem:s13], [sflag:$0x6], $0x1, s8, s10, $0xb8;
	[tilespmem:$0x1EDC8] =	vst v63  }
0xfc: {  	_ =	swait.ge @!p2 [sflag:s14], $0x80  }
0xfd: {  	[sflag:s14] =	ssyncset.done @!p2 $0x0  }
0xfe: {  	s8 =	simm.s32 @!p2 $0x2;
	[sflag:s14] =	ssyncadd.s32 @!p2 $0xFFFFFF80  }
0xff: {  	_ =	swait.ge @!p2 [sflag:s8], $0x4000  }
0x100: {  	[sflag:s8] =	ssyncset.done @!p2 $0x0  }
0x101: {  	s16 =	simm.s32 @!p2 $0x6800;
	s1 =	sadd.s32 @!p2 $0x1400, s1;
	[sflag:s8] =	ssyncadd.s32 @!p2 $0xFFFFC000  }
0x102: {  	[spmem:s3] =	stream.indirect.scatter.add.f32 @!p2 [tilespmem:s16], [sflag:$0x4], $0x80, s1, s10, $0xb8;
	[tilespmem:$0x1EDC8] =	vst v63  }
0x103: {  	_ = 	snop  }
0x104: {  	[spmem:s4] =	stream.indirect.scatter.add.f32 @!p2 [tilespmem:s13], [sflag:$0x6], $0x1, s1, s10, $0xb8;
	[tilespmem:$0x1EDC8] =	vst v63  }
0x105: {  	_ =	swait.ge @!p2 [sflag:s14], $0x80  }
0x106: {  	[sflag:s14] =	ssyncset.done @!p2 $0x0  }
0x107: {  	[sflag:s14] =	ssyncadd.s32 @!p2 $0xFFFFFF80  }
0x108: {  	_ =	swait.ge [sflag:s28], $0x4000  }
0x109: {  	s30 =	sshra.s32 s5, $0x2;
	[sflag:s28] =	ssyncset.done $0x0  }
0x10a: {  	s5 =	sadd.s32 $0x100, s30;
	[sflag:s28] =	ssyncadd.s32 $0xFFFFC000  }
0x10b: {  	[tilespmem:s26], [sflag:$0x1] =	stream.indirect.gather [hbm4b:s0+s23], $0x80, s5, s23, $0xb8;
	[tilespmem:$0x1EDC8] =	vst v63  }
0x10c: {  	_ =	swait.ge [sflag:s29], $0x4000  }
0x10d: {  	[sflag:s29] =	ssyncset.done $0x0  }
0x10e: {  	s5 =	sor.u32 $0x180, s15;
	[sflag:s29] =	ssyncadd.s32 $0xFFFFC000  }
0x10f: {  	[tilespmem:s24], [sflag:$0x2] =	stream.indirect.gather [hbm4b:s0+s23], $0x80, s5, s23, $0xb8;
	[tilespmem:$0x1EDC8] =	vst v63  }
0x110: {  	_ =	swait.ge [sflag:s25], $0x4000  }
0x111: {  	[sflag:s25] =	ssyncset.done $0x0  }
0x112: {  	s1 =	sadd.s32 $0x1500, s30;
	[sflag:s25] =	ssyncadd.s32 $0xFFFFC000  }
0x113: {  	[spmem:s3] =	stream.indirect.scatter.add.f32 [tilespmem:s26], [sflag:$0x3], $0x80, s1, s23, $0xb8;
	[tilespmem:$0x1EDC8] =	vst v63  }
0x114: {  	_ =	swait.ge @p2 [sflag:s2], $0x4000  }
0x115: {  	[sflag:s2] =	ssyncset.done @p2 $0x0  }
0x116: {  	s15 =	sadd.s32 @p2 $0x1400, s5;
	[sflag:s2] =	ssyncadd.s32 @p2 $0xFFFFC000  }
0x117: {  	[spmem:s3] =	stream.indirect.scatter.add.f32 @p2 [tilespmem:s9], [sflag:$0x4], $0x80, s15, s12, $0xb8;
	[tilespmem:$0x1EDC8] =	vst v63  }
0x118: {  	_ = 	snop  }
0x119: {  	[spmem:s4] =	stream.indirect.scatter.add.f32 @!p2 [tilespmem:s13], [sflag:$0x6], $0x1, s1, s10, $0xb8;
	[tilespmem:$0x1EDC8] =	vst v63  }
0x11a: {  	_ =	swait.ge @!p2 [sflag:s14], $0x80  }
0x11b: {  	[sflag:s14] =	ssyncset.done @!p2 $0x0  }
0x11c: {  	[sflag:s14] =	ssyncadd.s32 @!p2 $0xFFFFFF80  }
0x11d: {  	_ =	swait.ge @!p2 [sflag:s8], $0x4000  }
0x11e: {  	[sflag:s8] =	ssyncset.done @!p2 $0x0  }
0x11f: {  	s1 =	sadd.s32 @!p2 $0x1400, s5;
	[sflag:s8] =	ssyncadd.s32 @!p2 $0xFFFFC000  }
0x120: {  	[spmem:s3] =	stream.indirect.scatter.add.f32 @!p2 [tilespmem:s16], [sflag:$0x4], $0x80, s1, s10, $0xb8;
	[tilespmem:$0x1EDC8] =	vst v63  }
0x121: {  	s2 =	simm.s32 @!p2 $0x5  }
0x122: {  	[spmem:s4] =	stream.indirect.scatter.add.f32 @!p2 [tilespmem:s13], [sflag:$0x5], $0x1, s1, s10, $0xb8;
	[tilespmem:$0x1EDC8] =	vst v63  }
0x123: {  	_ =	swait.ge @!p2 [sflag:s2], $0x80  }
0x124: {  	[sflag:s2] =	ssyncset.done @!p2 $0x0  }
0x125: {  	[sflag:s2] =	ssyncadd.s32 @!p2 $0xFFFFFF80  }
0x126: {  	_ =	swait.ge [sflag:s28], $0x4000  }
.Ltmp1:
0x127: {  	[sflag:s28] =	ssyncset.done $0x0;
	(pc) =	sbr.rel @p1 .LBB2_2-.Ltmp1, $4  }
0x128: {  	[sflag:s28] =	ssyncadd.s32 $0xFFFFC000  }
0x129: {  	_ =	swait.ge [sflag:s29], $0x4000  }
0x12a: {  	[sflag:s29] =	ssyncset.done $0x0  }
0x12b: {  	p3 =	por $0x0, $0x0;
	s2 =	simm.s32 $0x28;
	[sflag:s29] =	ssyncadd.s32 $0xFFFFC000  }
0x12c: {  	s1 =	stileid.u32;
	[bflag:$0x0] =	sbarrier.arrive $0xFFFF  }
0x12d: {  	s1 =	sshll.u32 s1, $0x6;
	s2 =	rddreg [dreg:$0x6]  }
0x12e: {  	s5 =	rddreg [dreg:$0x9];
	s1 =	sor.u32 $0x1C05, s1;
	s2 =	sshrl.u32 s2, $0x3  }
0x12f: {  	[hbm:s5], [sflag:s1] =	dma.local [spmem:s2], $0x2800  }
0x130: {  	_ =	swait.ge [sflag:s21], $0x2800  }
0x131: {  	[sflag:s21] =	ssyncset.done $0x0  }
0x132: {  	s18 =	simm.s32 $0xA800;
	s16 =	rddreg [dreg:$0xa];
	[sflag:s21] =	ssyncadd.s32 $0xFFFFD800  }
0x133: {  	[tilespmem:s18], [sflag:$0x5] =	stream.linear.gather [spmem:s16], $0x280, $0x38;
	[tilespmem:$0x1EDC8] =	vst v63  }
0x134: {  	_ =	swait.ge [sflag:s21], $0x280  }
0x135: {  	[sflag:s21] =	ssyncset.done $0x0  }
0x136: {  	s19 =	simm.s32 $0x0;
	s20 =	rddreg [dreg:$0xb];
	[sflag:s21] =	ssyncadd.s32 $0xFFFFFD80  }
0x137: {  	[hbm4b:s20+s19] =	stream.linear.scatter [tilespmem:s18], [sflag:$0x5], $0x280, $0x38;
	[tilespmem:$0x1EDC8] =	vst v63  }
0x138: {  	_ =	swait.ge [sflag:s21], $0x280  }
0x139: {  	s31 =	sadd.s32 $0x1, s31;
	s30 =	rddreg [dreg:$0xc]  }
0x13a: {  	p1 =	sne.s32 s31, s30  }
.Ltmp2:
0x13b: {  	_ = 	snop;
	(pc) =	sbr.rel @p1 .LBB2_1-.Ltmp2, $3  }
0x13c: {  	_ =	sdelay $0x1  }
0x13d: {  	[sflag:s21] =	ssyncset.done $0x0  }
0x13e: {  	[sflag:s21] =	ssyncadd.s32 $0xFFFFFD80  }
0x13f: {  	_ =	sfence.sel $0x180000  }
0x140: {  	[bflag:$0x0] =	sbarrier.arrive $0xFFFF  }
0x141: {  	_ =	strace $0x90000047  }
0x142: {  	s0 =	stileid.u32;
	[bflag:$0x2] =	sbarrier.arrive $0xFFFF  }
0x143: {  	p0 =	sne.s32 s0, $0x0;
	s0 =	rddreg [dreg:$0x4]  }
0x144: {  	s0 =	sadd.s32 @!p0 $0x100000, s0  }
0x145: {  	[sflag:s0] =	ssyncadd.tile.s32 @!p0 $0x1;
	_ =	shalt  }
.Lfunc_end2:
_tile_overlayer_lowered:
.L_overlay_start_2:
0x146: {  	(tag) =	ssettag $0x2  }
0x147: {  	s0 =	rddreg [dreg:$0x0];
	s2 =	stileid.u32  }
0x148: {  	s1 =	rddreg [dreg:$0x1];
	p0 =	sne.s32 s2, $0x0  }
0x149: {  	s3 =	rddreg [dreg:$0x2];
	[bflag:$0x3] =	sbarrier.arrive $0xFFFF;
	s2 =	simm.s32 @!p0 $0x1C05  }
0x14a: {  	[timem:s3], [sflag:s2] =	dma.local @!p0 [hbm:s0], s1  }
0x14b: {  	s0 =	simm.s32 @!p0 $0x5  }
0x14c: {  	_ =	swait.ge @!p0 [sflag:s0], s1  }
0x14d: {  	s1 =	ssub.s32 @!p0 $0x0, s1;
	[sflag:s0] =	ssyncset.done @!p0 $0x0  }
0x14e: {  	[sflag:s0] =	ssyncadd.s32 @!p0 s1  }
0x14f: {  	[bflag:$0x3] =	sbarrier.arrive $0xFFFF  }
0x150: {  	_ =	shalt  }

// kernel: kernel.9.cloned.1.call-start
scs
__scs_entry_jumppad:
0x0: {  	(pc) =	sbr.rel $0x88, $3  }
0x1: {  	(tag) =	ssettag $0x0;
	lr =	simm.s32 $0x1  }
0x2: {  	[smem:$0x3F99] =	sst lr;
	_ =	strace $0xD0000000  }
0x3: {  	_ = 	snop  }
0x4: {  	_ = 	snop  }
0x5: {  	_ = 	snop  }
0x6: {  	_ = 	snop  }
0x7: {  	_ = 	snop  }
__scs_overlays_trampoline_lowered:
0x8: {  	[smem:$0x3FA8] =	sst s0  }
0x9: {  	[smem:$0x3FA9] =	sst s1  }
0xa: {  	[smem:$0x3FAA] =	sst s2  }
0xb: {  	[smem:$0x3FAB] =	sst s3  }
0xc: {  	[smem:$0x3FAC] =	sst s4  }
0xd: {  	[smem:$0x3FAD] =	sst s5  }
0xe: {  	[smem:$0x3FAE] =	sst s6  }
0xf: {  	[smem:$0x3FAF] =	sst s7  }
0x10: {  	[smem:$0x3FB0] =	sst s8  }
0x11: {  	[smem:$0x3FB1] =	sst s9;
	s0 =	simm.s32 @!p0 $0x0  }
0x12: {  	s1 =	sld [smem:$0x3F97];
	s0 =	simm.s32 @p0 $0x1  }
0x13: {  	[smem:$0x3FB2] =	sst s0;
	s0 =	simm.s32 @!p1 $0x0  }
0x14: {  	s2 =	sld [smem:$0x3F96];
	s0 =	simm.s32 @p1 $0x1  }
0x15: {  	[smem:$0x3FB3] =	sst s0;
	s0 =	simm.s32 @!p2 $0x0  }
0x16: {  	s3 =	sld [smem:$0x3FDB];
	s0 =	simm.s32 @p2 $0x1  }
0x17: {  	s4 =	simm.s32 $0x1BF5;
	[smem:$0x3FB5] =	sst s0  }
0x18: {  	s0 =	sld [smem:$0x3F98];
	_ =	swait.ge [sflag:s4], $0x0  }
0x19: {  	s7 =	sld [smem:$0x3F99]  }
0x1a: {  	s8 =	sadd.s32 $0xFFFFE003, lr  }
0x1b: {  	s9 =	sadd.s32 $0xFFFFFEF7, lr;
	s5 =	simm.s32 $0xFFFFFFFF;
	p2 =	slt.u32 s8, $0xFFFFF086  }
0x1c: {  	p1 =	slt.u32 s9, $0xF7A;
	s5 =	simm.s32 @!p2 $0x0  }
0x1d: {  	s5 =	simm.s32 @p1 $0x1;
	p0 =	seq.s32 s7, s2  }
0x1e: {  	s7 =	smul.u32 @!p0 $0xF7A, s2;
	p2 =	seq.s32 @!p0 s5, $0x0  }
0x1f: {  	s9 =	smul.u32 $0xF7A, s1;
	s8 =	simm.s32 @!p0 $0x1BF5;
	p2 =	por !p2, p0  }
0x20: {  	[sflag:s8] =	ssyncset.s32 @!p0 $0xFFFFF086;
	s6 =	sadd.s32 @!p0 s3, s7;
	s7 =	simm.s32 @!p0 $0x108  }
0x21: {  	s3 =	sadd.s32 s3, s9;
	s6 =	sadd.s32 @!p0 $0x88, s6;
	s7 =	simm.s32 @p2 $0x1082  }
0x22: {  	[simem:s7], [sflag:s8] =	dma.local @!p0 [hbm:s6], $0xF7A  }
0x23: {  	s9 =	sor.u32 $0xD0000000, s2;
	s6 =	simm.s32 $0x108;
	_ =	swait.ge @!p0 [sflag:s8], $0x0  }
0x24: {  	s3 =	sadd.s32 $0x88, s3;
	s6 =	simm.s32 @!p1 $0x1082;
	[sflag:s4] =	ssyncset.s32 $0xFFFFF086  }
0x25: {  	[simem:s6], [sflag:s4] =	dma.local [hbm:s3], $0xF7A  }
0x26: {  	[smem:$0x3F99] =	sst s1;
	(tag) =	ssettag s2;
	_ =	strace s9  }
0x27: {  	s1 =	sld [smem:$0x3FA9]  }
0x28: {  	s2 =	sld [smem:$0x3FAA]  }
0x29: {  	s4 =	sld [smem:$0x3FAC]  }
0x2a: {  	p0 =	seq.s32 s5, $0x0;
	s5 =	sld [smem:$0x3FAD]  }
0x2b: {  	s6 =	sld [smem:$0x3FAE]  }
0x2c: {  	s7 =	sld [smem:$0x3FAF]  }
0x2d: {  	s3 =	simm.s32 $0x108;
	s8 =	sld [smem:$0x3FB0]  }
0x2e: {  	s3 =	simm.s32 @!p0 $0x1082;
	s9 =	sld [smem:$0x3FB1]  }
0x2f: {  	lr =	sadd.s32 s0, s3;
	s0 =	sld [smem:$0x3FA8]  }
0x30: {  	s3 =	sld [smem:$0x3FAB]  }
0x31: {  	[smem:$0x3FB4] =	sst s10  }
0x32: {  	s10 =	sld [smem:$0x3FB2];
	_ =	sdelay $0x3  }
0x33: {  	p0 =	seq.s32 s10, $0x1;
	s10 =	sld [smem:$0x3FB4];
	_ =	sdelay $0x3  }
0x34: {  	[smem:$0x3FB4] =	sst s10  }
0x35: {  	s10 =	sld [smem:$0x3FB3];
	_ =	sdelay $0x3  }
0x36: {  	p1 =	seq.s32 s10, $0x1;
	s10 =	sld [smem:$0x3FB4];
	_ =	sdelay $0x3  }
0x37: {  	[smem:$0x3FB4] =	sst s10  }
0x38: {  	s10 =	sld [smem:$0x3FB5]  }
0x39: {  	_ = 	snop;
	(pc) =	sbr.ind lr, $3  }
0x3a: {  	_ = 	snop  }
0x3b: {  	_ = 	snop  }
0x3c: {  	p2 =	seq.s32 s10, $0x1;
	s10 =	sld [smem:$0x3FB4]  }
0x3d: {  	_ =	shalt  }
0x3e: {  	_ =	shalt  }
0x3f: {  	_ =	shalt  }
0x40: {  	_ =	shalt  }
0x41: {  	_ =	shalt  }
0x42: {  	_ =	shalt  }
0x43: {  	_ =	shalt  }
0x44: {  	_ =	shalt  }
0x45: {  	_ =	shalt  }
0x46: {  	_ =	shalt  }
0x47: {  	_ =	shalt  }
0x48: {  	_ =	shalt  }
0x49: {  	_ =	shalt  }
0x4a: {  	_ =	shalt  }
0x4b: {  	_ =	shalt  }
0x4c: {  	_ =	shalt  }
0x4d: {  	_ =	shalt  }
0x4e: {  	_ =	shalt  }
0x4f: {  	_ =	shalt  }
0x50: {  	_ =	shalt  }
0x51: {  	_ =	shalt  }
0x52: {  	_ =	shalt  }
0x53: {  	_ =	shalt  }
0x54: {  	_ =	shalt  }
0x55: {  	_ =	shalt  }
0x56: {  	_ =	shalt  }
0x57: {  	_ =	shalt  }
0x58: {  	_ =	shalt  }
0x59: {  	_ =	shalt  }
0x5a: {  	_ =	shalt  }
0x5b: {  	_ =	shalt  }
0x5c: {  	_ =	shalt  }
0x5d: {  	_ =	shalt  }
0x5e: {  	_ =	shalt  }
0x5f: {  	_ =	shalt  }
0x60: {  	_ =	shalt  }
0x61: {  	_ =	shalt  }
0x62: {  	_ =	shalt  }
0x63: {  	_ =	shalt  }
0x64: {  	_ =	shalt  }
0x65: {  	_ =	shalt  }
0x66: {  	_ =	shalt  }
0x67: {  	_ =	shalt  }
0x68: {  	_ =	shalt  }
0x69: {  	_ =	shalt  }
0x6a: {  	_ =	shalt  }
0x6b: {  	_ =	shalt  }
0x6c: {  	_ =	shalt  }
0x6d: {  	_ =	shalt  }
0x6e: {  	_ =	shalt  }
0x6f: {  	_ =	shalt  }
0x70: {  	_ =	shalt  }
0x71: {  	_ =	shalt  }
0x72: {  	_ =	shalt  }
0x73: {  	_ =	shalt  }
0x74: {  	_ =	shalt  }
0x75: {  	_ =	shalt  }
0x76: {  	_ =	shalt  }
0x77: {  	_ =	shalt  }
0x78: {  	_ =	shalt  }
0x79: {  	_ =	shalt  }
0x7a: {  	_ =	shalt  }
0x7b: {  	_ =	shalt  }
0x7c: {  	_ =	shalt  }
0x7d: {  	_ =	shalt  }
0x7e: {  	_ =	shalt  }
0x7f: {  	_ =	shalt  }
0x80: {  	_ =	shalt  }
0x81: {  	_ =	shalt  }
0x82: {  	_ =	shalt  }
0x83: {  	_ =	shalt  }
0x84: {  	_ =	shalt  }
0x85: {  	_ =	shalt  }
0x86: {  	_ =	shalt  }
0x87: {  	_ =	shalt  }
.Lfunc_end0:
.L_simem_size_0:
called_computation.1_lowered:
.L_overlay_start_0:
0x88: {  	s2 =	sld [smem:$0x3FD9]  }
0x89: {  	s3 =	sld [smem:$0x3FFE];
	_ =	sdelay $0x1  }
0x8a: {  	s1 =	srdreg.scid  }
0x8b: {  	s0 =	sand.u32 $0x1, s1  }
0x8c: {  	s16 =	sshll.u32 s0, $0xA;
	s2 =	sadd.s32 s3, s2  }
0x8d: {  	s2 =	sadd.s32 s2, s16  }
0x8e: {  	[smem:$0x3FC0] =	sst s2  }
0x8f: {  	_ = 	snop  }
0x90: {  	(tm) =	ssettm $0x1  }
0x91: {  	s17 =	sld [smem:$0x3FFB];
	_ =	sdelay $0x3  }
0x92: {  	_ =	strace s17  }
0x93: {  	s2 =	sld [smem:$0x3FFC];
	_ =	sdelay $0x3  }
0x94: {  	_ =	strace s2  }
0x95: {  	s2 =	sld [smem:$0x3FFD];
	_ =	sdelay $0x3  }
0x96: {  	_ =	strace s2  }
0x97: {  	_ =	strace $0x8FFFFFFF  }
0x98: {  	s18 =	sld [smem:$0x3FDB];
	_ =	sdelay $0x1  }
0x99: {  	s19 =	simm.s32 $_scs_section_size  }
0x9a: {  	s4 =	simm.s32 $_size__tile_overlayer_lowered;
	s5 =	simm.s32 $_tile_overlayer_lowered  }
0x9b: {  	s22 =	simm.s32 $0x1BFF;
	s21 =	sshll.u32 s5, $0x1;
	s2 =	sadd.s32 s19, s18  }
0x9c: {  	s6 =	simm.s32 $0x0;
	s20 =	sshll.u32 s4, $0x1;
	s4 =	sadd.s32 s21, s2  }
0x9d: {  	[timem:s6], [sflag:s22] =	dma.local [hbm:s4], s20  }
0x9e: {  	_ =	swait.ge [sflag:s22], s20  }
0x9f: {  	s3 =	ssub.s32 $0x0, s20;
	[sflag:s22] =	ssyncset.done $0x0  }
0xa0: {  	[sflag:s22] =	ssyncadd.s32 s3;
	_ =	sdelay $0x1  }
0xa1: {  	s23 =	simm.s32 $0x1B8B  }
0xa2: {  	_ =	swait.ge [sflag:s23], $0x1  }
0xa3: {  	[sflag:s23] =	ssyncset.done $0x0  }
0xa4: {  	s25 =	simm.s32 $0x1B8E;
	s24 =	sld [smem:$0x3FFE];
	[sflag:s23] =	ssyncadd.s32 $0xFFFFFFFF  }
0xa5: {  	s26 =	simm.s32 $execute0_lowered;
	[smem:$0x3FD2] =	sst s25  }
0xa6: {  	s4 =	sshll.u32 s26, $0x1;
	_ =	strace $0x80000049;
	[dreg:$0x1] =	wrdreg $0xFFFFFFFF  }
0xa7: {  	s28 =	simm.s32 $_size_execute0_lowered;
	s2 =	sadd.s32 s2, s4;
	[dreg:$0x0] =	wrdreg $0x0  }
0xa8: {  	s4 =	sshll.u32 s28, $0x1;
	[dreg:$0x2] =	wrdreg s2  }
0xa9: {  	[dreg:$0x3] =	wrdreg s4  }
0xaa: {  	[dreg:$0x4] =	wrdreg $0xC0  }
0xab: {  	_ =	task [dreg:s6], $0x5FFFF  }
0xac: {  	[dreg:$0x1] =	wrdreg $0xFFFFFFFF  }
0xad: {  	[dreg:$0x0] =	wrdreg $0x60  }
0xae: {  	[dreg:$0x2] =	wrdreg s24  }
0xaf: {  	[dreg:$0x3] =	wrdreg $0xA8000  }
0xb0: {  	[dreg:$0x4] =	wrdreg $0x9  }
0xb1: {  	_ =	task.clear_ibuf [dreg:s6], $0x5FFFF;
	_ =	strace $0x90000049  }
0xb2: {  	s29 =	simm.s32 $0x9;
	_ =	strace $0x8000004B  }
0xb3: {  	_ =	swait.ge [sflag:s29], $0x1  }
0xb4: {  	[sflag:s29] =	ssyncadd.s32 $0xFFFFFFFF  }
0xb5: {  	_ =	strace $0x9000004B  }
0xb6: {  	_ =	sfence  }
0xb7: {  	s30 =	sld [smem:$0x0];
	_ =	sdelay $0x2  }
0xb8: {  	s31 =	sshll.u32 s1, $0xD;
	s1 =	sshrl.u32 s1, $0x2  }
0xb9: {  	s3 =	sand.u32 $0x4000, s31;
	s1 =	sadd.s32 s1, s30  }
0xba: {  	s0 =	sor.u32 s3, s0;
	s1 =	sshll.u32 s1, $0x11  }
0xbb: {  	s0 =	sor.u32 s1, s0  }
0xbc: {  	s0 =	sadd.s32 $0x8F2B, s0  }
0xbd: {  	[sflag:s0] =	ssyncadd.remote.s32 $0x1  }
0xbe: {  	_ =	sfence.sel $0xFFFF  }
0xbf: {  	[dreg:$0x0] =	wrdreg $0xFFFFFFFF;
	(pc) =	sbr.abs _section_cstart, $3  }
0xc0: {  	[dreg:$0x1] =	wrdreg $0xFFFFFFFF  }
0xc1: {  	_ =	task.clear_ibuf [dreg:s6], $0x2FFFF;
	_ =	strace $0x9FFFFFFF  }
0xc2: {  	(tm) =	ssettm $0x7FFFFFFF  }
0xc3: {  	_ =	shalt  }
tec
execute0_lowered:
.L_overlay_start_1:
0x0: {  	(tag) =	ssettag $0x1  }
0x1: {  	s0 =	rddreg [dreg:$0x0]  }
0x2: {  	s1 =	rddreg [dreg:$0x1];
	s2 =	srdreg.scid;
	s3 =	simm.s32 $0x0  }
0x3: {  	s11 =	stileid.u32;
	s16 =	simm.s32 $0x5;
	s17 =	simm.s32 $0x1400  }
0x4: {  	s18 =	simm.s32 $0x80;
	s19 =	simm.s32 $0x2800;
	s20 =	simm.s32 $0x6800  }
0x5: {  	s21 =	simm.s32 $0x1;
	s22 =	simm.s32 $0x2;
	s23 =	simm.s32 $0x1480  }
0x6: {  	s24 =	simm.s32 $0x3;
	s28 =	simm.s32 $0x180;
	s29 =	simm.s32 $0x1500  }
0x7: {  	s30 =	simm.s32 $0x1580;
	s2 =	sand.u32 $0x1, s2;
	[smem:$0x7FF] =	sst s3  }
0x8: {  	s9 =	smul.u32 $0x14000, s11;
	s4 =	sadd.s32 $0x6A000, s0;
	s5 =	sadd.s32 $0x2C00, s0  }
0x9: {  	s6 =	sadd.s32 $0x19600, s0;
	s7 =	sadd.s32 $0x16C00, s0;
	s10 =	smul.u32 $0x50000, s11  }
0xa: {  	s15 =	sadd.s32 $0x12C000, s1;
	p0 =	sne.s32 s11, $0xF;
	s8 =	smul.u32 $0x140000, s2  }
0xb: {  	_ =	strace $0x8000004A;
	s25 =	ssub.s32 $0x2, s2;
	s2 =	smul.u32 $0xA00, s2  }
0xc: {  	s15 =	sshrl.u32 @!p0 s15, $0x3;
	s26 =	sshrl.u32 s25, $0x1;
	s8 =	sadd.s32 s9, s8  }
0xd: {  	s31 =	sshrl.u32 s10, $0x2;
	s12 =	ssub.s32 s25, s26;
	s8 =	sshrl.u32 s8, $0x3  }
0xe: {  	s9 =	sadd.s32 s31, s1;
	s25 =	simm.s32 $0x100;
	s0 =	sadd.s32 s8, s0  }
0xf: {  	s26 =	simm.s32 $0x4;
	s8 =	smul.u32 $0xA0, s11;
	s0 =	sadd.s32 $0xCE000, s0  }
0x10: {  	s12 =	smax.u32 s12, $0x1;
	[dreg:$0x3] =	wrdreg s0;
	s0 =	sshll.u32 @p0 s11, $0x6  }
0x11: {  	s14 =	sshrl.u32 @p0 s9, $0x3;
	s10 =	sadd.s32 s8, s2;
	s13 =	sor.u32 @p0 $0x1C05, s0  }
.LBB2_1:
0x12: {  	[spmem:s14], [sflag:s13] =	dma.local @p0 [hbm:s7], $0x2800  }
0x13: {  	s0 =	simm.s32 @p0 $0x5  }
0x14: {  	_ =	swait.ge @p0 [sflag:s0], $0x2800  }
0x15: {  	[sflag:s0] =	ssyncset.done @p0 $0x0  }
0x16: {  	[sflag:s0] =	ssyncadd.s32 @p0 $0xFFFFD800;
	s0 =	simm.s32 @!p0 $0x1FC5  }
0x17: {  	[spmem:s15], [sflag:s0] =	dma.local @!p0 [hbm:s7], $0x2880  }
0x18: {  	s0 =	simm.s32 @!p0 $0x5  }
0x19: {  	_ =	swait.ge @!p0 [sflag:s0], $0x2880  }
0x1a: {  	[sflag:s0] =	ssyncset.done @!p0 $0x0  }
0x1b: {  	[sflag:s0] =	ssyncadd.s32 @!p0 $0xFFFFD780  }
0x1c: {  	s31 =	simm.s32 $0x0;
	[bflag:$0x0] =	sbarrier.arrive $0xFFFF  }
.LBB2_2:
0x1d: {  	s0 =	smul.u32 $0x28, s31;
	_ =	sdelay $0x1  }
0x1e: {  	s2 =	sadd.s32 s0, s10  }
0x1f: {  	s2 =	sshll.u32 s2, $0x4  }
0x20: {  	s11 =	simm.s32 $0x0;
	s2 =	sadd.s32 s4, s2  }
0x21: {  	[tilespmem:s11], [sflag:$0x5] =	stream.linear.gather [hbm4b:s2+s11], $0x1400, $0x38;
	[tilespmem:$0x1E840] =	vst v63  }
0x22: {  	s0 =	sadd.s32 s8, s0;
	_ =	swait.ge [sflag:s16], $0x1400  }
0x23: {  	s0 =	sshll.u32 s0, $0x4;
	[sflag:s16] =	ssyncset.done $0x0  }
0x24: {  	s0 =	sadd.s32 s5, s0;
	[sflag:s16] =	ssyncadd.s32 $0xFFFFEC00  }
0x25: {  	[tilespmem:s17], [sflag:$0x5] =	stream.linear.gather [hbm4b:s0+s11], $0x1400, $0x38;
	[tilespmem:$0x1E840] =	vst v63  }
0x26: {  	_ =	swait.ge [sflag:s16], $0x1400  }
0x27: {  	[sflag:s16] =	ssyncset.done $0x0  }
0x28: {  	[sflag:s16] =	ssyncadd.s32 $0xFFFFEC00  }
0x29: {  	[tilespmem:s19], [sflag:$0x1] =	stream.indirect.gather [hbm4b:s6+s18], $0x80, s11, s18, $0xb8;
	[tilespmem:$0x1E840] =	vst v63  }
0x2a: {  	_ = 	snop  }
0x2b: {  	[tilespmem:s20], [sflag:$0x2] =	stream.indirect.gather [hbm4b:s6+s18], $0x80, s18, s18, $0xb8;
	[tilespmem:$0x1E840] =	vst v63  }
0x2c: {  	_ =	swait.ge [sflag:s21], $0x4000  }
0x2d: {  	[sflag:s21] =	ssyncset.done $0x0  }
0x2e: {  	[sflag:s21] =	ssyncadd.s32 $0xFFFFC000  }
0x2f: {  	[spmem:s1] =	stream.indirect.scatter.add.f32 [tilespmem:s19], [sflag:$0x3], $0x80, s17, s18, $0xb8;
	[tilespmem:$0x1E840] =	vst v63  }
0x30: {  	_ =	swait.ge [sflag:s22], $0x4000  }
0x31: {  	[sflag:s22] =	ssyncset.done $0x0  }
0x32: {  	[sflag:s22] =	ssyncadd.s32 $0xFFFFC000  }
0x33: {  	[spmem:s1] =	stream.indirect.scatter.add.f32 [tilespmem:s20], [sflag:$0x4], $0x80, s23, s18, $0xb8;
	[tilespmem:$0x1E840] =	vst v63  }
0x34: {  	_ =	swait.ge [sflag:s24], $0x4000  }
0x35: {  	[sflag:s24] =	ssyncset.done $0x0  }
0x36: {  	[sflag:s24] =	ssyncadd.s32 $0xFFFFC000  }
0x37: {  	[tilespmem:s19], [sflag:$0x1] =	stream.indirect.gather [hbm4b:s6+s18], $0x80, s25, s18, $0xb8;
	[tilespmem:$0x1E840] =	vst v63  }
0x38: {  	_ =	swait.ge [sflag:s26], $0x4000  }
0x39: {  	[sflag:s26] =	ssyncset.done $0x0  }
0x3a: {  	[sflag:s26] =	ssyncadd.s32 $0xFFFFC000  }
0x3b: {  	[tilespmem:s20], [sflag:$0x2] =	stream.indirect.gather [hbm4b:s6+s18], $0x80, s28, s18, $0xb8;
	[tilespmem:$0x1E840] =	vst v63  }
0x3c: {  	_ =	swait.ge [sflag:s21], $0x4000  }
0x3d: {  	[sflag:s21] =	ssyncset.done $0x0  }
0x3e: {  	[sflag:s21] =	ssyncadd.s32 $0xFFFFC000  }
0x3f: {  	[spmem:s1] =	stream.indirect.scatter.add.f32 [tilespmem:s19], [sflag:$0x3], $0x80, s29, s18, $0xb8;
	[tilespmem:$0x1E840] =	vst v63  }
0x40: {  	_ =	swait.ge [sflag:s22], $0x4000  }
0x41: {  	[sflag:s22] =	ssyncset.done $0x0  }
0x42: {  	[sflag:s22] =	ssyncadd.s32 $0xFFFFC000  }
0x43: {  	[spmem:s1] =	stream.indirect.scatter.add.f32 [tilespmem:s20], [sflag:$0x4], $0x80, s30, s18, $0xb8;
	[tilespmem:$0x1E840] =	vst v63  }
0x44: {  	_ =	swait.ge [sflag:s24], $0x4000  }
0x45: {  	[sflag:s24] =	ssyncset.done $0x0  }
0x46: {  	s11 =	simm.s32 $0x200;
	[sflag:s24] =	ssyncadd.s32 $0xFFFFC000  }
0x47: {  	[tilespmem:s19], [sflag:$0x1] =	stream.indirect.gather [hbm4b:s6+s18], $0x80, s11, s18, $0xb8;
	[tilespmem:$0x1E840] =	vst v63  }
0x48: {  	_ =	swait.ge [sflag:s26], $0x4000  }
0x49: {  	[sflag:s26] =	ssyncset.done $0x0  }
0x4a: {  	s2 =	simm.s32 $0x280;
	[sflag:s26] =	ssyncadd.s32 $0xFFFFC000  }
0x4b: {  	[tilespmem:s20], [sflag:$0x2] =	stream.indirect.gather [hbm4b:s6+s18], $0x80, s2, s18, $0xb8;
	[tilespmem:$0x1E840] =	vst v63  }
0x4c: {  	_ =	swait.ge [sflag:s21], $0x4000  }
0x4d: {  	[sflag:s21] =	ssyncset.done $0x0  }
0x4e: {  	s11 =	simm.s32 $0x1600;
	[sflag:s21] =	ssyncadd.s32 $0xFFFFC000  }
0x4f: {  	[spmem:s1] =	stream.indirect.scatter.add.f32 [tilespmem:s19], [sflag:$0x3], $0x80, s11, s18, $0xb8;
	[tilespmem:$0x1E840] =	vst v63  }
0x50: {  	_ =	swait.ge [sflag:s22], $0x4000  }
0x51: {  	[sflag:s22] =	ssyncset.done $0x0  }
0x52: {  	s2 =	simm.s32 $0x1680;
	[sflag:s22] =	ssyncadd.s32 $0xFFFFC000  }
0x53: {  	[spmem:s1] =	stream.indirect.scatter.add.f32 [tilespmem:s20], [sflag:$0x4], $0x80, s2, s18, $0xb8;
	[tilespmem:$0x1E840] =	vst v63  }
0x54: {  	_ =	swait.ge [sflag:s24], $0x4000  }
0x55: {  	[sflag:s24] =	ssyncset.done $0x0  }
0x56: {  	s11 =	simm.s32 $0x300;
	[sflag:s24] =	ssyncadd.s32 $0xFFFFC000  }
0x57: {  	[tilespmem:s19], [sflag:$0x1] =	stream.indirect.gather [hbm4b:s6+s18], $0x80, s11, s18, $0xb8;
	[tilespmem:$0x1E840] =	vst v63  }
0x58: {  	_ =	swait.ge [sflag:s26], $0x4000  }
0x59: {  	[sflag:s26] =	ssyncset.done $0x0  }
0x5a: {  	s2 =	simm.s32 $0x380;
	[sflag:s26] =	ssyncadd.s32 $0xFFFFC000  }
0x5b: {  	[tilespmem:s20], [sflag:$0x2] =	stream.indirect.gather [hbm4b:s6+s18], $0x80, s2, s18, $0xb8;
	[tilespmem:$0x1E840] =	vst v63  }
0x5c: {  	_ =	swait.ge [sflag:s21], $0x4000  }
0x5d: {  	[sflag:s21] =	ssyncset.done $0x0  }
0x5e: {  	s11 =	simm.s32 $0x1700;
	[sflag:s21] =	ssyncadd.s32 $0xFFFFC000  }
0x5f: {  	[spmem:s1] =	stream.indirect.scatter.add.f32 [tilespmem:s19], [sflag:$0x3], $0x80, s11, s18, $0xb8;
	[tilespmem:$0x1E840] =	vst v63  }
0x60: {  	_ =	swait.ge [sflag:s22], $0x4000  }
0x61: {  	[sflag:s22] =	ssyncset.done $0x0  }
0x62: {  	s0 =	simm.s32 $0x800;
	s2 =	simm.s32 $0x1780;
	[sflag:s22] =	ssyncadd.s32 $0xFFFFC000  }
.LBB2_3:
0x63: {  	[spmem:s1] =	stream.indirect.scatter.add.f32 [tilespmem:s20], [sflag:$0x4], $0x80, s2, s18, $0xb8;
	[tilespmem:$0x1E840] =	vst v63  }
0x64: {  	s2 =	smov.u32 s0  }
0x65: {  	p1 =	sne.s32 s0, $0x4000;
	s0 =	sadd.s32 $0x800, s0;
	_ =	swait.ge [sflag:s24], $0x4000  }
0x66: {  	s2 =	sshra.s32 s2, $0x2;
	[sflag:s24] =	ssyncset.done $0x0  }
0x67: {  	s11 =	sadd.s32 $0x200, s2;
	[sflag:s24] =	ssyncadd.s32 $0xFFFFC000  }
0x68: {  	[tilespmem:s19], [sflag:$0x1] =	stream.indirect.gather [hbm4b:s6+s18], $0x80, s11, s18, $0xb8;
	[tilespmem:$0x1E840] =	vst v63  }
0x69: {  	_ =	swait.ge [sflag:s26], $0x4000  }
0x6a: {  	[sflag:s26] =	ssyncset.done $0x0  }
0x6b: {  	s11 =	sadd.s32 $0x280, s2;
	[sflag:s26] =	ssyncadd.s32 $0xFFFFC000  }
0x6c: {  	[tilespmem:s20], [sflag:$0x2] =	stream.indirect.gather [hbm4b:s6+s18], $0x80, s11, s18, $0xb8;
	[tilespmem:$0x1E840] =	vst v63  }
0x6d: {  	_ =	swait.ge [sflag:s21], $0x4000  }
0x6e: {  	[sflag:s21] =	ssyncset.done $0x0  }
0x6f: {  	s11 =	sadd.s32 $0x1600, s2;
	[sflag:s21] =	ssyncadd.s32 $0xFFFFC000  }
0x70: {  	[spmem:s1] =	stream.indirect.scatter.add.f32 [tilespmem:s19], [sflag:$0x3], $0x80, s11, s18, $0xb8;
	[tilespmem:$0x1E840] =	vst v63  }
0x71: {  	_ =	swait.ge [sflag:s22], $0x4000  }
0x72: {  	[sflag:s22] =	ssyncset.done $0x0  }
0x73: {  	s11 =	sadd.s32 $0x1680, s2;
	[sflag:s22] =	ssyncadd.s32 $0xFFFFC000  }
0x74: {  	[spmem:s1] =	stream.indirect.scatter.add.f32 [tilespmem:s20], [sflag:$0x4], $0x80, s11, s18, $0xb8;
	[tilespmem:$0x1E840] =	vst v63  }
0x75: {  	_ =	swait.ge [sflag:s24], $0x4000  }
0x76: {  	[sflag:s24] =	ssyncset.done $0x0  }
0x77: {  	s11 =	sadd.s32 $0x300, s2;
	[sflag:s24] =	ssyncadd.s32 $0xFFFFC000  }
0x78: {  	[tilespmem:s19], [sflag:$0x1] =	stream.indirect.gather [hbm4b:s6+s18], $0x80, s11, s18, $0xb8;
	[tilespmem:$0x1E840] =	vst v63  }
0x79: {  	_ =	swait.ge [sflag:s26], $0x4000  }
0x7a: {  	[sflag:s26] =	ssyncset.done $0x0  }
0x7b: {  	s11 =	sadd.s32 $0x380, s2;
	[sflag:s26] =	ssyncadd.s32 $0xFFFFC000  }
0x7c: {  	[tilespmem:s20], [sflag:$0x2] =	stream.indirect.gather [hbm4b:s6+s18], $0x80, s11, s18, $0xb8;
	[tilespmem:$0x1E840] =	vst v63  }
0x7d: {  	_ =	swait.ge [sflag:s21], $0x4000  }
0x7e: {  	[sflag:s21] =	ssyncset.done $0x0  }
.Ltmp0:
0x7f: {  	s11 =	sadd.s32 $0x1700, s2;
	[sflag:s21] =	ssyncadd.s32 $0xFFFFC000;
	(pc) =	sbr.rel @p1 .LBB2_3-.Ltmp0, $4  }
0x80: {  	[spmem:s1] =	stream.indirect.scatter.add.f32 [tilespmem:s19], [sflag:$0x3], $0x80, s11, s18, $0xb8;
	[tilespmem:$0x1E840] =	vst v63  }
0x81: {  	_ =	swait.ge [sflag:s22], $0x4000  }
0x82: {  	[sflag:s22] =	ssyncset.done $0x0  }
0x83: {  	s2 =	sadd.s32 $0x1780, s2;
	[sflag:s22] =	ssyncadd.s32 $0xFFFFC000  }
0x84: {  	[spmem:s1] =	stream.indirect.scatter.add.f32 [tilespmem:s20], [sflag:$0x4], $0x80, s2, s18, $0xb8;
	[tilespmem:$0x1E840] =	vst v63  }
0x85: {  	s31 =	sadd.s32 $0x1, s31  }
0x86: {  	_ =	swait.ge [sflag:s24], $0x4000;
	p1 =	sne.s32 s31, $0x4  }
.Ltmp1:
0x87: {  	[sflag:s24] =	ssyncset.done $0x0;
	(pc) =	sbr.rel @p1 .LBB2_2-.Ltmp1, $4  }
0x88: {  	[sflag:s24] =	ssyncadd.s32 $0xFFFFC000  }
0x89: {  	_ =	swait.ge [sflag:s26], $0x4000  }
0x8a: {  	[sflag:s26] =	ssyncset.done $0x0  }
0x8b: {  	[sflag:s26] =	ssyncadd.s32 $0xFFFFC000  }
0x8c: {  	s0 =	stileid.u32;
	[bflag:$0x0] =	sbarrier.arrive $0xFFFF;
	s3 =	sadd.s32 $0x1, s3  }
0x8d: {  	s2 =	sshrl.u32 s9, $0x3;
	s0 =	sshll.u32 s0, $0x6;
	p1 =	sne.s32 s3, s12  }
.Ltmp2:
0x8e: {  	s11 =	rddreg [dreg:$0x3];
	s0 =	sor.u32 $0x1C05, s0;
	(pc) =	sbr.rel @p1 .LBB2_1-.Ltmp2, $4  }
0x8f: {  	[hbm:s11], [sflag:s0] =	dma.local [spmem:s2], $0x2800  }
0x90: {  	_ =	swait.ge [sflag:s16], $0x2800  }
0x91: {  	[sflag:s16] =	ssyncset.done $0x0  }
0x92: {  	[sflag:s16] =	ssyncadd.s32 $0xFFFFD800  }
0x93: {  	_ =	sfence.sel $0x180000  }
0x94: {  	[bflag:$0x0] =	sbarrier.arrive $0xFFFF  }
0x95: {  	_ =	strace $0x9000004A  }
0x96: {  	s0 =	stileid.u32;
	[bflag:$0x2] =	sbarrier.arrive $0xFFFF  }
0x97: {  	p0 =	sne.s32 s0, $0x0;
	s0 =	rddreg [dreg:$0x2]  }
0x98: {  	s0 =	sadd.s32 @!p0 $0x100000, s0  }
0x99: {  	[sflag:s0] =	ssyncadd.tile.s32 @!p0 $0x1;
	_ =	shalt  }
.Lfunc_end2:
_tile_overlayer_lowered:
.L_overlay_start_2:
0x9a: {  	(tag) =	ssettag $0x2  }
0x9b: {  	s0 =	rddreg [dreg:$0x0];
	s2 =	stileid.u32  }
0x9c: {  	s1 =	rddreg [dreg:$0x1];
	p0 =	sne.s32 s2, $0x0  }
0x9d: {  	s3 =	rddreg [dreg:$0x2];
	[bflag:$0x3] =	sbarrier.arrive $0xFFFF;
	s2 =	simm.s32 @!p0 $0x1C05  }
0x9e: {  	[timem:s3], [sflag:s2] =	dma.local @!p0 [hbm:s0], s1  }
0x9f: {  	s0 =	simm.s32 @!p0 $0x5  }
0xa0: {  	_ =	swait.ge @!p0 [sflag:s0], s1  }
0xa1: {  	s1 =	ssub.s32 @!p0 $0x0, s1;
	[sflag:s0] =	ssyncset.done @!p0 $0x0  }
0xa2: {  	[sflag:s0] =	ssyncadd.s32 @!p0 s1  }
0xa3: {  	[bflag:$0x3] =	sbarrier.arrive $0xFFFF  }
0xa4: {  	_ =	shalt  }

</sc_bundles>
